<compile_context>
chip_gen: v7x
topology: tpu7x:2x2x1
jax: 0.10.2.dev20260603
libtpu: 0.0.44.dev20260713+nightly
codegen_flags: <defaults>
</compile_context>

<pallas_src>
import functools
import math

import jax
import jax.numpy as jnp
from jax import lax
from jax.experimental import pallas as pl
from jax.experimental.pallas import tpu as pltpu
from jax.experimental.pallas import tpu_sc as plsc

_NW = 32
_W = 80
_LN_EPS = 1e-5
_VN_EPS = 1e-6



def _bf16_bits(x):
    r = x.astype(jnp.bfloat16).astype(jnp.float32)
    return lax.bitcast_convert_type(r, jnp.int32)


def _pack2(lo, hi):
    w = lax.shift_right_logical(_bf16_bits(lo), 16) | _bf16_bits(hi)
    return lax.bitcast_convert_type(w, jnp.float32)


def _unpack_lo(w):
    wi = lax.bitcast_convert_type(w, jnp.int32)
    return lax.bitcast_convert_type(lax.shift_left(wi, 16), jnp.float32)


def _unpack_hi(w):
    wi = lax.bitcast_convert_type(w, jnp.int32)
    return lax.bitcast_convert_type(wi & jnp.int32(-65536), jnp.float32)


def _node_body(h_ref, topo_ref, invar_ref,
               wkh_ref, wkt_ref, wki_ref, b1k_ref,
               wvh_ref, wvt_ref, wvi_ref, b1v_ref,
               w1q_ref, b1q_ref, gq_ref, betaq_ref, w2q_ref, b2q_ref,
               wsrc_ref, td_ref, ts_ref):
    h = h_ref[...]
    topo = topo_ref[...]
    invar = invar_ref[...]
    adk = h @ wkh_ref[...] + topo @ wkt_ref[...] + invar @ wki_ref[...] + b1k_ref[...]
    adv = h @ wvh_ref[...] + topo @ wvt_ref[...] + invar @ wvi_ref[...] + b1v_ref[...]
    y = h @ w1q_ref[...] + b1q_ref[...]
    mu = jnp.mean(y, axis=-1, keepdims=True)
    var = jnp.mean((y - mu) ** 2, axis=-1, keepdims=True)
    z = (y - mu) * lax.rsqrt(var + _LN_EPS) * gq_ref[...] + betaq_ref[...]
    z = jnp.maximum(z, 0.0)
    q = z @ w2q_ref[...] + b2q_ref[...]
    td_ref[...] = _pack2(jnp.concatenate([adk, adv], axis=1),
                         jnp.concatenate([q, jnp.zeros_like(q)], axis=1))
    asrc = h @ wsrc_ref[...]
    ts_ref[...] = _pack2(asrc[:, 0:128], asrc[:, 128:256])


def _ln_relu(y, g, beta):
    mu = jnp.mean(y, axis=-1, keepdims=True)
    var = jnp.mean((y - mu) ** 2, axis=-1, keepdims=True)
    z = (y - mu) * lax.rsqrt(var + _LN_EPS) * g + beta
    return jnp.maximum(z, 0.0)


def _edge_body(gd_ref, gh_ref, ef_ref, rf_ref, ew_ref, rx_ref,
               wef_ref,
               gk_ref, betak_ref, w2k_ref, b2k_ref,
               gv_ref, betav_ref, w2vr_ref, b2vr_ref, sr_ref, rmat_ref,
               out_ref):
    wd = gd_ref[...]
    ws = gh_ref[...]
    ad = _unpack_lo(wd)
    qg = _unpack_hi(wd)[:, 0:128]
    wef = wef_ref[...]
    ep = ef_ref[...] @ wef[0:16] + rf_ref[...] @ wef[16:32]
    y1k = ad[:, 0:128] + _unpack_lo(ws) + ep[:, 0:128]
    y1v = ad[:, 128:256] + _unpack_hi(ws) + ep[:, 128:256]
    zk = _ln_relu(y1k, gk_ref[...], betak_ref[...])
    zv = _ln_relu(y1v, gv_ref[...], betav_ref[...])
    kk = zk @ w2k_ref[...] + b2k_ref[...]
    exr = jnp.exp((qg * kk) @ sr_ref[...])
    vsr = zv @ w2vr_ref[...] + b2vr_ref[...]
    rxin = jnp.concatenate(
        [jnp.ones_like(ew_ref[...]), rx_ref[...] * ew_ref[...]], axis=1)
    out_ref[...] = exr * vsr * (rxin @ rmat_ref[...])


def _final_body(acc_ref, x_ref, lse_ref,
                wf0_ref, wfo_ref, wfl_ref, wd0_ref, wdo_ref, wdl_ref,
                out_ref):
    a = acc_ref[0] + acc_ref[1]
    denom = a[:, 0:16] + 1e-16
    ods, ps, ds_ = [], [], []
    for d in range(3):
        od = a[:, 16 * (d + 1):16 * (d + 2)] / denom
        xd = x_ref[:, d:d + 1]
        ld = lse_ref[d]
        ods.append(od)
        ps.append(xd * wf0_ref[...] + od @ wfo_ref[...] + ld @ wfl_ref[...])
        ds_.append(xd * wd0_ref[...] + od @ wdo_ref[...] + ld @ wdl_ref[...])
    dot = ps[0] * ds_[0] + ps[1] * ds_[1] + ps[2] * ds_[2]
    dns = ds_[0] * ds_[0] + ds_[1] * ds_[1] + ds_[2] * ds_[2]
    coef = dot / (dns + _VN_EPS)
    fneg = jnp.where(dot >= 0, 0.0, 0.8)
    cols = []
    for d in range(3):
        vn = ps[d] - fneg * coef * ds_[d]
        cols.append(jnp.mean(ods[d], axis=1, keepdims=True)
                    + jnp.mean(vn, axis=1, keepdims=True))
    out_ref[...] = jnp.concatenate(cols, axis=1)



def _sc_gather(tdst, hsrc, dst, src):
    e = dst.shape[0]
    epw = e // _NW
    wb = 128
    nfull = epw // wb
    tail = epw - nfull * wb
    npair = nfull // 2
    odd = nfull % 2
    dt = tdst.shape[1]
    dh = hsrc.shape[1]
    mesh = plsc.VectorSubcoreMesh(core_axis_name="c", subcore_axis_name="s")

    @functools.partial(
        pl.kernel,
        out_type=[jax.ShapeDtypeStruct((e, dt), jnp.float32),
                  jax.ShapeDtypeStruct((e, dh), jnp.float32)],
        mesh=mesh,
        scratch_types=[
            pltpu.VMEM((epw,), jnp.int32),
            pltpu.VMEM((epw,), jnp.int32),
            pltpu.VMEM((2, wb, dt), jnp.float32),
            pltpu.VMEM((2, wb, dh), jnp.float32),
            pltpu.SemaphoreType.DMA,
            pltpu.SemaphoreType.DMA,
            pltpu.SemaphoreType.DMA,
            pltpu.SemaphoreType.DMA,
        ])
    def run(tdst_hbm, h_hbm, di_hbm, si_hbm, gd_hbm, gh_hbm,
            dia, sia, drows, hrows, sgd, sgh, swd, swh):
        cid = lax.axis_index("c")
        sid = lax.axis_index("s")
        wid = sid * 2 + cid
        base0 = wid * epw
        pltpu.sync_copy(di_hbm.at[pl.ds(base0, epw)], dia)
        pltpu.sync_copy(si_hbm.at[pl.ds(base0, epw)], sia)

        def one(w, b, drain):
            base = base0 + w * wb
            off = w * wb
            if drain is not None:
                @pl.when(drain)
                def _():
                    pltpu.make_async_copy(
                        drows.at[b], gd_hbm.at[pl.ds(base0, wb)], swd).wait()
                    pltpu.make_async_copy(
                        hrows.at[b], gh_hbm.at[pl.ds(base0, wb)], swh).wait()
            cp1 = pltpu.async_copy(
                tdst_hbm.at[dia.at[pl.ds(off, wb)]], drows.at[b], sgd)
            cp2 = pltpu.async_copy(
                h_hbm.at[sia.at[pl.ds(off, wb)]], hrows.at[b], sgh)
            cp1.wait()
            cp2.wait()
            pltpu.async_copy(drows.at[b], gd_hbm.at[pl.ds(base, wb)], swd)
            pltpu.async_copy(hrows.at[b], gh_hbm.at[pl.ds(base, wb)], swh)

        def pair(g, carry):
            for b in range(2):
                one(2 * g + b, b, g >= 1)
            return carry

        lax.fori_loop(0, npair, pair, 0)
        if odd:
            one(nfull - 1, 0, npair >= 1)
        for b in range(2):
            pltpu.make_async_copy(
                drows.at[b], gd_hbm.at[pl.ds(base0, wb)], swd).wait()
            pltpu.make_async_copy(
                hrows.at[b], gh_hbm.at[pl.ds(base0, wb)], swh).wait()
        if tail:
            toff = nfull * wb
            tbase = base0 + toff
            cp1 = pltpu.async_copy(
                tdst_hbm.at[dia.at[pl.ds(toff, tail)]],
                drows.at[0].at[pl.ds(0, tail)], sgd)
            cp2 = pltpu.async_copy(
                h_hbm.at[sia.at[pl.ds(toff, tail)]],
                hrows.at[0].at[pl.ds(0, tail)], sgh)
            cp1.wait()
            cp2.wait()
            pltpu.sync_copy(drows.at[0].at[pl.ds(0, tail)],
                            gd_hbm.at[pl.ds(tbase, tail)])
            pltpu.sync_copy(hrows.at[0].at[pl.ds(0, tail)],
                            gh_hbm.at[pl.ds(tbase, tail)])

    return run(tdst, hsrc, dst, src)


def _sc_scatter(m, dst, zeros, n):
    e = dst.shape[0]
    epw = e // _NW
    wb = 128
    nfull = epw // wb
    tail = epw - nfull * wb
    npair = nfull // 2
    odd = nfull % 2
    npt = zeros.shape[0]
    n_pad = npt * 16
    mesh = plsc.VectorSubcoreMesh(core_axis_name="c", subcore_axis_name="s")

    @functools.partial(
        pl.kernel,
        out_type=jax.ShapeDtypeStruct((2, n_pad, 128), jnp.float32),
        mesh=mesh,
        scratch_types=[
            pltpu.VMEM((2, wb, 128), jnp.float32),
            pltpu.VMEM((2, wb), jnp.int32),
            pltpu.VMEM((max(tail, 8), 128), jnp.float32),
            pltpu.VMEM((max(tail, 8),), jnp.int32),
            pltpu.VMEM_SHARED((n_pad, 128), jnp.float32),
            pltpu.SemaphoreType.DMA,
            pltpu.SemaphoreType.DMA,
            pltpu.SemaphoreType.DMA,
        ])
    def run(m_hbm, di_hbm, z_hbm, acc_hbm, mb, dib, mtl, dtl, shared,
            slm, sli, ssc):
        cid = lax.axis_index("c")
        sid = lax.axis_index("s")
        wid = sid * 2 + cid
        base0 = wid * epw

        pltpu.sync_copy(z_hbm, shared.at[pl.ds(sid * npt, npt)])
        plsc.subcore_barrier()

        def one(w, b, drain):
            base = base0 + w * wb
            if drain is not None:
                @pl.when(drain)
                def _():
                    pltpu.make_async_copy(
                        mb.at[b], shared.at[pl.ds(0, wb)], ssc).wait()
            cp1 = pltpu.async_copy(m_hbm.at[pl.ds(base, wb)], mb.at[b], slm)
            cp2 = pltpu.async_copy(di_hbm.at[pl.ds(base, wb)], dib.at[b], sli)
            cp1.wait()
            cp2.wait()
            pltpu.async_copy(mb.at[b], shared.at[dib.at[b]], ssc, add=True)

        def pair(g, carry):
            for b in range(2):
                one(2 * g + b, b, g >= 1)
            return carry

        lax.fori_loop(0, npair, pair, 0)
        if odd:
            one(nfull - 1, 0, npair >= 1)
        for b in range(2):
            pltpu.make_async_copy(
                mb.at[b], shared.at[pl.ds(0, wb)], ssc).wait()
        if tail:
            tbase = base0 + nfull * wb
            pltpu.sync_copy(m_hbm.at[pl.ds(tbase, tail)], mtl)
            pltpu.sync_copy(di_hbm.at[pl.ds(tbase, tail)], dtl)
            pltpu.sync_copy(mtl, shared.at[dtl], add=True)
        plsc.subcore_barrier()
        pltpu.sync_copy(shared.at[pl.ds(sid * npt, npt)],
                        acc_hbm.at[cid].at[pl.ds(sid * npt, npt)])

    return run(m, dst, zeros)



def kernel(h, x, rel_x, r_feat, edge_feat, invar_ligand_shape,
           ligand_shape_emb, topo_out, e_w, params, edge_index):
    n, in_dim = h.shape
    e = rel_x.shape[0]
    pk, pv, pq = params['xk'], params['xv'], params['xq']

    w1k, w1v = pk['W1'], pv['W1']
    wkh, wkt, wki = w1k[32:160], w1k[288:416], w1k[416:448]
    wvh, wvt, wvi = w1v[32:160], w1v[288:416], w1v[416:448]
    wsrc = jnp.concatenate([w1k[160:288], w1v[160:288]], axis=1)
    wef = jnp.concatenate([w1k[0:32], w1v[0:32]], axis=1)
    b1k = pk['b1'][None, :]
    b1v = pv['b1'][None, :]
    s = jnp.kron(jnp.eye(16, dtype=jnp.float32),
                 jnp.ones((8, 1), jnp.float32)) * (1.0 / math.sqrt(8.0))
    z128_64 = jnp.zeros((128, 64), jnp.float32)
    sr = jnp.concatenate([jnp.tile(s, (1, 4)), z128_64], axis=1)
    w2vr = jnp.concatenate([jnp.zeros((128, 16), jnp.float32),
                            jnp.tile(pv['W2'], (1, 3)), z128_64], axis=1)
    b2vr = jnp.concatenate([jnp.ones((16,), jnp.float32),
                            jnp.tile(pv['b2'], 3),
                            jnp.zeros((64,), jnp.float32)])[None, :]
    rmat = jnp.kron(jnp.eye(4, dtype=jnp.float32),
                    jnp.ones((1, 16), jnp.float32))
    rmat = jnp.concatenate([rmat, jnp.zeros((4, 64), jnp.float32)], axis=1)

    src = edge_index[0]
    dst = edge_index[1]

    bn = 1000
    node_ws = [wkh, wkt, wki, b1k, wvh, wvt, wvi, b1v,
               pq['W1'], pq['b1'][None, :], pq['g'][None, :],
               pq['beta'][None, :], pq['W2'], pq['b2'][None, :], wsrc]
    tdst, tsrc = pl.pallas_call(
        _node_body,
        grid=(n // bn,),
        in_specs=[pl.BlockSpec((bn, in_dim), lambda i: (i, 0)),
                  pl.BlockSpec((bn, 128), lambda i: (i, 0)),
                  pl.BlockSpec((bn, 32), lambda i: (i, 0))]
                 + [pl.BlockSpec(w.shape, lambda i, nd=w.ndim: (0,) * nd)
                    for w in node_ws],
        out_specs=[pl.BlockSpec((bn, 256), lambda i: (i, 0)),
                   pl.BlockSpec((bn, 128), lambda i: (i, 0))],
        out_shape=[jax.ShapeDtypeStruct((n, 256), jnp.float32),
                   jax.ShapeDtypeStruct((n, 128), jnp.float32)],
    )(h, topo_out, invar_ligand_shape, *node_ws)

    gdst, gh = _sc_gather(tdst, tsrc, dst, src)

    be = 3200
    edge_ws = [wef,
               pk['g'][None, :], pk['beta'][None, :], pk['W2'], pk['b2'][None, :],
               pv['g'][None, :], pv['beta'][None, :], w2vr, b2vr, sr, rmat]
    m = pl.pallas_call(
        _edge_body,
        grid=(e // be,),
        in_specs=[pl.BlockSpec((be, 256), lambda i: (i, 0)),
                  pl.BlockSpec((be, 128), lambda i: (i, 0)),
                  pl.BlockSpec((be, 16), lambda i: (i, 0)),
                  pl.BlockSpec((be, 16), lambda i: (i, 0)),
                  pl.BlockSpec((be, 1), lambda i: (i, 0)),
                  pl.BlockSpec((be, 3), lambda i: (i, 0))]
                 + [pl.BlockSpec(w.shape, lambda i, nd=w.ndim: (0,) * nd)
                    for w in edge_ws],
        out_specs=pl.BlockSpec((be, 128), lambda i: (i, 0)),
        out_shape=jax.ShapeDtypeStruct((e, 128), jnp.float32),
    )(gdst, gh, edge_feat, r_feat, e_w[:, None], rel_x, *edge_ws)

    npt = ((n + 15) // 16 + 7) // 8 * 8
    zeros = jnp.zeros((npt, 128), jnp.float32)
    acc = _sc_scatter(m, dst, zeros, n)

    bf = 1000
    lse_t = jnp.transpose(ligand_shape_emb, (2, 0, 1))
    wf, wd = params['Wf'], params['Wd']
    head_ws = [wf[0:1], wf[1:17], wf[17:49], wd[0:1], wd[1:17], wd[17:49]]
    out = pl.pallas_call(
        _final_body,
        grid=(n // bf,),
        in_specs=[pl.BlockSpec((2, bf, 128), lambda i: (0, i, 0)),
                  pl.BlockSpec((bf, 3), lambda i: (i, 0)),
                  pl.BlockSpec((3, bf, 32), lambda i: (0, i, 0))]
                 + [pl.BlockSpec(w.shape, lambda i, nd=w.ndim: (0,) * nd)
                    for w in head_ws],
        out_specs=pl.BlockSpec((bf, 3), lambda i: (i, 0)),
        out_shape=jax.ShapeDtypeStruct((n, 3), jnp.float32),
    )(acc, x, lse_t, *head_ws)
    return out

# --- scband reference (transcript-rebuilt; emitter-appended) ---
"""Pipeline reference for scband-base-h2-xatt-layer-66391604461750 (READ-ONLY COPY).

The authoritative reference and input builder live on the scoring server;
editing this copy changes nothing except your own understanding.
"""

import jax, jax.numpy as jnp
import numpy as np

N = 10000
E = 320000
IN_DIM = 128
HID = 128
OUT_DIM = 128
NH = 16
EDGE_F = 16
R_F = 16
SHAPE_DIM = 32
KV_IN = IN_DIM * 2 + EDGE_F + R_F + SHAPE_DIM + HID
EPS = 1e-6


def _mlp_params(key, din, dhid, dout):
    k1, k2 = jax.random.split(key)
    s1 = 1.0 / np.sqrt(din)
    s2 = 1.0 / np.sqrt(dhid)
    return {
        'W1': jax.random.uniform(k1, (din, dhid), minval=-s1, maxval=s1, dtype=jnp.float32),
        'b1': jnp.zeros((dhid,), jnp.float32),
        'g': jnp.ones((dhid,), jnp.float32),
        'beta': jnp.zeros((dhid,), jnp.float32),
        'W2': jax.random.uniform(k2, (dhid, dout), minval=-s2, maxval=s2, dtype=jnp.float32),
        'b2': jnp.zeros((dout,), jnp.float32),
    }


def setup_inputs(seed: int = 0):
    key = jax.random.key(seed)
    ks = jax.random.split(key, 16)
    sc = 1.0 / np.sqrt(NH + SHAPE_DIM + 1)
    params = {
        'xk': _mlp_params(ks[10], KV_IN, HID, OUT_DIM),
        'xv': _mlp_params(ks[11], KV_IN, HID, NH),
        'xq': _mlp_params(ks[12], IN_DIM, HID, OUT_DIM),
        'Wf': jax.random.uniform(ks[13], (NH + SHAPE_DIM + 1, NH), minval=-sc, maxval=sc, dtype=jnp.float32),
        'Wd': jax.random.uniform(ks[14], (NH + SHAPE_DIM + 1, NH), minval=-sc, maxval=sc, dtype=jnp.float32),
    }
    return {
        'h': jax.random.normal(ks[0], (N, IN_DIM), dtype=jnp.float32),
        'x': jax.random.normal(ks[1], (N, 3), dtype=jnp.float32),
        'rel_x': jax.random.normal(ks[2], (E, 3), dtype=jnp.float32),
        'r_feat': jax.random.normal(ks[3], (E, R_F), dtype=jnp.float32),
        'edge_feat': jax.random.normal(ks[4], (E, EDGE_F), dtype=jnp.float32),
        'invar_ligand_shape': jax.random.normal(ks[6], (N, SHAPE_DIM), dtype=jnp.float32),
        'ligand_shape_emb': jax.random.normal(ks[7], (N, SHAPE_DIM, 3), dtype=jnp.float32),
        'topo_out': jax.random.normal(ks[8], (N, HID), dtype=jnp.float32),
        'e_w': jax.random.uniform(ks[9], (E,), dtype=jnp.float32),
        'params': params,
        'edge_index': jax.random.randint(ks[5], (2, E), 0, N, dtype=jnp.int32),
    }


def _mlp(p, x):
    y = x @ p['W1'] + p['b1']
    mu = jnp.mean(y, axis=-1, keepdims=True)
    var = jnp.var(y, axis=-1, keepdims=True)
    y = (y - mu) / jnp.sqrt(var + 1e-5) * p['g'] + p['beta']
    y = jax.nn.relu(y)
    return y @ p['W2'] + p['b2']


def _vn_lrelu(x, Wf, Wd, negative_slope=0.2):
    p = jnp.einsum('ncd,co->nod', x, Wf)
    d = jnp.einsum('ncd,co->nod', x, Wd)
    dotprod = jnp.sum(p * d, axis=2, keepdims=True)
    mask = (dotprod >= 0).astype(p.dtype)
    d_norm_sq = jnp.sum(d * d, axis=2, keepdims=True)
    return negative_slope * p + (1 - negative_slope) * (mask * p + (1 - mask) * (p - (dotprod / (d_norm_sq + EPS)) * d))


def reference(h, x, rel_x, r_feat, edge_feat, invar_ligand_shape, ligand_shape_emb, topo_out, e_w, params, edge_index):
    src = edge_index[0]
    dst = edge_index[1]
    kv_input = jnp.concatenate([r_feat, h[dst], h[src]], axis=-1)
    kv_input = jnp.concatenate([edge_feat, kv_input], axis=-1)
    kv_input = jnp.concatenate([kv_input, topo_out[dst]], axis=-1)
    kv_input = jnp.concatenate([kv_input, invar_ligand_shape[dst]], axis=-1)
    k = _mlp(params['xk'], kv_input).reshape(-1, NH, OUT_DIM // NH)
    v = _mlp(params['xv'], kv_input)
    v = v * e_w.reshape(-1, 1)
    v = v[:, :, None] * rel_x[:, None, :]
    q = _mlp(params['xq'], h).reshape(-1, NH, OUT_DIM // NH)
    logits = jnp.sum(q[dst] * k / np.sqrt(k.shape[-1]), axis=-1)
    mx = jax.ops.segment_max(logits, dst, num_segments=N)
    mx = jnp.where(jnp.isfinite(mx), mx, 0.0)
    ex = jnp.exp(logits - mx[dst])
    denom = jax.ops.segment_sum(ex, dst, num_segments=N)
    alpha = ex / (denom[dst] + 1e-16)
    m = alpha[:, :, None] * v
    output = jax.ops.segment_sum(m, dst, num_segments=N)
    tmp = jnp.concatenate([x[:, None, :], output, ligand_shape_emb], axis=1)
    res = jnp.mean(_vn_lrelu(tmp, params['Wf'], params['Wd']), axis=1)
    return jnp.mean(output, axis=1) + res

if __name__ == "__main__":
    import jax
    _d = setup_inputs()
    print(jax.jit(kernel)(*tuple(_d.values())))

</pallas_src>

<mosaic_0001>
#map = affine_map<(d0, d1) -> (0, 0)>
#map1 = affine_map<(d0, d1) -> (0)>
module attributes {stable_mosaic.version = 14 : i64} {
  func.func @run(%arg0: i32, %arg1: i32, %arg2: memref<10000x256xf32, #tpu.memory_space<hbm>>, %arg3: memref<10000x128xf32, #tpu.memory_space<hbm>>, %arg4: memref<320000xi32, #tpu.memory_space<hbm>>, %arg5: memref<320000xi32, #tpu.memory_space<hbm>>, %arg6: memref<320000x256xf32, #tpu.memory_space<hbm>>, %arg7: memref<320000x128xf32, #tpu.memory_space<hbm>>, %arg8: memref<10000xi32, #tpu.memory_space<vmem>>, %arg9: memref<10000xi32, #tpu.memory_space<vmem>>, %arg10: memref<2x128x256xf32, #tpu.memory_space<vmem>>, %arg11: memref<2x128x128xf32, #tpu.memory_space<vmem>>, %arg12: memref<!tpu.dma_semaphore, #tpu.memory_space<semaphore_mem>>, %arg13: memref<!tpu.dma_semaphore, #tpu.memory_space<semaphore_mem>>, %arg14: memref<!tpu.dma_semaphore, #tpu.memory_space<semaphore_mem>>, %arg15: memref<!tpu.dma_semaphore, #tpu.memory_space<semaphore_mem>>) attributes {dimension_semantics = [#tpu.dimension_semantics<core_parallel>, #tpu.dimension_semantics<subcore_parallel>], iteration_bounds = array<i64: 2, 16>, scalar_prefetch = 0 : i64, scratch_operands = 8 : i64, tpu.core_type = #tpu.core_type<sc_vector_subcore>, window_params = [{transform_indices = #map}, {transform_indices = #map}, {transform_indices = #map1}, {transform_indices = #map1}, {transform_indices = #map}, {transform_indices = #map}]} {
    %mul3A = arith.constant 2 : i32
    %mul3A_0 = arith.muli %arg1, %mul3A : i32
    %add3A = arith.addi %mul3A_0, %arg0 : i32
    %mul3A_1 = arith.constant 10000 : i32
    %mul3A_2 = arith.muli %add3A, %mul3A_1 : i32
    "tpu.region"() ({
      %run_scoped3A_113 = tpu.sem_alloc : memref<!tpu.dma_semaphore, #tpu.memory_space<semaphore_mem>>
      %dma_start3A_114 = tpu.memref_slice %arg4[%mul3A_2] : memref<320000xi32, #tpu.memory_space<hbm>> -> memref<10000xi32, #tpu.memory_space<hbm>>
      %dma_start3A_115 = tpu.memref_slice %arg4[%mul3A_2] : memref<320000xi32, #tpu.memory_space<hbm>> -> memref<10000xi32, #tpu.memory_space<hbm>>
      tpu.enqueue_dma source(%dma_start3A_115 : memref<10000xi32, #tpu.memory_space<hbm>>) target(%arg8 : memref<10000xi32, #tpu.memory_space<vmem>>) target_semaphore(%run_scoped3A_113 : memref<!tpu.dma_semaphore, #tpu.memory_space<semaphore_mem>>)
      %dma_wait3A_116 = tpu.memref_slice %arg4[%mul3A_2] : memref<320000xi32, #tpu.memory_space<hbm>> -> memref<10000xi32, #tpu.memory_space<hbm>>
      %dma_wait3A_117 = tpu.memref_slice %arg4[%mul3A_2] : memref<320000xi32, #tpu.memory_space<hbm>> -> memref<10000xi32, #tpu.memory_space<hbm>>
      tpu.wait_dma2 semaphore(%run_scoped3A_113 : memref<!tpu.dma_semaphore, #tpu.memory_space<semaphore_mem>>) src(%dma_wait3A_117 : memref<10000xi32, #tpu.memory_space<hbm>>) dst(%arg8 : memref<10000xi32, #tpu.memory_space<vmem>>)
      tpu.yield
    }) : () -> ()
    "tpu.region"() ({
      %run_scoped3A_113 = tpu.sem_alloc : memref<!tpu.dma_semaphore, #tpu.memory_space<semaphore_mem>>
      %dma_start3A_114 = tpu.memref_slice %arg5[%mul3A_2] : memref<320000xi32, #tpu.memory_space<hbm>> -> memref<10000xi32, #tpu.memory_space<hbm>>
      %dma_start3A_115 = tpu.memref_slice %arg5[%mul3A_2] : memref<320000xi32, #tpu.memory_space<hbm>> -> memref<10000xi32, #tpu.memory_space<hbm>>
      tpu.enqueue_dma source(%dma_start3A_115 : memref<10000xi32, #tpu.memory_space<hbm>>) target(%arg9 : memref<10000xi32, #tpu.memory_space<vmem>>) target_semaphore(%run_scoped3A_113 : memref<!tpu.dma_semaphore, #tpu.memory_space<semaphore_mem>>)
      %dma_wait3A_116 = tpu.memref_slice %arg5[%mul3A_2] : memref<320000xi32, #tpu.memory_space<hbm>> -> memref<10000xi32, #tpu.memory_space<hbm>>
      %dma_wait3A_117 = tpu.memref_slice %arg5[%mul3A_2] : memref<320000xi32, #tpu.memory_space<hbm>> -> memref<10000xi32, #tpu.memory_space<hbm>>
      tpu.wait_dma2 semaphore(%run_scoped3A_113 : memref<!tpu.dma_semaphore, #tpu.memory_space<semaphore_mem>>) src(%dma_wait3A_117 : memref<10000xi32, #tpu.memory_space<hbm>>) dst(%arg9 : memref<10000xi32, #tpu.memory_space<vmem>>)
      tpu.yield
    }) : () -> ()
    %scan3A = arith.constant 0 : i32
    %scan3A_3 = arith.constant 0 : i32
    %scan3A_4 = arith.constant 39 : i32
    %scan3A_5 = arith.addi %scan3A_3, %scan3A_4 : i32
    %scan3A_6 = arith.constant 1 : i32
    scf.for %scan3A_113 = %scan3A_3 to %scan3A_5 step %scan3A_6  : i32 {
      %mul3A_114 = arith.constant 2 : i32
      %mul3A_115 = arith.muli %mul3A_114, %scan3A_113 : i32
      %add3A_116 = arith.constant 0 : i32
      %add3A_117 = arith.addi %mul3A_115, %add3A_116 : i32
      %ge3A = arith.constant 1 : i32
      %ge3A_118 = arith.cmpi sge, %scan3A_113, %ge3A : i32
      %mul3A_119 = arith.constant 128 : i32
      %mul3A_120 = arith.muli %add3A_117, %mul3A_119 : i32
      %add3A_121 = arith.addi %mul3A_2, %mul3A_120 : i32
      %mul3A_122 = arith.constant 128 : i32
      %mul3A_123 = arith.muli %add3A_117, %mul3A_122 : i32
      %convert_element_type3A = arith.extui %ge3A_118 : i1 to i32
      %cond3A = arith.constant 0 : i32
      %cond3A_124 = arith.cmpi ne, %convert_element_type3A, %cond3A : i32
      scf.if %cond3A_124 {
        %dma_wait3A_263 = arith.constant 0 : i32
        %dma_wait3A_264 = arith.constant 0 : i32
        %dma_wait3A_265 = arith.constant 0 : i32
        %dma_wait3A_266 = tpu.memref_slice %arg10[%dma_wait3A_263, %dma_wait3A_264, %dma_wait3A_265] : memref<2x128x256xf32, #tpu.memory_space<vmem>> -> memref<1x128x256xf32, #tpu.memory_space<vmem>>
        %dma_wait3A_267 = tpu.memref_squeeze %dma_wait3A_266 : memref<1x128x256xf32, #tpu.memory_space<vmem>> -> memref<128x256xf32, #tpu.memory_space<vmem>>
        %dma_wait3A_268 = arith.constant 0 : i32
        %dma_wait3A_269 = tpu.memref_slice %arg6[%mul3A_2, %dma_wait3A_268] : memref<320000x256xf32, #tpu.memory_space<hbm>> -> memref<128x256xf32, #tpu.memory_space<hbm>>
        %dma_wait3A_270 = arith.constant 0 : i32
        %dma_wait3A_271 = tpu.memref_slice %arg6[%mul3A_2, %dma_wait3A_270] : memref<320000x256xf32, #tpu.memory_space<hbm>> -> memref<128x256xf32, #tpu.memory_space<hbm>>
        %dma_wait3A_272 = arith.constant 0 : i32
        %dma_wait3A_273 = arith.constant 0 : i32
        %dma_wait3A_274 = tpu.memref_slice %arg10[%dma_wait3A_263, %dma_wait3A_272, %dma_wait3A_273] : memref<2x128x256xf32, #tpu.memory_space<vmem>> -> memref<1x128x256xf32, #tpu.memory_space<vmem>>
        %dma_wait3A_275 = tpu.memref_squeeze %dma_wait3A_274 : memref<1x128x256xf32, #tpu.memory_space<vmem>> -> memref<128x256xf32, #tpu.memory_space<vmem>>
        tpu.wait_dma2 semaphore(%arg14 : memref<!tpu.dma_semaphore, #tpu.memory_space<semaphore_mem>>) src(%dma_wait3A_275 : memref<128x256xf32, #tpu.memory_space<vmem>>) dst(%dma_wait3A_271 : memref<128x256xf32, #tpu.memory_space<hbm>>)
        %dma_wait3A_276 = arith.constant 0 : i32
        %dma_wait3A_277 = arith.constant 0 : i32
        %dma_wait3A_278 = arith.constant 0 : i32
        %dma_wait3A_279 = tpu.memref_slice %arg11[%dma_wait3A_276, %dma_wait3A_277, %dma_wait3A_278] : memref<2x128x128xf32, #tpu.memory_space<vmem>> -> memref<1x128x128xf32, #tpu.memory_space<vmem>>
        %dma_wait3A_280 = tpu.memref_squeeze %dma_wait3A_279 : memref<1x128x128xf32, #tpu.memory_space<vmem>> -> memref<128x128xf32, #tpu.memory_space<vmem>>
        %dma_wait3A_281 = arith.constant 0 : i32
        %dma_wait3A_282 = tpu.memref_slice %arg7[%mul3A_2, %dma_wait3A_281] : memref<320000x128xf32, #tpu.memory_space<hbm>> -> memref<128x128xf32, #tpu.memory_space<hbm>>
        %dma_wait3A_283 = arith.constant 0 : i32
        %dma_wait3A_284 = tpu.memref_slice %arg7[%mul3A_2, %dma_wait3A_283] : memref<320000x128xf32, #tpu.memory_space<hbm>> -> memref<128x128xf32, #tpu.memory_space<hbm>>
        %dma_wait3A_285 = arith.constant 0 : i32
        %dma_wait3A_286 = arith.constant 0 : i32
        %dma_wait3A_287 = tpu.memref_slice %arg11[%dma_wait3A_276, %dma_wait3A_285, %dma_wait3A_286] : memref<2x128x128xf32, #tpu.memory_space<vmem>> -> memref<1x128x128xf32, #tpu.memory_space<vmem>>
        %dma_wait3A_288 = tpu.memref_squeeze %dma_wait3A_287 : memref<1x128x128xf32, #tpu.memory_space<vmem>> -> memref<128x128xf32, #tpu.memory_space<vmem>>
        tpu.wait_dma2 semaphore(%arg15 : memref<!tpu.dma_semaphore, #tpu.memory_space<semaphore_mem>>) src(%dma_wait3A_288 : memref<128x128xf32, #tpu.memory_space<vmem>>) dst(%dma_wait3A_284 : memref<128x128xf32, #tpu.memory_space<hbm>>)
      } else {
      }
      %dma_start3A_125 = arith.constant 0 : i32
      %dma_start3A_126 = arith.constant 0 : i32
      %dma_start3A_127 = arith.constant 0 : i32
      %dma_start3A_128 = tpu.memref_slice %arg10[%dma_start3A_125, %dma_start3A_126, %dma_start3A_127] : memref<2x128x256xf32, #tpu.memory_space<vmem>> -> memref<1x128x256xf32, #tpu.memory_space<vmem>>
      %dma_start3A_129 = tpu.memref_squeeze %dma_start3A_128 : memref<1x128x256xf32, #tpu.memory_space<vmem>> -> memref<128x256xf32, #tpu.memory_space<vmem>>
      %dma_start3A_130 = tpu.memref_slice %arg8[%mul3A_123] : memref<10000xi32, #tpu.memory_space<vmem>> -> memref<128xi32, #tpu.memory_space<vmem>>
      %dma_start3A_131 = arith.constant 0 : i32
      %dma_start3A_132 = arith.constant 0 : i32
      %dma_start3A_133 = tpu.memref_slice %arg2[%dma_start3A_131, %dma_start3A_132] : memref<10000x256xf32, #tpu.memory_space<hbm>> -> memref<10000x256xf32, #tpu.memory_space<hbm>>
      tpu.enqueue_indirect_dma source(%dma_start3A_133 : memref<10000x256xf32, #tpu.memory_space<hbm>>) target(%dma_start3A_129 : memref<128x256xf32, #tpu.memory_space<vmem>>) offsets(%dma_start3A_130 : memref<128xi32, #tpu.memory_space<vmem>>) semaphore(%arg12 : memref<!tpu.dma_semaphore, #tpu.memory_space<semaphore_mem>>)
      %dma_start3A_134 = arith.constant 0 : i32
      %dma_start3A_135 = arith.constant 0 : i32
      %dma_start3A_136 = arith.constant 0 : i32
      %dma_start3A_137 = tpu.memref_slice %arg11[%dma_start3A_134, %dma_start3A_135, %dma_start3A_136] : memref<2x128x128xf32, #tpu.memory_space<vmem>> -> memref<1x128x128xf32, #tpu.memory_space<vmem>>
      %dma_start3A_138 = tpu.memref_squeeze %dma_start3A_137 : memref<1x128x128xf32, #tpu.memory_space<vmem>> -> memref<128x128xf32, #tpu.memory_space<vmem>>
      %dma_start3A_139 = tpu.memref_slice %arg9[%mul3A_123] : memref<10000xi32, #tpu.memory_space<vmem>> -> memref<128xi32, #tpu.memory_space<vmem>>
      %dma_start3A_140 = arith.constant 0 : i32
      %dma_start3A_141 = arith.constant 0 : i32
      %dma_start3A_142 = tpu.memref_slice %arg3[%dma_start3A_140, %dma_start3A_141] : memref<10000x128xf32, #tpu.memory_space<hbm>> -> memref<10000x128xf32, #tpu.memory_space<hbm>>
      tpu.enqueue_indirect_dma source(%dma_start3A_142 : memref<10000x128xf32, #tpu.memory_space<hbm>>) target(%dma_start3A_138 : memref<128x128xf32, #tpu.memory_space<vmem>>) offsets(%dma_start3A_139 : memref<128xi32, #tpu.memory_space<vmem>>) semaphore(%arg13 : memref<!tpu.dma_semaphore, #tpu.memory_space<semaphore_mem>>)
      %dma_wait3A_143 = arith.constant 0 : i32
      %dma_wait3A_144 = arith.constant 0 : i32
      %dma_wait3A_145 = arith.constant 0 : i32
      %dma_wait3A_146 = tpu.memref_slice %arg10[%dma_wait3A_143, %dma_wait3A_144, %dma_wait3A_145] : memref<2x128x256xf32, #tpu.memory_space<vmem>> -> memref<1x128x256xf32, #tpu.memory_space<vmem>>
      %dma_wait3A_147 = tpu.memref_squeeze %dma_wait3A_146 : memref<1x128x256xf32, #tpu.memory_space<vmem>> -> memref<128x256xf32, #tpu.memory_space<vmem>>
      %dma_wait3A_148 = tpu.memref_slice %arg8[%mul3A_123] : memref<10000xi32, #tpu.memory_space<vmem>> -> memref<128xi32, #tpu.memory_space<vmem>>
      %dma_wait3A_149 = arith.constant 0 : i32
      %dma_wait3A_150 = arith.constant 0 : i32
      %dma_wait3A_151 = tpu.memref_slice %arg2[%dma_wait3A_149, %dma_wait3A_150] : memref<10000x256xf32, #tpu.memory_space<hbm>> -> memref<10000x256xf32, #tpu.memory_space<hbm>>
      tpu.wait_indirect_dma semaphore(%arg12 : memref<!tpu.dma_semaphore, #tpu.memory_space<semaphore_mem>>) src(%dma_wait3A_151 : memref<10000x256xf32, #tpu.memory_space<hbm>>) dst(%dma_wait3A_147 : memref<128x256xf32, #tpu.memory_space<vmem>>)
      %dma_wait3A_152 = arith.constant 0 : i32
      %dma_wait3A_153 = arith.constant 0 : i32
      %dma_wait3A_154 = arith.constant 0 : i32
      %dma_wait3A_155 = tpu.memref_slice %arg11[%dma_wait3A_152, %dma_wait3A_153, %dma_wait3A_154] : memref<2x128x128xf32, #tpu.memory_space<vmem>> -> memref<1x128x128xf32, #tpu.memory_space<vmem>>
      %dma_wait3A_156 = tpu.memref_squeeze %dma_wait3A_155 : memref<1x128x128xf32, #tpu.memory_space<vmem>> -> memref<128x128xf32, #tpu.memory_space<vmem>>
      %dma_wait3A_157 = tpu.memref_slice %arg9[%mul3A_123] : memref<10000xi32, #tpu.memory_space<vmem>> -> memref<128xi32, #tpu.memory_space<vmem>>
      %dma_wait3A_158 = arith.constant 0 : i32
      %dma_wait3A_159 = arith.constant 0 : i32
      %dma_wait3A_160 = tpu.memref_slice %arg3[%dma_wait3A_158, %dma_wait3A_159] : memref<10000x128xf32, #tpu.memory_space<hbm>> -> memref<10000x128xf32, #tpu.memory_space<hbm>>
      tpu.wait_indirect_dma semaphore(%arg13 : memref<!tpu.dma_semaphore, #tpu.memory_space<semaphore_mem>>) src(%dma_wait3A_160 : memref<10000x128xf32, #tpu.memory_space<hbm>>) dst(%dma_wait3A_156 : memref<128x128xf32, #tpu.memory_space<vmem>>)
      %dma_start3A_161 = arith.constant 0 : i32
      %dma_start3A_162 = arith.constant 0 : i32
      %dma_start3A_163 = arith.constant 0 : i32
      %dma_start3A_164 = tpu.memref_slice %arg10[%dma_start3A_161, %dma_start3A_162, %dma_start3A_163] : memref<2x128x256xf32, #tpu.memory_space<vmem>> -> memref<1x128x256xf32, #tpu.memory_space<vmem>>
      %dma_start3A_165 = tpu.memref_squeeze %dma_start3A_164 : memref<1x128x256xf32, #tpu.memory_space<vmem>> -> memref<128x256xf32, #tpu.memory_space<vmem>>
      %dma_start3A_166 = arith.constant 0 : i32
      %dma_start3A_167 = tpu.memref_slice %arg6[%add3A_121, %dma_start3A_166] : memref<320000x256xf32, #tpu.memory_space<hbm>> -> memref<128x256xf32, #tpu.memory_space<hbm>>
      %dma_start3A_168 = arith.constant 0 : i32
      %dma_start3A_169 = tpu.memref_slice %arg6[%add3A_121, %dma_start3A_168] : memref<320000x256xf32, #tpu.memory_space<hbm>> -> memref<128x256xf32, #tpu.memory_space<hbm>>
      %dma_start3A_170 = arith.constant 0 : i32
      %dma_start3A_171 = arith.constant 0 : i32
      %dma_start3A_172 = tpu.memref_slice %arg10[%dma_start3A_161, %dma_start3A_170, %dma_start3A_171] : memref<2x128x256xf32, #tpu.memory_space<vmem>> -> memref<1x128x256xf32, #tpu.memory_space<vmem>>
      %dma_start3A_173 = tpu.memref_squeeze %dma_start3A_172 : memref<1x128x256xf32, #tpu.memory_space<vmem>> -> memref<128x256xf32, #tpu.memory_space<vmem>>
      tpu.enqueue_dma source(%dma_start3A_173 : memref<128x256xf32, #tpu.memory_space<vmem>>) target(%dma_start3A_169 : memref<128x256xf32, #tpu.memory_space<hbm>>) target_semaphore(%arg14 : memref<!tpu.dma_semaphore, #tpu.memory_space<semaphore_mem>>)
      %dma_start3A_174 = arith.constant 0 : i32
      %dma_start3A_175 = arith.constant 0 : i32
      %dma_start3A_176 = arith.constant 0 : i32
      %dma_start3A_177 = tpu.memref_slice %arg11[%dma_start3A_174, %dma_start3A_175, %dma_start3A_176] : memref<2x128x128xf32, #tpu.memory_space<vmem>> -> memref<1x128x128xf32, #tpu.memory_space<vmem>>
      %dma_start3A_178 = tpu.memref_squeeze %dma_start3A_177 : memref<1x128x128xf32, #tpu.memory_space<vmem>> -> memref<128x128xf32, #tpu.memory_space<vmem>>
      %dma_start3A_179 = arith.constant 0 : i32
      %dma_start3A_180 = tpu.memref_slice %arg7[%add3A_121, %dma_start3A_179] : memref<320000x128xf32, #tpu.memory_space<hbm>> -> memref<128x128xf32, #tpu.memory_space<hbm>>
      %dma_start3A_181 = arith.constant 0 : i32
      %dma_start3A_182 = tpu.memref_slice %arg7[%add3A_121, %dma_start3A_181] : memref<320000x128xf32, #tpu.memory_space<hbm>> -> memref<128x128xf32, #tpu.memory_space<hbm>>
      %dma_start3A_183 = arith.constant 0 : i32
      %dma_start3A_184 = arith.constant 0 : i32
      %dma_start3A_185 = tpu.memref_slice %arg11[%dma_start3A_174, %dma_start3A_183, %dma_start3A_184] : memref<2x128x128xf32, #tpu.memory_space<vmem>> -> memref<1x128x128xf32, #tpu.memory_space<vmem>>
      %dma_start3A_186 = tpu.memref_squeeze %dma_start3A_185 : memref<1x128x128xf32, #tpu.memory_space<vmem>> -> memref<128x128xf32, #tpu.memory_space<vmem>>
      tpu.enqueue_dma source(%dma_start3A_186 : memref<128x128xf32, #tpu.memory_space<vmem>>) target(%dma_start3A_182 : memref<128x128xf32, #tpu.memory_space<hbm>>) target_semaphore(%arg15 : memref<!tpu.dma_semaphore, #tpu.memory_space<semaphore_mem>>)
      %mul3A_187 = arith.constant 2 : i32
      %mul3A_188 = arith.muli %mul3A_187, %scan3A_113 : i32
      %add3A_189 = arith.constant 1 : i32
      %add3A_190 = arith.addi %mul3A_188, %add3A_189 : i32
      %ge3A_191 = arith.constant 1 : i32
      %ge3A_192 = arith.cmpi sge, %scan3A_113, %ge3A_191 : i32
      %mul3A_193 = arith.constant 128 : i32
      %mul3A_194 = arith.muli %add3A_190, %mul3A_193 : i32
      %add3A_195 = arith.addi %mul3A_2, %mul3A_194 : i32
      %mul3A_196 = arith.constant 128 : i32
      %mul3A_197 = arith.muli %add3A_190, %mul3A_196 : i32
      %convert_element_type3A_198 = arith.extui %ge3A_192 : i1 to i32
      %cond3A_199 = arith.constant 0 : i32
      %cond3A_200 = arith.cmpi ne, %convert_element_type3A_198, %cond3A_199 : i32
      scf.if %cond3A_200 {
        %dma_wait3A_263 = arith.constant 1 : i32
        %dma_wait3A_264 = arith.constant 0 : i32
        %dma_wait3A_265 = arith.constant 0 : i32
        %dma_wait3A_266 = tpu.memref_slice %arg10[%dma_wait3A_263, %dma_wait3A_264, %dma_wait3A_265] : memref<2x128x256xf32, #tpu.memory_space<vmem>> -> memref<1x128x256xf32, #tpu.memory_space<vmem>>
        %dma_wait3A_267 = tpu.memref_squeeze %dma_wait3A_266 : memref<1x128x256xf32, #tpu.memory_space<vmem>> -> memref<128x256xf32, #tpu.memory_space<vmem>>
        %dma_wait3A_268 = arith.constant 0 : i32
        %dma_wait3A_269 = tpu.memref_slice %arg6[%mul3A_2, %dma_wait3A_268] : memref<320000x256xf32, #tpu.memory_space<hbm>> -> memref<128x256xf32, #tpu.memory_space<hbm>>
        %dma_wait3A_270 = arith.constant 0 : i32
        %dma_wait3A_271 = tpu.memref_slice %arg6[%mul3A_2, %dma_wait3A_270] : memref<320000x256xf32, #tpu.memory_space<hbm>> -> memref<128x256xf32, #tpu.memory_space<hbm>>
        %dma_wait3A_272 = arith.constant 0 : i32
        %dma_wait3A_273 = arith.constant 0 : i32
        %dma_wait3A_274 = tpu.memref_slice %arg10[%dma_wait3A_263, %dma_wait3A_272, %dma_wait3A_273] : memref<2x128x256xf32, #tpu.memory_space<vmem>> -> memref<1x128x256xf32, #tpu.memory_space<vmem>>
        %dma_wait3A_275 = tpu.memref_squeeze %dma_wait3A_274 : memref<1x128x256xf32, #tpu.memory_space<vmem>> -> memref<128x256xf32, #tpu.memory_space<vmem>>
        tpu.wait_dma2 semaphore(%arg14 : memref<!tpu.dma_semaphore, #tpu.memory_space<semaphore_mem>>) src(%dma_wait3A_275 : memref<128x256xf32, #tpu.memory_space<vmem>>) dst(%dma_wait3A_271 : memref<128x256xf32, #tpu.memory_space<hbm>>)
        %dma_wait3A_276 = arith.constant 1 : i32
        %dma_wait3A_277 = arith.constant 0 : i32
        %dma_wait3A_278 = arith.constant 0 : i32
        %dma_wait3A_279 = tpu.memref_slice %arg11[%dma_wait3A_276, %dma_wait3A_277, %dma_wait3A_278] : memref<2x128x128xf32, #tpu.memory_space<vmem>> -> memref<1x128x128xf32, #tpu.memory_space<vmem>>
        %dma_wait3A_280 = tpu.memref_squeeze %dma_wait3A_279 : memref<1x128x128xf32, #tpu.memory_space<vmem>> -> memref<128x128xf32, #tpu.memory_space<vmem>>
        %dma_wait3A_281 = arith.constant 0 : i32
        %dma_wait3A_282 = tpu.memref_slice %arg7[%mul3A_2, %dma_wait3A_281] : memref<320000x128xf32, #tpu.memory_space<hbm>> -> memref<128x128xf32, #tpu.memory_space<hbm>>
        %dma_wait3A_283 = arith.constant 0 : i32
        %dma_wait3A_284 = tpu.memref_slice %arg7[%mul3A_2, %dma_wait3A_283] : memref<320000x128xf32, #tpu.memory_space<hbm>> -> memref<128x128xf32, #tpu.memory_space<hbm>>
        %dma_wait3A_285 = arith.constant 0 : i32
        %dma_wait3A_286 = arith.constant 0 : i32
        %dma_wait3A_287 = tpu.memref_slice %arg11[%dma_wait3A_276, %dma_wait3A_285, %dma_wait3A_286] : memref<2x128x128xf32, #tpu.memory_space<vmem>> -> memref<1x128x128xf32, #tpu.memory_space<vmem>>
        %dma_wait3A_288 = tpu.memref_squeeze %dma_wait3A_287 : memref<1x128x128xf32, #tpu.memory_space<vmem>> -> memref<128x128xf32, #tpu.memory_space<vmem>>
        tpu.wait_dma2 semaphore(%arg15 : memref<!tpu.dma_semaphore, #tpu.memory_space<semaphore_mem>>) src(%dma_wait3A_288 : memref<128x128xf32, #tpu.memory_space<vmem>>) dst(%dma_wait3A_284 : memref<128x128xf32, #tpu.memory_space<hbm>>)
      } else {
      }
      %dma_start3A_201 = arith.constant 1 : i32
      %dma_start3A_202 = arith.constant 0 : i32
      %dma_start3A_203 = arith.constant 0 : i32
      %dma_start3A_204 = tpu.memref_slice %arg10[%dma_start3A_201, %dma_start3A_202, %dma_start3A_203] : memref<2x128x256xf32, #tpu.memory_space<vmem>> -> memref<1x128x256xf32, #tpu.memory_space<vmem>>
      %dma_start3A_205 = tpu.memref_squeeze %dma_start3A_204 : memref<1x128x256xf32, #tpu.memory_space<vmem>> -> memref<128x256xf32, #tpu.memory_space<vmem>>
      %dma_start3A_206 = tpu.memref_slice %arg8[%mul3A_197] : memref<10000xi32, #tpu.memory_space<vmem>> -> memref<128xi32, #tpu.memory_space<vmem>>
      %dma_start3A_207 = arith.constant 0 : i32
      %dma_start3A_208 = arith.constant 0 : i32
      %dma_start3A_209 = tpu.memref_slice %arg2[%dma_start3A_207, %dma_start3A_208] : memref<10000x256xf32, #tpu.memory_space<hbm>> -> memref<10000x256xf32, #tpu.memory_space<hbm>>
      tpu.enqueue_indirect_dma source(%dma_start3A_209 : memref<10000x256xf32, #tpu.memory_space<hbm>>) target(%dma_start3A_205 : memref<128x256xf32, #tpu.memory_space<vmem>>) offsets(%dma_start3A_206 : memref<128xi32, #tpu.memory_space<vmem>>) semaphore(%arg12 : memref<!tpu.dma_semaphore, #tpu.memory_space<semaphore_mem>>)
      %dma_start3A_210 = arith.constant 1 : i32
      %dma_start3A_211 = arith.constant 0 : i32
      %dma_start3A_212 = arith.constant 0 : i32
      %dma_start3A_213 = tpu.memref_slice %arg11[%dma_start3A_210, %dma_start3A_211, %dma_start3A_212] : memref<2x128x128xf32, #tpu.memory_space<vmem>> -> memref<1x128x128xf32, #tpu.memory_space<vmem>>
      %dma_start3A_214 = tpu.memref_squeeze %dma_start3A_213 : memref<1x128x128xf32, #tpu.memory_space<vmem>> -> memref<128x128xf32, #tpu.memory_space<vmem>>
      %dma_start3A_215 = tpu.memref_slice %arg9[%mul3A_197] : memref<10000xi32, #tpu.memory_space<vmem>> -> memref<128xi32, #tpu.memory_space<vmem>>
      %dma_start3A_216 = arith.constant 0 : i32
      %dma_start3A_217 = arith.constant 0 : i32
      %dma_start3A_218 = tpu.memref_slice %arg3[%dma_start3A_216, %dma_start3A_217] : memref<10000x128xf32, #tpu.memory_space<hbm>> -> memref<10000x128xf32, #tpu.memory_space<hbm>>
      tpu.enqueue_indirect_dma source(%dma_start3A_218 : memref<10000x128xf32, #tpu.memory_space<hbm>>) target(%dma_start3A_214 : memref<128x128xf32, #tpu.memory_space<vmem>>) offsets(%dma_start3A_215 : memref<128xi32, #tpu.memory_space<vmem>>) semaphore(%arg13 : memref<!tpu.dma_semaphore, #tpu.memory_space<semaphore_mem>>)
      %dma_wait3A_219 = arith.constant 1 : i32
      %dma_wait3A_220 = arith.constant 0 : i32
      %dma_wait3A_221 = arith.constant 0 : i32
      %dma_wait3A_222 = tpu.memref_slice %arg10[%dma_wait3A_219, %dma_wait3A_220, %dma_wait3A_221] : memref<2x128x256xf32, #tpu.memory_space<vmem>> -> memref<1x128x256xf32, #tpu.memory_space<vmem>>
      %dma_wait3A_223 = tpu.memref_squeeze %dma_wait3A_222 : memref<1x128x256xf32, #tpu.memory_space<vmem>> -> memref<128x256xf32, #tpu.memory_space<vmem>>
      %dma_wait3A_224 = tpu.memref_slice %arg8[%mul3A_197] : memref<10000xi32, #tpu.memory_space<vmem>> -> memref<128xi32, #tpu.memory_space<vmem>>
      %dma_wait3A_225 = arith.constant 0 : i32
      %dma_wait3A_226 = arith.constant 0 : i32
      %dma_wait3A_227 = tpu.memref_slice %arg2[%dma_wait3A_225, %dma_wait3A_226] : memref<10000x256xf32, #tpu.memory_space<hbm>> -> memref<10000x256xf32, #tpu.memory_space<hbm>>
      tpu.wait_indirect_dma semaphore(%arg12 : memref<!tpu.dma_semaphore, #tpu.memory_space<semaphore_mem>>) src(%dma_wait3A_227 : memref<10000x256xf32, #tpu.memory_space<hbm>>) dst(%dma_wait3A_223 : memref<128x256xf32, #tpu.memory_space<vmem>>)
      %dma_wait3A_228 = arith.constant 1 : i32
      %dma_wait3A_229 = arith.constant 0 : i32
      %dma_wait3A_230 = arith.constant 0 : i32
      %dma_wait3A_231 = tpu.memref_slice %arg11[%dma_wait3A_228, %dma_wait3A_229, %dma_wait3A_230] : memref<2x128x128xf32, #tpu.memory_space<vmem>> -> memref<1x128x128xf32, #tpu.memory_space<vmem>>
      %dma_wait3A_232 = tpu.memref_squeeze %dma_wait3A_231 : memref<1x128x128xf32, #tpu.memory_space<vmem>> -> memref<128x128xf32, #tpu.memory_space<vmem>>
      %dma_wait3A_233 = tpu.memref_slice %arg9[%mul3A_197] : memref<10000xi32, #tpu.memory_space<vmem>> -> memref<128xi32, #tpu.memory_space<vmem>>
      %dma_wait3A_234 = arith.constant 0 : i32
      %dma_wait3A_235 = arith.constant 0 : i32
      %dma_wait3A_236 = tpu.memref_slice %arg3[%dma_wait3A_234, %dma_wait3A_235] : memref<10000x128xf32, #tpu.memory_space<hbm>> -> memref<10000x128xf32, #tpu.memory_space<hbm>>
      tpu.wait_indirect_dma semaphore(%arg13 : memref<!tpu.dma_semaphore, #tpu.memory_space<semaphore_mem>>) src(%dma_wait3A_236 : memref<10000x128xf32, #tpu.memory_space<hbm>>) dst(%dma_wait3A_232 : memref<128x128xf32, #tpu.memory_space<vmem>>)
      %dma_start3A_237 = arith.constant 1 : i32
      %dma_start3A_238 = arith.constant 0 : i32
      %dma_start3A_239 = arith.constant 0 : i32
      %dma_start3A_240 = tpu.memref_slice %arg10[%dma_start3A_237, %dma_start3A_238, %dma_start3A_239] : memref<2x128x256xf32, #tpu.memory_space<vmem>> -> memref<1x128x256xf32, #tpu.memory_space<vmem>>
      %dma_start3A_241 = tpu.memref_squeeze %dma_start3A_240 : memref<1x128x256xf32, #tpu.memory_space<vmem>> -> memref<128x256xf32, #tpu.memory_space<vmem>>
      %dma_start3A_242 = arith.constant 0 : i32
      %dma_start3A_243 = tpu.memref_slice %arg6[%add3A_195, %dma_start3A_242] : memref<320000x256xf32, #tpu.memory_space<hbm>> -> memref<128x256xf32, #tpu.memory_space<hbm>>
      %dma_start3A_244 = arith.constant 0 : i32
      %dma_start3A_245 = tpu.memref_slice %arg6[%add3A_195, %dma_start3A_244] : memref<320000x256xf32, #tpu.memory_space<hbm>> -> memref<128x256xf32, #tpu.memory_space<hbm>>
      %dma_start3A_246 = arith.constant 0 : i32
      %dma_start3A_247 = arith.constant 0 : i32
      %dma_start3A_248 = tpu.memref_slice %arg10[%dma_start3A_237, %dma_start3A_246, %dma_start3A_247] : memref<2x128x256xf32, #tpu.memory_space<vmem>> -> memref<1x128x256xf32, #tpu.memory_space<vmem>>
      %dma_start3A_249 = tpu.memref_squeeze %dma_start3A_248 : memref<1x128x256xf32, #tpu.memory_space<vmem>> -> memref<128x256xf32, #tpu.memory_space<vmem>>
      tpu.enqueue_dma source(%dma_start3A_249 : memref<128x256xf32, #tpu.memory_space<vmem>>) target(%dma_start3A_245 : memref<128x256xf32, #tpu.memory_space<hbm>>) target_semaphore(%arg14 : memref<!tpu.dma_semaphore, #tpu.memory_space<semaphore_mem>>)
      %dma_start3A_250 = arith.constant 1 : i32
      %dma_start3A_251 = arith.constant 0 : i32
      %dma_start3A_252 = arith.constant 0 : i32
      %dma_start3A_253 = tpu.memref_slice %arg11[%dma_start3A_250, %dma_start3A_251, %dma_start3A_252] : memref<2x128x128xf32, #tpu.memory_space<vmem>> -> memref<1x128x128xf32, #tpu.memory_space<vmem>>
      %dma_start3A_254 = tpu.memref_squeeze %dma_start3A_253 : memref<1x128x128xf32, #tpu.memory_space<vmem>> -> memref<128x128xf32, #tpu.memory_space<vmem>>
      %dma_start3A_255 = arith.constant 0 : i32
      %dma_start3A_256 = tpu.memref_slice %arg7[%add3A_195, %dma_start3A_255] : memref<320000x128xf32, #tpu.memory_space<hbm>> -> memref<128x128xf32, #tpu.memory_space<hbm>>
      %dma_start3A_257 = arith.constant 0 : i32
      %dma_start3A_258 = tpu.memref_slice %arg7[%add3A_195, %dma_start3A_257] : memref<320000x128xf32, #tpu.memory_space<hbm>> -> memref<128x128xf32, #tpu.memory_space<hbm>>
      %dma_start3A_259 = arith.constant 0 : i32
      %dma_start3A_260 = arith.constant 0 : i32
      %dma_start3A_261 = tpu.memref_slice %arg11[%dma_start3A_250, %dma_start3A_259, %dma_start3A_260] : memref<2x128x128xf32, #tpu.memory_space<vmem>> -> memref<1x128x128xf32, #tpu.memory_space<vmem>>
      %dma_start3A_262 = tpu.memref_squeeze %dma_start3A_261 : memref<1x128x128xf32, #tpu.memory_space<vmem>> -> memref<128x128xf32, #tpu.memory_space<vmem>>
      tpu.enqueue_dma source(%dma_start3A_262 : memref<128x128xf32, #tpu.memory_space<vmem>>) target(%dma_start3A_258 : memref<128x128xf32, #tpu.memory_space<hbm>>) target_semaphore(%arg15 : memref<!tpu.dma_semaphore, #tpu.memory_space<semaphore_mem>>)
    }
    %scan3A_7 = arith.constant 39 : i32
    %dma_wait3A = arith.constant 0 : i32
    %dma_wait3A_8 = arith.constant 0 : i32
    %dma_wait3A_9 = arith.constant 0 : i32
    %dma_wait3A_10 = tpu.memref_slice %arg10[%dma_wait3A, %dma_wait3A_8, %dma_wait3A_9] : memref<2x128x256xf32, #tpu.memory_space<vmem>> -> memref<1x128x256xf32, #tpu.memory_space<vmem>>
    %dma_wait3A_11 = tpu.memref_squeeze %dma_wait3A_10 : memref<1x128x256xf32, #tpu.memory_space<vmem>> -> memref<128x256xf32, #tpu.memory_space<vmem>>
    %dma_wait3A_12 = arith.constant 0 : i32
    %dma_wait3A_13 = tpu.memref_slice %arg6[%mul3A_2, %dma_wait3A_12] : memref<320000x256xf32, #tpu.memory_space<hbm>> -> memref<128x256xf32, #tpu.memory_space<hbm>>
    %dma_wait3A_14 = arith.constant 0 : i32
    %dma_wait3A_15 = tpu.memref_slice %arg6[%mul3A_2, %dma_wait3A_14] : memref<320000x256xf32, #tpu.memory_space<hbm>> -> memref<128x256xf32, #tpu.memory_space<hbm>>
    %dma_wait3A_16 = arith.constant 0 : i32
    %dma_wait3A_17 = arith.constant 0 : i32
    %dma_wait3A_18 = tpu.memref_slice %arg10[%dma_wait3A, %dma_wait3A_16, %dma_wait3A_17] : memref<2x128x256xf32, #tpu.memory_space<vmem>> -> memref<1x128x256xf32, #tpu.memory_space<vmem>>
    %dma_wait3A_19 = tpu.memref_squeeze %dma_wait3A_18 : memref<1x128x256xf32, #tpu.memory_space<vmem>> -> memref<128x256xf32, #tpu.memory_space<vmem>>
    tpu.wait_dma2 semaphore(%arg14 : memref<!tpu.dma_semaphore, #tpu.memory_space<semaphore_mem>>) src(%dma_wait3A_19 : memref<128x256xf32, #tpu.memory_space<vmem>>) dst(%dma_wait3A_15 : memref<128x256xf32, #tpu.memory_space<hbm>>)
    %dma_wait3A_20 = arith.constant 0 : i32
    %dma_wait3A_21 = arith.constant 0 : i32
    %dma_wait3A_22 = arith.constant 0 : i32
    %dma_wait3A_23 = tpu.memref_slice %arg11[%dma_wait3A_20, %dma_wait3A_21, %dma_wait3A_22] : memref<2x128x128xf32, #tpu.memory_space<vmem>> -> memref<1x128x128xf32, #tpu.memory_space<vmem>>
    %dma_wait3A_24 = tpu.memref_squeeze %dma_wait3A_23 : memref<1x128x128xf32, #tpu.memory_space<vmem>> -> memref<128x128xf32, #tpu.memory_space<vmem>>
    %dma_wait3A_25 = arith.constant 0 : i32
    %dma_wait3A_26 = tpu.memref_slice %arg7[%mul3A_2, %dma_wait3A_25] : memref<320000x128xf32, #tpu.memory_space<hbm>> -> memref<128x128xf32, #tpu.memory_space<hbm>>
    %dma_wait3A_27 = arith.constant 0 : i32
    %dma_wait3A_28 = tpu.memref_slice %arg7[%mul3A_2, %dma_wait3A_27] : memref<320000x128xf32, #tpu.memory_space<hbm>> -> memref<128x128xf32, #tpu.memory_space<hbm>>
    %dma_wait3A_29 = arith.constant 0 : i32
    %dma_wait3A_30 = arith.constant 0 : i32
    %dma_wait3A_31 = tpu.memref_slice %arg11[%dma_wait3A_20, %dma_wait3A_29, %dma_wait3A_30] : memref<2x128x128xf32, #tpu.memory_space<vmem>> -> memref<1x128x128xf32, #tpu.memory_space<vmem>>
    %dma_wait3A_32 = tpu.memref_squeeze %dma_wait3A_31 : memref<1x128x128xf32, #tpu.memory_space<vmem>> -> memref<128x128xf32, #tpu.memory_space<vmem>>
    tpu.wait_dma2 semaphore(%arg15 : memref<!tpu.dma_semaphore, #tpu.memory_space<semaphore_mem>>) src(%dma_wait3A_32 : memref<128x128xf32, #tpu.memory_space<vmem>>) dst(%dma_wait3A_28 : memref<128x128xf32, #tpu.memory_space<hbm>>)
    %dma_wait3A_33 = arith.constant 1 : i32
    %dma_wait3A_34 = arith.constant 0 : i32
    %dma_wait3A_35 = arith.constant 0 : i32
    %dma_wait3A_36 = tpu.memref_slice %arg10[%dma_wait3A_33, %dma_wait3A_34, %dma_wait3A_35] : memref<2x128x256xf32, #tpu.memory_space<vmem>> -> memref<1x128x256xf32, #tpu.memory_space<vmem>>
    %dma_wait3A_37 = tpu.memref_squeeze %dma_wait3A_36 : memref<1x128x256xf32, #tpu.memory_space<vmem>> -> memref<128x256xf32, #tpu.memory_space<vmem>>
    %dma_wait3A_38 = arith.constant 0 : i32
    %dma_wait3A_39 = tpu.memref_slice %arg6[%mul3A_2, %dma_wait3A_38] : memref<320000x256xf32, #tpu.memory_space<hbm>> -> memref<128x256xf32, #tpu.memory_space<hbm>>
    %dma_wait3A_40 = arith.constant 0 : i32
    %dma_wait3A_41 = tpu.memref_slice %arg6[%mul3A_2, %dma_wait3A_40] : memref<320000x256xf32, #tpu.memory_space<hbm>> -> memref<128x256xf32, #tpu.memory_space<hbm>>
    %dma_wait3A_42 = arith.constant 0 : i32
    %dma_wait3A_43 = arith.constant 0 : i32
    %dma_wait3A_44 = tpu.memref_slice %arg10[%dma_wait3A_33, %dma_wait3A_42, %dma_wait3A_43] : memref<2x128x256xf32, #tpu.memory_space<vmem>> -> memref<1x128x256xf32, #tpu.memory_space<vmem>>
    %dma_wait3A_45 = tpu.memref_squeeze %dma_wait3A_44 : memref<1x128x256xf32, #tpu.memory_space<vmem>> -> memref<128x256xf32, #tpu.memory_space<vmem>>
    tpu.wait_dma2 semaphore(%arg14 : memref<!tpu.dma_semaphore, #tpu.memory_space<semaphore_mem>>) src(%dma_wait3A_45 : memref<128x256xf32, #tpu.memory_space<vmem>>) dst(%dma_wait3A_41 : memref<128x256xf32, #tpu.memory_space<hbm>>)
    %dma_wait3A_46 = arith.constant 1 : i32
    %dma_wait3A_47 = arith.constant 0 : i32
    %dma_wait3A_48 = arith.constant 0 : i32
    %dma_wait3A_49 = tpu.memref_slice %arg11[%dma_wait3A_46, %dma_wait3A_47, %dma_wait3A_48] : memref<2x128x128xf32, #tpu.memory_space<vmem>> -> memref<1x128x128xf32, #tpu.memory_space<vmem>>
    %dma_wait3A_50 = tpu.memref_squeeze %dma_wait3A_49 : memref<1x128x128xf32, #tpu.memory_space<vmem>> -> memref<128x128xf32, #tpu.memory_space<vmem>>
    %dma_wait3A_51 = arith.constant 0 : i32
    %dma_wait3A_52 = tpu.memref_slice %arg7[%mul3A_2, %dma_wait3A_51] : memref<320000x128xf32, #tpu.memory_space<hbm>> -> memref<128x128xf32, #tpu.memory_space<hbm>>
    %dma_wait3A_53 = arith.constant 0 : i32
    %dma_wait3A_54 = tpu.memref_slice %arg7[%mul3A_2, %dma_wait3A_53] : memref<320000x128xf32, #tpu.memory_space<hbm>> -> memref<128x128xf32, #tpu.memory_space<hbm>>
    %dma_wait3A_55 = arith.constant 0 : i32
    %dma_wait3A_56 = arith.constant 0 : i32
    %dma_wait3A_57 = tpu.memref_slice %arg11[%dma_wait3A_46, %dma_wait3A_55, %dma_wait3A_56] : memref<2x128x128xf32, #tpu.memory_space<vmem>> -> memref<1x128x128xf32, #tpu.memory_space<vmem>>
    %dma_wait3A_58 = tpu.memref_squeeze %dma_wait3A_57 : memref<1x128x128xf32, #tpu.memory_space<vmem>> -> memref<128x128xf32, #tpu.memory_space<vmem>>
    tpu.wait_dma2 semaphore(%arg15 : memref<!tpu.dma_semaphore, #tpu.memory_space<semaphore_mem>>) src(%dma_wait3A_58 : memref<128x128xf32, #tpu.memory_space<vmem>>) dst(%dma_wait3A_54 : memref<128x128xf32, #tpu.memory_space<hbm>>)
    %add3A_59 = arith.constant 9984 : i32
    %add3A_60 = arith.addi %mul3A_2, %add3A_59 : i32
    %dma_start3A = arith.constant 0 : i32
    %dma_start3A_61 = arith.constant 0 : i32
    %dma_start3A_62 = arith.constant 0 : i32
    %dma_start3A_63 = tpu.memref_slice %arg10[%dma_start3A, %dma_start3A_61, %dma_start3A_62] : memref<2x128x256xf32, #tpu.memory_space<vmem>> -> memref<1x128x256xf32, #tpu.memory_space<vmem>>
    %dma_start3A_64 = tpu.memref_squeeze %dma_start3A_63 : memref<1x128x256xf32, #tpu.memory_space<vmem>> -> memref<128x256xf32, #tpu.memory_space<vmem>>
    %dma_start3A_65 = arith.constant 0 : i32
    %dma_start3A_66 = arith.constant 0 : i32
    %dma_start3A_67 = tpu.memref_slice %dma_start3A_64[%dma_start3A_65, %dma_start3A_66] : memref<128x256xf32, #tpu.memory_space<vmem>> -> memref<16x256xf32, #tpu.memory_space<vmem>>
    %dma_start3A_68 = arith.constant 9984 : i32
    %dma_start3A_69 = tpu.memref_slice %arg8[%dma_start3A_68] : memref<10000xi32, #tpu.memory_space<vmem>> -> memref<16xi32, #tpu.memory_space<vmem>>
    %dma_start3A_70 = arith.constant 0 : i32
    %dma_start3A_71 = arith.constant 0 : i32
    %dma_start3A_72 = tpu.memref_slice %arg2[%dma_start3A_70, %dma_start3A_71] : memref<10000x256xf32, #tpu.memory_space<hbm>> -> memref<10000x256xf32, #tpu.memory_space<hbm>>
    tpu.enqueue_indirect_dma source(%dma_start3A_72 : memref<10000x256xf32, #tpu.memory_space<hbm>>) target(%dma_start3A_67 : memref<16x256xf32, #tpu.memory_space<vmem>>) offsets(%dma_start3A_69 : memref<16xi32, #tpu.memory_space<vmem>>) semaphore(%arg12 : memref<!tpu.dma_semaphore, #tpu.memory_space<semaphore_mem>>)
    %dma_start3A_73 = arith.constant 0 : i32
    %dma_start3A_74 = arith.constant 0 : i32
    %dma_start3A_75 = arith.constant 0 : i32
    %dma_start3A_76 = tpu.memref_slice %arg11[%dma_start3A_73, %dma_start3A_74, %dma_start3A_75] : memref<2x128x128xf32, #tpu.memory_space<vmem>> -> memref<1x128x128xf32, #tpu.memory_space<vmem>>
    %dma_start3A_77 = tpu.memref_squeeze %dma_start3A_76 : memref<1x128x128xf32, #tpu.memory_space<vmem>> -> memref<128x128xf32, #tpu.memory_space<vmem>>
    %dma_start3A_78 = arith.constant 0 : i32
    %dma_start3A_79 = arith.constant 0 : i32
    %dma_start3A_80 = tpu.memref_slice %dma_start3A_77[%dma_start3A_78, %dma_start3A_79] : memref<128x128xf32, #tpu.memory_space<vmem>> -> memref<16x128xf32, #tpu.memory_space<vmem>>
    %dma_start3A_81 = arith.constant 9984 : i32
    %dma_start3A_82 = tpu.memref_slice %arg9[%dma_start3A_81] : memref<10000xi32, #tpu.memory_space<vmem>> -> memref<16xi32, #tpu.memory_space<vmem>>
    %dma_start3A_83 = arith.constant 0 : i32
    %dma_start3A_84 = arith.constant 0 : i32
    %dma_start3A_85 = tpu.memref_slice %arg3[%dma_start3A_83, %dma_start3A_84] : memref<10000x128xf32, #tpu.memory_space<hbm>> -> memref<10000x128xf32, #tpu.memory_space<hbm>>
    tpu.enqueue_indirect_dma source(%dma_start3A_85 : memref<10000x128xf32, #tpu.memory_space<hbm>>) target(%dma_start3A_80 : memref<16x128xf32, #tpu.memory_space<vmem>>) offsets(%dma_start3A_82 : memref<16xi32, #tpu.memory_space<vmem>>) semaphore(%arg13 : memref<!tpu.dma_semaphore, #tpu.memory_space<semaphore_mem>>)
    %dma_wait3A_86 = arith.constant 0 : i32
    %dma_wait3A_87 = arith.constant 0 : i32
    %dma_wait3A_88 = arith.constant 0 : i32
    %dma_wait3A_89 = tpu.memref_slice %arg10[%dma_wait3A_86, %dma_wait3A_87, %dma_wait3A_88] : memref<2x128x256xf32, #tpu.memory_space<vmem>> -> memref<1x128x256xf32, #tpu.memory_space<vmem>>
    %dma_wait3A_90 = tpu.memref_squeeze %dma_wait3A_89 : memref<1x128x256xf32, #tpu.memory_space<vmem>> -> memref<128x256xf32, #tpu.memory_space<vmem>>
    %dma_wait3A_91 = arith.constant 0 : i32
    %dma_wait3A_92 = arith.constant 0 : i32
    %dma_wait3A_93 = tpu.memref_slice %dma_wait3A_90[%dma_wait3A_91, %dma_wait3A_92] : memref<128x256xf32, #tpu.memory_space<vmem>> -> memref<16x256xf32, #tpu.memory_space<vmem>>
    %dma_wait3A_94 = arith.constant 9984 : i32
    %dma_wait3A_95 = tpu.memref_slice %arg8[%dma_wait3A_94] : memref<10000xi32, #tpu.memory_space<vmem>> -> memref<16xi32, #tpu.memory_space<vmem>>
    %dma_wait3A_96 = arith.constant 0 : i32
    %dma_wait3A_97 = arith.constant 0 : i32
    %dma_wait3A_98 = tpu.memref_slice %arg2[%dma_wait3A_96, %dma_wait3A_97] : memref<10000x256xf32, #tpu.memory_space<hbm>> -> memref<10000x256xf32, #tpu.memory_space<hbm>>
    tpu.wait_indirect_dma semaphore(%arg12 : memref<!tpu.dma_semaphore, #tpu.memory_space<semaphore_mem>>) src(%dma_wait3A_98 : memref<10000x256xf32, #tpu.memory_space<hbm>>) dst(%dma_wait3A_93 : memref<16x256xf32, #tpu.memory_space<vmem>>)
    %dma_wait3A_99 = arith.constant 0 : i32
    %dma_wait3A_100 = arith.constant 0 : i32
    %dma_wait3A_101 = arith.constant 0 : i32
    %dma_wait3A_102 = tpu.memref_slice %arg11[%dma_wait3A_99, %dma_wait3A_100, %dma_wait3A_101] : memref<2x128x128xf32, #tpu.memory_space<vmem>> -> memref<1x128x128xf32, #tpu.memory_space<vmem>>
    %dma_wait3A_103 = tpu.memref_squeeze %dma_wait3A_102 : memref<1x128x128xf32, #tpu.memory_space<vmem>> -> memref<128x128xf32, #tpu.memory_space<vmem>>
    %dma_wait3A_104 = arith.constant 0 : i32
    %dma_wait3A_105 = arith.constant 0 : i32
    %dma_wait3A_106 = tpu.memref_slice %dma_wait3A_103[%dma_wait3A_104, %dma_wait3A_105] : memref<128x128xf32, #tpu.memory_space<vmem>> -> memref<16x128xf32, #tpu.memory_space<vmem>>
    %dma_wait3A_107 = arith.constant 9984 : i32
    %dma_wait3A_108 = tpu.memref_slice %arg9[%dma_wait3A_107] : memref<10000xi32, #tpu.memory_space<vmem>> -> memref<16xi32, #tpu.memory_space<vmem>>
    %dma_wait3A_109 = arith.constant 0 : i32
    %dma_wait3A_110 = arith.constant 0 : i32
    %dma_wait3A_111 = tpu.memref_slice %arg3[%dma_wait3A_109, %dma_wait3A_110] : memref<10000x128xf32, #tpu.memory_space<hbm>> -> memref<10000x128xf32, #tpu.memory_space<hbm>>
    tpu.wait_indirect_dma semaphore(%arg13 : memref<!tpu.dma_semaphore, #tpu.memory_space<semaphore_mem>>) src(%dma_wait3A_111 : memref<10000x128xf32, #tpu.memory_space<hbm>>) dst(%dma_wait3A_106 : memref<16x128xf32, #tpu.memory_space<vmem>>)
    %run_scoped3A = arith.constant 0 : i32
    "tpu.region"() ({
      %run_scoped3A_113 = tpu.sem_alloc : memref<!tpu.dma_semaphore, #tpu.memory_space<semaphore_mem>>
      %dma_start3A_114 = arith.constant 0 : i32
      %dma_start3A_115 = arith.constant 0 : i32
      %dma_start3A_116 = tpu.memref_slice %arg10[%run_scoped3A, %dma_start3A_114, %dma_start3A_115] : memref<2x128x256xf32, #tpu.memory_space<vmem>> -> memref<1x128x256xf32, #tpu.memory_space<vmem>>
      %dma_start3A_117 = tpu.memref_squeeze %dma_start3A_116 : memref<1x128x256xf32, #tpu.memory_space<vmem>> -> memref<128x256xf32, #tpu.memory_space<vmem>>
      %dma_start3A_118 = arith.constant 0 : i32
      %dma_start3A_119 = arith.constant 0 : i32
      %dma_start3A_120 = tpu.memref_slice %dma_start3A_117[%dma_start3A_118, %dma_start3A_119] : memref<128x256xf32, #tpu.memory_space<vmem>> -> memref<16x256xf32, #tpu.memory_space<vmem>>
      %dma_start3A_121 = arith.constant 0 : i32
      %dma_start3A_122 = tpu.memref_slice %arg6[%add3A_60, %dma_start3A_121] : memref<320000x256xf32, #tpu.memory_space<hbm>> -> memref<16x256xf32, #tpu.memory_space<hbm>>
      %dma_start3A_123 = arith.constant 0 : i32
      %dma_start3A_124 = tpu.memref_slice %arg6[%add3A_60, %dma_start3A_123] : memref<320000x256xf32, #tpu.memory_space<hbm>> -> memref<16x256xf32, #tpu.memory_space<hbm>>
      %dma_start3A_125 = arith.constant 0 : i32
      %dma_start3A_126 = arith.constant 0 : i32
      %dma_start3A_127 = tpu.memref_slice %arg10[%run_scoped3A, %dma_start3A_125, %dma_start3A_126] : memref<2x128x256xf32, #tpu.memory_space<vmem>> -> memref<1x128x256xf32, #tpu.memory_space<vmem>>
      %dma_start3A_128 = tpu.memref_squeeze %dma_start3A_127 : memref<1x128x256xf32, #tpu.memory_space<vmem>> -> memref<128x256xf32, #tpu.memory_space<vmem>>
      %dma_start3A_129 = arith.constant 0 : i32
      %dma_start3A_130 = arith.constant 0 : i32
      %dma_start3A_131 = tpu.memref_slice %dma_start3A_128[%dma_start3A_129, %dma_start3A_130] : memref<128x256xf32, #tpu.memory_space<vmem>> -> memref<16x256xf32, #tpu.memory_space<vmem>>
      tpu.enqueue_dma source(%dma_start3A_131 : memref<16x256xf32, #tpu.memory_space<vmem>>) target(%dma_start3A_124 : memref<16x256xf32, #tpu.memory_space<hbm>>) target_semaphore(%run_scoped3A_113 : memref<!tpu.dma_semaphore, #tpu.memory_space<semaphore_mem>>)
      %dma_wait3A_132 = arith.constant 0 : i32
      %dma_wait3A_133 = arith.constant 0 : i32
      %dma_wait3A_134 = tpu.memref_slice %arg10[%run_scoped3A, %dma_wait3A_132, %dma_wait3A_133] : memref<2x128x256xf32, #tpu.memory_space<vmem>> -> memref<1x128x256xf32, #tpu.memory_space<vmem>>
      %dma_wait3A_135 = tpu.memref_squeeze %dma_wait3A_134 : memref<1x128x256xf32, #tpu.memory_space<vmem>> -> memref<128x256xf32, #tpu.memory_space<vmem>>
      %dma_wait3A_136 = arith.constant 0 : i32
      %dma_wait3A_137 = arith.constant 0 : i32
      %dma_wait3A_138 = tpu.memref_slice %dma_wait3A_135[%dma_wait3A_136, %dma_wait3A_137] : memref<128x256xf32, #tpu.memory_space<vmem>> -> memref<16x256xf32, #tpu.memory_space<vmem>>
      %dma_wait3A_139 = arith.constant 0 : i32
      %dma_wait3A_140 = tpu.memref_slice %arg6[%add3A_60, %dma_wait3A_139] : memref<320000x256xf32, #tpu.memory_space<hbm>> -> memref<16x256xf32, #tpu.memory_space<hbm>>
      %dma_wait3A_141 = arith.constant 0 : i32
      %dma_wait3A_142 = tpu.memref_slice %arg6[%add3A_60, %dma_wait3A_141] : memref<320000x256xf32, #tpu.memory_space<hbm>> -> memref<16x256xf32, #tpu.memory_space<hbm>>
      %dma_wait3A_143 = arith.constant 0 : i32
      %dma_wait3A_144 = arith.constant 0 : i32
      %dma_wait3A_145 = tpu.memref_slice %arg10[%run_scoped3A, %dma_wait3A_143, %dma_wait3A_144] : memref<2x128x256xf32, #tpu.memory_space<vmem>> -> memref<1x128x256xf32, #tpu.memory_space<vmem>>
      %dma_wait3A_146 = tpu.memref_squeeze %dma_wait3A_145 : memref<1x128x256xf32, #tpu.memory_space<vmem>> -> memref<128x256xf32, #tpu.memory_space<vmem>>
      %dma_wait3A_147 = arith.constant 0 : i32
      %dma_wait3A_148 = arith.constant 0 : i32
      %dma_wait3A_149 = tpu.memref_slice %dma_wait3A_146[%dma_wait3A_147, %dma_wait3A_148] : memref<128x256xf32, #tpu.memory_space<vmem>> -> memref<16x256xf32, #tpu.memory_space<vmem>>
      tpu.wait_dma2 semaphore(%run_scoped3A_113 : memref<!tpu.dma_semaphore, #tpu.memory_space<semaphore_mem>>) src(%dma_wait3A_149 : memref<16x256xf32, #tpu.memory_space<vmem>>) dst(%dma_wait3A_142 : memref<16x256xf32, #tpu.memory_space<hbm>>)
      tpu.yield
    }) : () -> ()
    %run_scoped3A_112 = arith.constant 0 : i32
    "tpu.region"() ({
      %run_scoped3A_113 = tpu.sem_alloc : memref<!tpu.dma_semaphore, #tpu.memory_space<semaphore_mem>>
      %dma_start3A_114 = arith.constant 0 : i32
      %dma_start3A_115 = arith.constant 0 : i32
      %dma_start3A_116 = tpu.memref_slice %arg11[%run_scoped3A_112, %dma_start3A_114, %dma_start3A_115] : memref<2x128x128xf32, #tpu.memory_space<vmem>> -> memref<1x128x128xf32, #tpu.memory_space<vmem>>
      %dma_start3A_117 = tpu.memref_squeeze %dma_start3A_116 : memref<1x128x128xf32, #tpu.memory_space<vmem>> -> memref<128x128xf32, #tpu.memory_space<vmem>>
      %dma_start3A_118 = arith.constant 0 : i32
      %dma_start3A_119 = arith.constant 0 : i32
      %dma_start3A_120 = tpu.memref_slice %dma_start3A_117[%dma_start3A_118, %dma_start3A_119] : memref<128x128xf32, #tpu.memory_space<vmem>> -> memref<16x128xf32, #tpu.memory_space<vmem>>
      %dma_start3A_121 = arith.constant 0 : i32
      %dma_start3A_122 = tpu.memref_slice %arg7[%add3A_60, %dma_start3A_121] : memref<320000x128xf32, #tpu.memory_space<hbm>> -> memref<16x128xf32, #tpu.memory_space<hbm>>
      %dma_start3A_123 = arith.constant 0 : i32
      %dma_start3A_124 = tpu.memref_slice %arg7[%add3A_60, %dma_start3A_123] : memref<320000x128xf32, #tpu.memory_space<hbm>> -> memref<16x128xf32, #tpu.memory_space<hbm>>
      %dma_start3A_125 = arith.constant 0 : i32
      %dma_start3A_126 = arith.constant 0 : i32
      %dma_start3A_127 = tpu.memref_slice %arg11[%run_scoped3A_112, %dma_start3A_125, %dma_start3A_126] : memref<2x128x128xf32, #tpu.memory_space<vmem>> -> memref<1x128x128xf32, #tpu.memory_space<vmem>>
      %dma_start3A_128 = tpu.memref_squeeze %dma_start3A_127 : memref<1x128x128xf32, #tpu.memory_space<vmem>> -> memref<128x128xf32, #tpu.memory_space<vmem>>
      %dma_start3A_129 = arith.constant 0 : i32
      %dma_start3A_130 = arith.constant 0 : i32
      %dma_start3A_131 = tpu.memref_slice %dma_start3A_128[%dma_start3A_129, %dma_start3A_130] : memref<128x128xf32, #tpu.memory_space<vmem>> -> memref<16x128xf32, #tpu.memory_space<vmem>>
      tpu.enqueue_dma source(%dma_start3A_131 : memref<16x128xf32, #tpu.memory_space<vmem>>) target(%dma_start3A_124 : memref<16x128xf32, #tpu.memory_space<hbm>>) target_semaphore(%run_scoped3A_113 : memref<!tpu.dma_semaphore, #tpu.memory_space<semaphore_mem>>)
      %dma_wait3A_132 = arith.constant 0 : i32
      %dma_wait3A_133 = arith.constant 0 : i32
      %dma_wait3A_134 = tpu.memref_slice %arg11[%run_scoped3A_112, %dma_wait3A_132, %dma_wait3A_133] : memref<2x128x128xf32, #tpu.memory_space<vmem>> -> memref<1x128x128xf32, #tpu.memory_space<vmem>>
      %dma_wait3A_135 = tpu.memref_squeeze %dma_wait3A_134 : memref<1x128x128xf32, #tpu.memory_space<vmem>> -> memref<128x128xf32, #tpu.memory_space<vmem>>
      %dma_wait3A_136 = arith.constant 0 : i32
      %dma_wait3A_137 = arith.constant 0 : i32
      %dma_wait3A_138 = tpu.memref_slice %dma_wait3A_135[%dma_wait3A_136, %dma_wait3A_137] : memref<128x128xf32, #tpu.memory_space<vmem>> -> memref<16x128xf32, #tpu.memory_space<vmem>>
      %dma_wait3A_139 = arith.constant 0 : i32
      %dma_wait3A_140 = tpu.memref_slice %arg7[%add3A_60, %dma_wait3A_139] : memref<320000x128xf32, #tpu.memory_space<hbm>> -> memref<16x128xf32, #tpu.memory_space<hbm>>
      %dma_wait3A_141 = arith.constant 0 : i32
      %dma_wait3A_142 = tpu.memref_slice %arg7[%add3A_60, %dma_wait3A_141] : memref<320000x128xf32, #tpu.memory_space<hbm>> -> memref<16x128xf32, #tpu.memory_space<hbm>>
      %dma_wait3A_143 = arith.constant 0 : i32
      %dma_wait3A_144 = arith.constant 0 : i32
      %dma_wait3A_145 = tpu.memref_slice %arg11[%run_scoped3A_112, %dma_wait3A_143, %dma_wait3A_144] : memref<2x128x128xf32, #tpu.memory_space<vmem>> -> memref<1x128x128xf32, #tpu.memory_space<vmem>>
      %dma_wait3A_146 = tpu.memref_squeeze %dma_wait3A_145 : memref<1x128x128xf32, #tpu.memory_space<vmem>> -> memref<128x128xf32, #tpu.memory_space<vmem>>
      %dma_wait3A_147 = arith.constant 0 : i32
      %dma_wait3A_148 = arith.constant 0 : i32
      %dma_wait3A_149 = tpu.memref_slice %dma_wait3A_146[%dma_wait3A_147, %dma_wait3A_148] : memref<128x128xf32, #tpu.memory_space<vmem>> -> memref<16x128xf32, #tpu.memory_space<vmem>>
      tpu.wait_dma2 semaphore(%run_scoped3A_113 : memref<!tpu.dma_semaphore, #tpu.memory_space<semaphore_mem>>) src(%dma_wait3A_149 : memref<16x128xf32, #tpu.memory_space<vmem>>) dst(%dma_wait3A_142 : memref<16x128xf32, #tpu.memory_space<hbm>>)
      tpu.yield
    }) : () -> ()
    return
  }
}

#map = affine_map<(d0, d1) -> (0, 0)>
#map1 = affine_map<(d0, d1) -> (0)>
#map2 = affine_map<(d0, d1) -> (0, 0, 0)>
module attributes {stable_mosaic.version = 14 : i64} {
  func.func @run(%arg0: i32, %arg1: i32, %arg2: memref<320000x128xf32, #tpu.memory_space<hbm>>, %arg3: memref<320000xi32, #tpu.memory_space<hbm>>, %arg4: memref<632x128xf32, #tpu.memory_space<hbm>>, %arg5: memref<2x10112x128xf32, #tpu.memory_space<hbm>>, %arg6: memref<2x128x128xf32, #tpu.memory_space<vmem>>, %arg7: memref<2x128xi32, #tpu.memory_space<vmem>>, %arg8: memref<16x128xf32, #tpu.memory_space<vmem>>, %arg9: memref<16xi32, #tpu.memory_space<vmem>>, %arg10: memref<10112x128xf32, #tpu.memory_space<vmem_shared>>, %arg11: memref<!tpu.dma_semaphore, #tpu.memory_space<semaphore_mem>>, %arg12: memref<!tpu.dma_semaphore, #tpu.memory_space<semaphore_mem>>, %arg13: memref<!tpu.dma_semaphore, #tpu.memory_space<semaphore_mem>>) attributes {dimension_semantics = [#tpu.dimension_semantics<core_parallel>, #tpu.dimension_semantics<subcore_parallel>], iteration_bounds = array<i64: 2, 16>, scalar_prefetch = 0 : i64, scratch_operands = 8 : i64, tpu.core_type = #tpu.core_type<sc_vector_subcore>, window_params = [{transform_indices = #map}, {transform_indices = #map1}, {transform_indices = #map}, {transform_indices = #map2}]} {
    %mul3A = arith.constant 2 : i32
    %mul3A_0 = arith.muli %arg1, %mul3A : i32
    %add3A = arith.addi %mul3A_0, %arg0 : i32
    %mul3A_1 = arith.constant 10000 : i32
    %mul3A_2 = arith.muli %add3A, %mul3A_1 : i32
    %mul3A_3 = arith.constant 632 : i32
    %mul3A_4 = arith.muli %arg1, %mul3A_3 : i32
    "tpu.region"() ({
      %run_scoped3A = tpu.sem_alloc : memref<!tpu.dma_semaphore, #tpu.memory_space<semaphore_mem>>
      %dma_start3A = arith.constant 0 : i32
      %dma_start3A_46 = tpu.memref_slice %arg10[%mul3A_4, %dma_start3A] : memref<10112x128xf32, #tpu.memory_space<vmem_shared>> -> memref<632x128xf32, #tpu.memory_space<vmem_shared>>
      tpu.enqueue_dma source(%arg4 : memref<632x128xf32, #tpu.memory_space<hbm>>) target(%dma_start3A_46 : memref<632x128xf32, #tpu.memory_space<vmem_shared>>) target_semaphore(%run_scoped3A : memref<!tpu.dma_semaphore, #tpu.memory_space<semaphore_mem>>)
      %dma_wait3A_47 = arith.constant 0 : i32
      %dma_wait3A_48 = tpu.memref_slice %arg10[%mul3A_4, %dma_wait3A_47] : memref<10112x128xf32, #tpu.memory_space<vmem_shared>> -> memref<632x128xf32, #tpu.memory_space<vmem_shared>>
      tpu.wait_dma2 semaphore(%run_scoped3A : memref<!tpu.dma_semaphore, #tpu.memory_space<semaphore_mem>>) src(%arg4 : memref<632x128xf32, #tpu.memory_space<hbm>>) dst(%dma_wait3A_48 : memref<632x128xf32, #tpu.memory_space<vmem_shared>>)
      tpu.yield
    }) : () -> ()
    %barrier3A = arith.constant 0 : index
    tpu.barrier barrier_id(%barrier3A)
    %scan3A = arith.constant 0 : i32
    %scan3A_5 = arith.constant 0 : i32
    %scan3A_6 = arith.constant 39 : i32
    %scan3A_7 = arith.addi %scan3A_5, %scan3A_6 : i32
    %scan3A_8 = arith.constant 1 : i32
    scf.for %scan3A_46 = %scan3A_5 to %scan3A_7 step %scan3A_8  : i32 {
      %mul3A_47 = arith.constant 2 : i32
      %mul3A_48 = arith.muli %mul3A_47, %scan3A_46 : i32
      %add3A_49 = arith.constant 0 : i32
      %add3A_50 = arith.addi %mul3A_48, %add3A_49 : i32
      %ge3A = arith.constant 1 : i32
      %ge3A_51 = arith.cmpi sge, %scan3A_46, %ge3A : i32
      %mul3A_52 = arith.constant 128 : i32
      %mul3A_53 = arith.muli %add3A_50, %mul3A_52 : i32
      %add3A_54 = arith.addi %mul3A_2, %mul3A_53 : i32
      %convert_element_type3A = arith.extui %ge3A_51 : i1 to i32
      %cond3A = arith.constant 0 : i32
      %cond3A_55 = arith.cmpi ne, %convert_element_type3A, %cond3A : i32
      scf.if %cond3A_55 {
        %dma_wait3A_179 = arith.constant 0 : i32
        %dma_wait3A_180 = arith.constant 0 : i32
        %dma_wait3A_181 = arith.constant 0 : i32
        %dma_wait3A_182 = tpu.memref_slice %arg6[%dma_wait3A_179, %dma_wait3A_180, %dma_wait3A_181] : memref<2x128x128xf32, #tpu.memory_space<vmem>> -> memref<1x128x128xf32, #tpu.memory_space<vmem>>
        %dma_wait3A_183 = tpu.memref_squeeze %dma_wait3A_182 : memref<1x128x128xf32, #tpu.memory_space<vmem>> -> memref<128x128xf32, #tpu.memory_space<vmem>>
        %dma_wait3A_184 = arith.constant 0 : i32
        %dma_wait3A_185 = arith.constant 0 : i32
        %dma_wait3A_186 = tpu.memref_slice %arg10[%dma_wait3A_184, %dma_wait3A_185] : memref<10112x128xf32, #tpu.memory_space<vmem_shared>> -> memref<128x128xf32, #tpu.memory_space<vmem_shared>>
        %dma_wait3A_187 = arith.constant 0 : i32
        %dma_wait3A_188 = arith.constant 0 : i32
        %dma_wait3A_189 = tpu.memref_slice %arg10[%dma_wait3A_187, %dma_wait3A_188] : memref<10112x128xf32, #tpu.memory_space<vmem_shared>> -> memref<128x128xf32, #tpu.memory_space<vmem_shared>>
        %dma_wait3A_190 = arith.constant 0 : i32
        %dma_wait3A_191 = arith.constant 0 : i32
        %dma_wait3A_192 = tpu.memref_slice %arg6[%dma_wait3A_179, %dma_wait3A_190, %dma_wait3A_191] : memref<2x128x128xf32, #tpu.memory_space<vmem>> -> memref<1x128x128xf32, #tpu.memory_space<vmem>>
        %dma_wait3A_193 = tpu.memref_squeeze %dma_wait3A_192 : memref<1x128x128xf32, #tpu.memory_space<vmem>> -> memref<128x128xf32, #tpu.memory_space<vmem>>
        tpu.wait_dma2 semaphore(%arg13 : memref<!tpu.dma_semaphore, #tpu.memory_space<semaphore_mem>>) src(%dma_wait3A_193 : memref<128x128xf32, #tpu.memory_space<vmem>>) dst(%dma_wait3A_189 : memref<128x128xf32, #tpu.memory_space<vmem_shared>>)
      } else {
      }
      %dma_start3A = arith.constant 0 : i32
      %dma_start3A_56 = arith.constant 0 : i32
      %dma_start3A_57 = arith.constant 0 : i32
      %dma_start3A_58 = tpu.memref_slice %arg6[%dma_start3A, %dma_start3A_56, %dma_start3A_57] : memref<2x128x128xf32, #tpu.memory_space<vmem>> -> memref<1x128x128xf32, #tpu.memory_space<vmem>>
      %dma_start3A_59 = tpu.memref_squeeze %dma_start3A_58 : memref<1x128x128xf32, #tpu.memory_space<vmem>> -> memref<128x128xf32, #tpu.memory_space<vmem>>
      %dma_start3A_60 = arith.constant 0 : i32
      %dma_start3A_61 = tpu.memref_slice %arg2[%add3A_54, %dma_start3A_60] : memref<320000x128xf32, #tpu.memory_space<hbm>> -> memref<128x128xf32, #tpu.memory_space<hbm>>
      %dma_start3A_62 = arith.constant 0 : i32
      %dma_start3A_63 = arith.constant 0 : i32
      %dma_start3A_64 = tpu.memref_slice %arg6[%dma_start3A, %dma_start3A_62, %dma_start3A_63] : memref<2x128x128xf32, #tpu.memory_space<vmem>> -> memref<1x128x128xf32, #tpu.memory_space<vmem>>
      %dma_start3A_65 = tpu.memref_squeeze %dma_start3A_64 : memref<1x128x128xf32, #tpu.memory_space<vmem>> -> memref<128x128xf32, #tpu.memory_space<vmem>>
      %dma_start3A_66 = arith.constant 0 : i32
      %dma_start3A_67 = tpu.memref_slice %arg2[%add3A_54, %dma_start3A_66] : memref<320000x128xf32, #tpu.memory_space<hbm>> -> memref<128x128xf32, #tpu.memory_space<hbm>>
      tpu.enqueue_dma source(%dma_start3A_67 : memref<128x128xf32, #tpu.memory_space<hbm>>) target(%dma_start3A_65 : memref<128x128xf32, #tpu.memory_space<vmem>>) target_semaphore(%arg11 : memref<!tpu.dma_semaphore, #tpu.memory_space<semaphore_mem>>)
      %dma_start3A_68 = arith.constant 0 : i32
      %dma_start3A_69 = arith.constant 0 : i32
      %dma_start3A_70 = tpu.memref_slice %arg7[%dma_start3A_68, %dma_start3A_69] : memref<2x128xi32, #tpu.memory_space<vmem>> -> memref<1x128xi32, #tpu.memory_space<vmem>>
      %dma_start3A_71 = tpu.memref_squeeze %dma_start3A_70 : memref<1x128xi32, #tpu.memory_space<vmem>> -> memref<128xi32, #tpu.memory_space<vmem>>
      %dma_start3A_72 = tpu.memref_slice %arg3[%add3A_54] : memref<320000xi32, #tpu.memory_space<hbm>> -> memref<128xi32, #tpu.memory_space<hbm>>
      %dma_start3A_73 = arith.constant 0 : i32
      %dma_start3A_74 = tpu.memref_slice %arg7[%dma_start3A_68, %dma_start3A_73] : memref<2x128xi32, #tpu.memory_space<vmem>> -> memref<1x128xi32, #tpu.memory_space<vmem>>
      %dma_start3A_75 = tpu.memref_squeeze %dma_start3A_74 : memref<1x128xi32, #tpu.memory_space<vmem>> -> memref<128xi32, #tpu.memory_space<vmem>>
      %dma_start3A_76 = tpu.memref_slice %arg3[%add3A_54] : memref<320000xi32, #tpu.memory_space<hbm>> -> memref<128xi32, #tpu.memory_space<hbm>>
      tpu.enqueue_dma source(%dma_start3A_76 : memref<128xi32, #tpu.memory_space<hbm>>) target(%dma_start3A_75 : memref<128xi32, #tpu.memory_space<vmem>>) target_semaphore(%arg12 : memref<!tpu.dma_semaphore, #tpu.memory_space<semaphore_mem>>)
      %dma_wait3A_77 = arith.constant 0 : i32
      %dma_wait3A_78 = arith.constant 0 : i32
      %dma_wait3A_79 = arith.constant 0 : i32
      %dma_wait3A_80 = tpu.memref_slice %arg6[%dma_wait3A_77, %dma_wait3A_78, %dma_wait3A_79] : memref<2x128x128xf32, #tpu.memory_space<vmem>> -> memref<1x128x128xf32, #tpu.memory_space<vmem>>
      %dma_wait3A_81 = tpu.memref_squeeze %dma_wait3A_80 : memref<1x128x128xf32, #tpu.memory_space<vmem>> -> memref<128x128xf32, #tpu.memory_space<vmem>>
      %dma_wait3A_82 = arith.constant 0 : i32
      %dma_wait3A_83 = tpu.memref_slice %arg2[%add3A_54, %dma_wait3A_82] : memref<320000x128xf32, #tpu.memory_space<hbm>> -> memref<128x128xf32, #tpu.memory_space<hbm>>
      %dma_wait3A_84 = arith.constant 0 : i32
      %dma_wait3A_85 = arith.constant 0 : i32
      %dma_wait3A_86 = tpu.memref_slice %arg6[%dma_wait3A_77, %dma_wait3A_84, %dma_wait3A_85] : memref<2x128x128xf32, #tpu.memory_space<vmem>> -> memref<1x128x128xf32, #tpu.memory_space<vmem>>
      %dma_wait3A_87 = tpu.memref_squeeze %dma_wait3A_86 : memref<1x128x128xf32, #tpu.memory_space<vmem>> -> memref<128x128xf32, #tpu.memory_space<vmem>>
      %dma_wait3A_88 = arith.constant 0 : i32
      %dma_wait3A_89 = tpu.memref_slice %arg2[%add3A_54, %dma_wait3A_88] : memref<320000x128xf32, #tpu.memory_space<hbm>> -> memref<128x128xf32, #tpu.memory_space<hbm>>
      tpu.wait_dma2 semaphore(%arg11 : memref<!tpu.dma_semaphore, #tpu.memory_space<semaphore_mem>>) src(%dma_wait3A_89 : memref<128x128xf32, #tpu.memory_space<hbm>>) dst(%dma_wait3A_87 : memref<128x128xf32, #tpu.memory_space<vmem>>)
      %dma_wait3A_90 = arith.constant 0 : i32
      %dma_wait3A_91 = arith.constant 0 : i32
      %dma_wait3A_92 = tpu.memref_slice %arg7[%dma_wait3A_90, %dma_wait3A_91] : memref<2x128xi32, #tpu.memory_space<vmem>> -> memref<1x128xi32, #tpu.memory_space<vmem>>
      %dma_wait3A_93 = tpu.memref_squeeze %dma_wait3A_92 : memref<1x128xi32, #tpu.memory_space<vmem>> -> memref<128xi32, #tpu.memory_space<vmem>>
      %dma_wait3A_94 = tpu.memref_slice %arg3[%add3A_54] : memref<320000xi32, #tpu.memory_space<hbm>> -> memref<128xi32, #tpu.memory_space<hbm>>
      %dma_wait3A_95 = arith.constant 0 : i32
      %dma_wait3A_96 = tpu.memref_slice %arg7[%dma_wait3A_90, %dma_wait3A_95] : memref<2x128xi32, #tpu.memory_space<vmem>> -> memref<1x128xi32, #tpu.memory_space<vmem>>
      %dma_wait3A_97 = tpu.memref_squeeze %dma_wait3A_96 : memref<1x128xi32, #tpu.memory_space<vmem>> -> memref<128xi32, #tpu.memory_space<vmem>>
      %dma_wait3A_98 = tpu.memref_slice %arg3[%add3A_54] : memref<320000xi32, #tpu.memory_space<hbm>> -> memref<128xi32, #tpu.memory_space<hbm>>
      tpu.wait_dma2 semaphore(%arg12 : memref<!tpu.dma_semaphore, #tpu.memory_space<semaphore_mem>>) src(%dma_wait3A_98 : memref<128xi32, #tpu.memory_space<hbm>>) dst(%dma_wait3A_97 : memref<128xi32, #tpu.memory_space<vmem>>)
      %dma_start3A_99 = arith.constant 0 : i32
      %dma_start3A_100 = arith.constant 0 : i32
      %dma_start3A_101 = arith.constant 0 : i32
      %dma_start3A_102 = arith.constant 0 : i32
      %dma_start3A_103 = tpu.memref_slice %arg6[%dma_start3A_99, %dma_start3A_101, %dma_start3A_102] : memref<2x128x128xf32, #tpu.memory_space<vmem>> -> memref<1x128x128xf32, #tpu.memory_space<vmem>>
      %dma_start3A_104 = tpu.memref_squeeze %dma_start3A_103 : memref<1x128x128xf32, #tpu.memory_space<vmem>> -> memref<128x128xf32, #tpu.memory_space<vmem>>
      %dma_start3A_105 = arith.constant 0 : i32
      %dma_start3A_106 = tpu.memref_slice %arg7[%dma_start3A_100, %dma_start3A_105] : memref<2x128xi32, #tpu.memory_space<vmem>> -> memref<1x128xi32, #tpu.memory_space<vmem>>
      %dma_start3A_107 = tpu.memref_squeeze %dma_start3A_106 : memref<1x128xi32, #tpu.memory_space<vmem>> -> memref<128xi32, #tpu.memory_space<vmem>>
      %dma_start3A_108 = arith.constant 0 : i32
      %dma_start3A_109 = arith.constant 0 : i32
      %dma_start3A_110 = tpu.memref_slice %arg10[%dma_start3A_108, %dma_start3A_109] : memref<10112x128xf32, #tpu.memory_space<vmem_shared>> -> memref<10112x128xf32, #tpu.memory_space<vmem_shared>>
      tpu.enqueue_indirect_dma source(%dma_start3A_104 : memref<128x128xf32, #tpu.memory_space<vmem>>) target(%dma_start3A_110 : memref<10112x128xf32, #tpu.memory_space<vmem_shared>>) offsets(%dma_start3A_107 : memref<128xi32, #tpu.memory_space<vmem>>) semaphore(%arg13 : memref<!tpu.dma_semaphore, #tpu.memory_space<semaphore_mem>>) {add = true}
      %mul3A_111 = arith.constant 2 : i32
      %mul3A_112 = arith.muli %mul3A_111, %scan3A_46 : i32
      %add3A_113 = arith.constant 1 : i32
      %add3A_114 = arith.addi %mul3A_112, %add3A_113 : i32
      %ge3A_115 = arith.constant 1 : i32
      %ge3A_116 = arith.cmpi sge, %scan3A_46, %ge3A_115 : i32
      %mul3A_117 = arith.constant 128 : i32
      %mul3A_118 = arith.muli %add3A_114, %mul3A_117 : i32
      %add3A_119 = arith.addi %mul3A_2, %mul3A_118 : i32
      %convert_element_type3A_120 = arith.extui %ge3A_116 : i1 to i32
      %cond3A_121 = arith.constant 0 : i32
      %cond3A_122 = arith.cmpi ne, %convert_element_type3A_120, %cond3A_121 : i32
      scf.if %cond3A_122 {
        %dma_wait3A_179 = arith.constant 1 : i32
        %dma_wait3A_180 = arith.constant 0 : i32
        %dma_wait3A_181 = arith.constant 0 : i32
        %dma_wait3A_182 = tpu.memref_slice %arg6[%dma_wait3A_179, %dma_wait3A_180, %dma_wait3A_181] : memref<2x128x128xf32, #tpu.memory_space<vmem>> -> memref<1x128x128xf32, #tpu.memory_space<vmem>>
        %dma_wait3A_183 = tpu.memref_squeeze %dma_wait3A_182 : memref<1x128x128xf32, #tpu.memory_space<vmem>> -> memref<128x128xf32, #tpu.memory_space<vmem>>
        %dma_wait3A_184 = arith.constant 0 : i32
        %dma_wait3A_185 = arith.constant 0 : i32
        %dma_wait3A_186 = tpu.memref_slice %arg10[%dma_wait3A_184, %dma_wait3A_185] : memref<10112x128xf32, #tpu.memory_space<vmem_shared>> -> memref<128x128xf32, #tpu.memory_space<vmem_shared>>
        %dma_wait3A_187 = arith.constant 0 : i32
        %dma_wait3A_188 = arith.constant 0 : i32
        %dma_wait3A_189 = tpu.memref_slice %arg10[%dma_wait3A_187, %dma_wait3A_188] : memref<10112x128xf32, #tpu.memory_space<vmem_shared>> -> memref<128x128xf32, #tpu.memory_space<vmem_shared>>
        %dma_wait3A_190 = arith.constant 0 : i32
        %dma_wait3A_191 = arith.constant 0 : i32
        %dma_wait3A_192 = tpu.memref_slice %arg6[%dma_wait3A_179, %dma_wait3A_190, %dma_wait3A_191] : memref<2x128x128xf32, #tpu.memory_space<vmem>> -> memref<1x128x128xf32, #tpu.memory_space<vmem>>
        %dma_wait3A_193 = tpu.memref_squeeze %dma_wait3A_192 : memref<1x128x128xf32, #tpu.memory_space<vmem>> -> memref<128x128xf32, #tpu.memory_space<vmem>>
        tpu.wait_dma2 semaphore(%arg13 : memref<!tpu.dma_semaphore, #tpu.memory_space<semaphore_mem>>) src(%dma_wait3A_193 : memref<128x128xf32, #tpu.memory_space<vmem>>) dst(%dma_wait3A_189 : memref<128x128xf32, #tpu.memory_space<vmem_shared>>)
      } else {
      }
      %dma_start3A_123 = arith.constant 1 : i32
      %dma_start3A_124 = arith.constant 0 : i32
      %dma_start3A_125 = arith.constant 0 : i32
      %dma_start3A_126 = tpu.memref_slice %arg6[%dma_start3A_123, %dma_start3A_124, %dma_start3A_125] : memref<2x128x128xf32, #tpu.memory_space<vmem>> -> memref<1x128x128xf32, #tpu.memory_space<vmem>>
      %dma_start3A_127 = tpu.memref_squeeze %dma_start3A_126 : memref<1x128x128xf32, #tpu.memory_space<vmem>> -> memref<128x128xf32, #tpu.memory_space<vmem>>
      %dma_start3A_128 = arith.constant 0 : i32
      %dma_start3A_129 = tpu.memref_slice %arg2[%add3A_119, %dma_start3A_128] : memref<320000x128xf32, #tpu.memory_space<hbm>> -> memref<128x128xf32, #tpu.memory_space<hbm>>
      %dma_start3A_130 = arith.constant 0 : i32
      %dma_start3A_131 = arith.constant 0 : i32
      %dma_start3A_132 = tpu.memref_slice %arg6[%dma_start3A_123, %dma_start3A_130, %dma_start3A_131] : memref<2x128x128xf32, #tpu.memory_space<vmem>> -> memref<1x128x128xf32, #tpu.memory_space<vmem>>
      %dma_start3A_133 = tpu.memref_squeeze %dma_start3A_132 : memref<1x128x128xf32, #tpu.memory_space<vmem>> -> memref<128x128xf32, #tpu.memory_space<vmem>>
      %dma_start3A_134 = arith.constant 0 : i32
      %dma_start3A_135 = tpu.memref_slice %arg2[%add3A_119, %dma_start3A_134] : memref<320000x128xf32, #tpu.memory_space<hbm>> -> memref<128x128xf32, #tpu.memory_space<hbm>>
      tpu.enqueue_dma source(%dma_start3A_135 : memref<128x128xf32, #tpu.memory_space<hbm>>) target(%dma_start3A_133 : memref<128x128xf32, #tpu.memory_space<vmem>>) target_semaphore(%arg11 : memref<!tpu.dma_semaphore, #tpu.memory_space<semaphore_mem>>)
      %dma_start3A_136 = arith.constant 1 : i32
      %dma_start3A_137 = arith.constant 0 : i32
      %dma_start3A_138 = tpu.memref_slice %arg7[%dma_start3A_136, %dma_start3A_137] : memref<2x128xi32, #tpu.memory_space<vmem>> -> memref<1x128xi32, #tpu.memory_space<vmem>>
      %dma_start3A_139 = tpu.memref_squeeze %dma_start3A_138 : memref<1x128xi32, #tpu.memory_space<vmem>> -> memref<128xi32, #tpu.memory_space<vmem>>
      %dma_start3A_140 = tpu.memref_slice %arg3[%add3A_119] : memref<320000xi32, #tpu.memory_space<hbm>> -> memref<128xi32, #tpu.memory_space<hbm>>
      %dma_start3A_141 = arith.constant 0 : i32
      %dma_start3A_142 = tpu.memref_slice %arg7[%dma_start3A_136, %dma_start3A_141] : memref<2x128xi32, #tpu.memory_space<vmem>> -> memref<1x128xi32, #tpu.memory_space<vmem>>
      %dma_start3A_143 = tpu.memref_squeeze %dma_start3A_142 : memref<1x128xi32, #tpu.memory_space<vmem>> -> memref<128xi32, #tpu.memory_space<vmem>>
      %dma_start3A_144 = tpu.memref_slice %arg3[%add3A_119] : memref<320000xi32, #tpu.memory_space<hbm>> -> memref<128xi32, #tpu.memory_space<hbm>>
      tpu.enqueue_dma source(%dma_start3A_144 : memref<128xi32, #tpu.memory_space<hbm>>) target(%dma_start3A_143 : memref<128xi32, #tpu.memory_space<vmem>>) target_semaphore(%arg12 : memref<!tpu.dma_semaphore, #tpu.memory_space<semaphore_mem>>)
      %dma_wait3A_145 = arith.constant 1 : i32
      %dma_wait3A_146 = arith.constant 0 : i32
      %dma_wait3A_147 = arith.constant 0 : i32
      %dma_wait3A_148 = tpu.memref_slice %arg6[%dma_wait3A_145, %dma_wait3A_146, %dma_wait3A_147] : memref<2x128x128xf32, #tpu.memory_space<vmem>> -> memref<1x128x128xf32, #tpu.memory_space<vmem>>
      %dma_wait3A_149 = tpu.memref_squeeze %dma_wait3A_148 : memref<1x128x128xf32, #tpu.memory_space<vmem>> -> memref<128x128xf32, #tpu.memory_space<vmem>>
      %dma_wait3A_150 = arith.constant 0 : i32
      %dma_wait3A_151 = tpu.memref_slice %arg2[%add3A_119, %dma_wait3A_150] : memref<320000x128xf32, #tpu.memory_space<hbm>> -> memref<128x128xf32, #tpu.memory_space<hbm>>
      %dma_wait3A_152 = arith.constant 0 : i32
      %dma_wait3A_153 = arith.constant 0 : i32
      %dma_wait3A_154 = tpu.memref_slice %arg6[%dma_wait3A_145, %dma_wait3A_152, %dma_wait3A_153] : memref<2x128x128xf32, #tpu.memory_space<vmem>> -> memref<1x128x128xf32, #tpu.memory_space<vmem>>
      %dma_wait3A_155 = tpu.memref_squeeze %dma_wait3A_154 : memref<1x128x128xf32, #tpu.memory_space<vmem>> -> memref<128x128xf32, #tpu.memory_space<vmem>>
      %dma_wait3A_156 = arith.constant 0 : i32
      %dma_wait3A_157 = tpu.memref_slice %arg2[%add3A_119, %dma_wait3A_156] : memref<320000x128xf32, #tpu.memory_space<hbm>> -> memref<128x128xf32, #tpu.memory_space<hbm>>
      tpu.wait_dma2 semaphore(%arg11 : memref<!tpu.dma_semaphore, #tpu.memory_space<semaphore_mem>>) src(%dma_wait3A_157 : memref<128x128xf32, #tpu.memory_space<hbm>>) dst(%dma_wait3A_155 : memref<128x128xf32, #tpu.memory_space<vmem>>)
      %dma_wait3A_158 = arith.constant 1 : i32
      %dma_wait3A_159 = arith.constant 0 : i32
      %dma_wait3A_160 = tpu.memref_slice %arg7[%dma_wait3A_158, %dma_wait3A_159] : memref<2x128xi32, #tpu.memory_space<vmem>> -> memref<1x128xi32, #tpu.memory_space<vmem>>
      %dma_wait3A_161 = tpu.memref_squeeze %dma_wait3A_160 : memref<1x128xi32, #tpu.memory_space<vmem>> -> memref<128xi32, #tpu.memory_space<vmem>>
      %dma_wait3A_162 = tpu.memref_slice %arg3[%add3A_119] : memref<320000xi32, #tpu.memory_space<hbm>> -> memref<128xi32, #tpu.memory_space<hbm>>
      %dma_wait3A_163 = arith.constant 0 : i32
      %dma_wait3A_164 = tpu.memref_slice %arg7[%dma_wait3A_158, %dma_wait3A_163] : memref<2x128xi32, #tpu.memory_space<vmem>> -> memref<1x128xi32, #tpu.memory_space<vmem>>
      %dma_wait3A_165 = tpu.memref_squeeze %dma_wait3A_164 : memref<1x128xi32, #tpu.memory_space<vmem>> -> memref<128xi32, #tpu.memory_space<vmem>>
      %dma_wait3A_166 = tpu.memref_slice %arg3[%add3A_119] : memref<320000xi32, #tpu.memory_space<hbm>> -> memref<128xi32, #tpu.memory_space<hbm>>
      tpu.wait_dma2 semaphore(%arg12 : memref<!tpu.dma_semaphore, #tpu.memory_space<semaphore_mem>>) src(%dma_wait3A_166 : memref<128xi32, #tpu.memory_space<hbm>>) dst(%dma_wait3A_165 : memref<128xi32, #tpu.memory_space<vmem>>)
      %dma_start3A_167 = arith.constant 1 : i32
      %dma_start3A_168 = arith.constant 1 : i32
      %dma_start3A_169 = arith.constant 0 : i32
      %dma_start3A_170 = arith.constant 0 : i32
      %dma_start3A_171 = tpu.memref_slice %arg6[%dma_start3A_167, %dma_start3A_169, %dma_start3A_170] : memref<2x128x128xf32, #tpu.memory_space<vmem>> -> memref<1x128x128xf32, #tpu.memory_space<vmem>>
      %dma_start3A_172 = tpu.memref_squeeze %dma_start3A_171 : memref<1x128x128xf32, #tpu.memory_space<vmem>> -> memref<128x128xf32, #tpu.memory_space<vmem>>
      %dma_start3A_173 = arith.constant 0 : i32
      %dma_start3A_174 = tpu.memref_slice %arg7[%dma_start3A_168, %dma_start3A_173] : memref<2x128xi32, #tpu.memory_space<vmem>> -> memref<1x128xi32, #tpu.memory_space<vmem>>
      %dma_start3A_175 = tpu.memref_squeeze %dma_start3A_174 : memref<1x128xi32, #tpu.memory_space<vmem>> -> memref<128xi32, #tpu.memory_space<vmem>>
      %dma_start3A_176 = arith.constant 0 : i32
      %dma_start3A_177 = arith.constant 0 : i32
      %dma_start3A_178 = tpu.memref_slice %arg10[%dma_start3A_176, %dma_start3A_177] : memref<10112x128xf32, #tpu.memory_space<vmem_shared>> -> memref<10112x128xf32, #tpu.memory_space<vmem_shared>>
      tpu.enqueue_indirect_dma source(%dma_start3A_172 : memref<128x128xf32, #tpu.memory_space<vmem>>) target(%dma_start3A_178 : memref<10112x128xf32, #tpu.memory_space<vmem_shared>>) offsets(%dma_start3A_175 : memref<128xi32, #tpu.memory_space<vmem>>) semaphore(%arg13 : memref<!tpu.dma_semaphore, #tpu.memory_space<semaphore_mem>>) {add = true}
    }
    %scan3A_9 = arith.constant 39 : i32
    %dma_wait3A = arith.constant 0 : i32
    %dma_wait3A_10 = arith.constant 0 : i32
    %dma_wait3A_11 = arith.constant 0 : i32
    %dma_wait3A_12 = tpu.memref_slice %arg6[%dma_wait3A, %dma_wait3A_10, %dma_wait3A_11] : memref<2x128x128xf32, #tpu.memory_space<vmem>> -> memref<1x128x128xf32, #tpu.memory_space<vmem>>
    %dma_wait3A_13 = tpu.memref_squeeze %dma_wait3A_12 : memref<1x128x128xf32, #tpu.memory_space<vmem>> -> memref<128x128xf32, #tpu.memory_space<vmem>>
    %dma_wait3A_14 = arith.constant 0 : i32
    %dma_wait3A_15 = arith.constant 0 : i32
    %dma_wait3A_16 = tpu.memref_slice %arg10[%dma_wait3A_14, %dma_wait3A_15] : memref<10112x128xf32, #tpu.memory_space<vmem_shared>> -> memref<128x128xf32, #tpu.memory_space<vmem_shared>>
    %dma_wait3A_17 = arith.constant 0 : i32
    %dma_wait3A_18 = arith.constant 0 : i32
    %dma_wait3A_19 = tpu.memref_slice %arg10[%dma_wait3A_17, %dma_wait3A_18] : memref<10112x128xf32, #tpu.memory_space<vmem_shared>> -> memref<128x128xf32, #tpu.memory_space<vmem_shared>>
    %dma_wait3A_20 = arith.constant 0 : i32
    %dma_wait3A_21 = arith.constant 0 : i32
    %dma_wait3A_22 = tpu.memref_slice %arg6[%dma_wait3A, %dma_wait3A_20, %dma_wait3A_21] : memref<2x128x128xf32, #tpu.memory_space<vmem>> -> memref<1x128x128xf32, #tpu.memory_space<vmem>>
    %dma_wait3A_23 = tpu.memref_squeeze %dma_wait3A_22 : memref<1x128x128xf32, #tpu.memory_space<vmem>> -> memref<128x128xf32, #tpu.memory_space<vmem>>
    tpu.wait_dma2 semaphore(%arg13 : memref<!tpu.dma_semaphore, #tpu.memory_space<semaphore_mem>>) src(%dma_wait3A_23 : memref<128x128xf32, #tpu.memory_space<vmem>>) dst(%dma_wait3A_19 : memref<128x128xf32, #tpu.memory_space<vmem_shared>>)
    %dma_wait3A_24 = arith.constant 1 : i32
    %dma_wait3A_25 = arith.constant 0 : i32
    %dma_wait3A_26 = arith.constant 0 : i32
    %dma_wait3A_27 = tpu.memref_slice %arg6[%dma_wait3A_24, %dma_wait3A_25, %dma_wait3A_26] : memref<2x128x128xf32, #tpu.memory_space<vmem>> -> memref<1x128x128xf32, #tpu.memory_space<vmem>>
    %dma_wait3A_28 = tpu.memref_squeeze %dma_wait3A_27 : memref<1x128x128xf32, #tpu.memory_space<vmem>> -> memref<128x128xf32, #tpu.memory_space<vmem>>
    %dma_wait3A_29 = arith.constant 0 : i32
    %dma_wait3A_30 = arith.constant 0 : i32
    %dma_wait3A_31 = tpu.memref_slice %arg10[%dma_wait3A_29, %dma_wait3A_30] : memref<10112x128xf32, #tpu.memory_space<vmem_shared>> -> memref<128x128xf32, #tpu.memory_space<vmem_shared>>
    %dma_wait3A_32 = arith.constant 0 : i32
    %dma_wait3A_33 = arith.constant 0 : i32
    %dma_wait3A_34 = tpu.memref_slice %arg10[%dma_wait3A_32, %dma_wait3A_33] : memref<10112x128xf32, #tpu.memory_space<vmem_shared>> -> memref<128x128xf32, #tpu.memory_space<vmem_shared>>
    %dma_wait3A_35 = arith.constant 0 : i32
    %dma_wait3A_36 = arith.constant 0 : i32
    %dma_wait3A_37 = tpu.memref_slice %arg6[%dma_wait3A_24, %dma_wait3A_35, %dma_wait3A_36] : memref<2x128x128xf32, #tpu.memory_space<vmem>> -> memref<1x128x128xf32, #tpu.memory_space<vmem>>
    %dma_wait3A_38 = tpu.memref_squeeze %dma_wait3A_37 : memref<1x128x128xf32, #tpu.memory_space<vmem>> -> memref<128x128xf32, #tpu.memory_space<vmem>>
    tpu.wait_dma2 semaphore(%arg13 : memref<!tpu.dma_semaphore, #tpu.memory_space<semaphore_mem>>) src(%dma_wait3A_38 : memref<128x128xf32, #tpu.memory_space<vmem>>) dst(%dma_wait3A_34 : memref<128x128xf32, #tpu.memory_space<vmem_shared>>)
    %add3A_39 = arith.constant 9984 : i32
    %add3A_40 = arith.addi %mul3A_2, %add3A_39 : i32
    "tpu.region"() ({
      %run_scoped3A = tpu.sem_alloc : memref<!tpu.dma_semaphore, #tpu.memory_space<semaphore_mem>>
      %dma_start3A = arith.constant 0 : i32
      %dma_start3A_46 = tpu.memref_slice %arg2[%add3A_40, %dma_start3A] : memref<320000x128xf32, #tpu.memory_space<hbm>> -> memref<16x128xf32, #tpu.memory_space<hbm>>
      %dma_start3A_47 = arith.constant 0 : i32
      %dma_start3A_48 = tpu.memref_slice %arg2[%add3A_40, %dma_start3A_47] : memref<320000x128xf32, #tpu.memory_space<hbm>> -> memref<16x128xf32, #tpu.memory_space<hbm>>
      tpu.enqueue_dma source(%dma_start3A_48 : memref<16x128xf32, #tpu.memory_space<hbm>>) target(%arg8 : memref<16x128xf32, #tpu.memory_space<vmem>>) target_semaphore(%run_scoped3A : memref<!tpu.dma_semaphore, #tpu.memory_space<semaphore_mem>>)
      %dma_wait3A_49 = arith.constant 0 : i32
      %dma_wait3A_50 = tpu.memref_slice %arg2[%add3A_40, %dma_wait3A_49] : memref<320000x128xf32, #tpu.memory_space<hbm>> -> memref<16x128xf32, #tpu.memory_space<hbm>>
      %dma_wait3A_51 = arith.constant 0 : i32
      %dma_wait3A_52 = tpu.memref_slice %arg2[%add3A_40, %dma_wait3A_51] : memref<320000x128xf32, #tpu.memory_space<hbm>> -> memref<16x128xf32, #tpu.memory_space<hbm>>
      tpu.wait_dma2 semaphore(%run_scoped3A : memref<!tpu.dma_semaphore, #tpu.memory_space<semaphore_mem>>) src(%dma_wait3A_52 : memref<16x128xf32, #tpu.memory_space<hbm>>) dst(%arg8 : memref<16x128xf32, #tpu.memory_space<vmem>>)
      tpu.yield
    }) : () -> ()
    "tpu.region"() ({
      %run_scoped3A = tpu.sem_alloc : memref<!tpu.dma_semaphore, #tpu.memory_space<semaphore_mem>>
      %dma_start3A = tpu.memref_slice %arg3[%add3A_40] : memref<320000xi32, #tpu.memory_space<hbm>> -> memref<16xi32, #tpu.memory_space<hbm>>
      %dma_start3A_46 = tpu.memref_slice %arg3[%add3A_40] : memref<320000xi32, #tpu.memory_space<hbm>> -> memref<16xi32, #tpu.memory_space<hbm>>
      tpu.enqueue_dma source(%dma_start3A_46 : memref<16xi32, #tpu.memory_space<hbm>>) target(%arg9 : memref<16xi32, #tpu.memory_space<vmem>>) target_semaphore(%run_scoped3A : memref<!tpu.dma_semaphore, #tpu.memory_space<semaphore_mem>>)
      %dma_wait3A_47 = tpu.memref_slice %arg3[%add3A_40] : memref<320000xi32, #tpu.memory_space<hbm>> -> memref<16xi32, #tpu.memory_space<hbm>>
      %dma_wait3A_48 = tpu.memref_slice %arg3[%add3A_40] : memref<320000xi32, #tpu.memory_space<hbm>> -> memref<16xi32, #tpu.memory_space<hbm>>
      tpu.wait_dma2 semaphore(%run_scoped3A : memref<!tpu.dma_semaphore, #tpu.memory_space<semaphore_mem>>) src(%dma_wait3A_48 : memref<16xi32, #tpu.memory_space<hbm>>) dst(%arg9 : memref<16xi32, #tpu.memory_space<vmem>>)
      tpu.yield
    }) : () -> ()
    "tpu.region"() ({
      %run_scoped3A = tpu.sem_alloc : memref<!tpu.dma_semaphore, #tpu.memory_space<semaphore_mem>>
      %dma_start3A = arith.constant 0 : i32
      %dma_start3A_46 = arith.constant 0 : i32
      %dma_start3A_47 = tpu.memref_slice %arg10[%dma_start3A, %dma_start3A_46] : memref<10112x128xf32, #tpu.memory_space<vmem_shared>> -> memref<10112x128xf32, #tpu.memory_space<vmem_shared>>
      tpu.enqueue_indirect_dma source(%arg8 : memref<16x128xf32, #tpu.memory_space<vmem>>) target(%dma_start3A_47 : memref<10112x128xf32, #tpu.memory_space<vmem_shared>>) offsets(%arg9 : memref<16xi32, #tpu.memory_space<vmem>>) semaphore(%run_scoped3A : memref<!tpu.dma_semaphore, #tpu.memory_space<semaphore_mem>>) {add = true}
      %dma_wait3A_48 = arith.constant 0 : i32
      %dma_wait3A_49 = arith.constant 0 : i32
      %dma_wait3A_50 = tpu.memref_slice %arg10[%dma_wait3A_48, %dma_wait3A_49] : memref<10112x128xf32, #tpu.memory_space<vmem_shared>> -> memref<10112x128xf32, #tpu.memory_space<vmem_shared>>
      tpu.wait_indirect_dma semaphore(%run_scoped3A : memref<!tpu.dma_semaphore, #tpu.memory_space<semaphore_mem>>) src(%arg8 : memref<16x128xf32, #tpu.memory_space<vmem>>) dst(%dma_wait3A_50 : memref<10112x128xf32, #tpu.memory_space<vmem_shared>>)
      tpu.yield
    }) : () -> ()
    %barrier3A_41 = arith.constant 0 : index
    tpu.barrier barrier_id(%barrier3A_41)
    %mul3A_42 = arith.constant 632 : i32
    %mul3A_43 = arith.muli %arg1, %mul3A_42 : i32
    %mul3A_44 = arith.constant 632 : i32
    %mul3A_45 = arith.muli %arg1, %mul3A_44 : i32
    "tpu.region"() ({
      %run_scoped3A = tpu.sem_alloc : memref<!tpu.dma_semaphore, #tpu.memory_space<semaphore_mem>>
      %dma_start3A = arith.constant 0 : i32
      %dma_start3A_46 = arith.constant 0 : i32
      %dma_start3A_47 = tpu.memref_slice %arg5[%arg0, %dma_start3A, %dma_start3A_46] : memref<2x10112x128xf32, #tpu.memory_space<hbm>> -> memref<1x10112x128xf32, #tpu.memory_space<hbm>>
      %dma_start3A_48 = tpu.memref_squeeze %dma_start3A_47 : memref<1x10112x128xf32, #tpu.memory_space<hbm>> -> memref<10112x128xf32, #tpu.memory_space<hbm>>
      %dma_start3A_49 = arith.constant 0 : i32
      %dma_start3A_50 = tpu.memref_slice %dma_start3A_48[%mul3A_45, %dma_start3A_49] : memref<10112x128xf32, #tpu.memory_space<hbm>> -> memref<632x128xf32, #tpu.memory_space<hbm>>
      %dma_start3A_51 = arith.constant 0 : i32
      %dma_start3A_52 = tpu.memref_slice %arg10[%mul3A_43, %dma_start3A_51] : memref<10112x128xf32, #tpu.memory_space<vmem_shared>> -> memref<632x128xf32, #tpu.memory_space<vmem_shared>>
      tpu.enqueue_dma source(%dma_start3A_52 : memref<632x128xf32, #tpu.memory_space<vmem_shared>>) target(%dma_start3A_50 : memref<632x128xf32, #tpu.memory_space<hbm>>) target_semaphore(%run_scoped3A : memref<!tpu.dma_semaphore, #tpu.memory_space<semaphore_mem>>)
      %dma_wait3A_53 = arith.constant 0 : i32
      %dma_wait3A_54 = arith.constant 0 : i32
      %dma_wait3A_55 = tpu.memref_slice %arg5[%arg0, %dma_wait3A_53, %dma_wait3A_54] : memref<2x10112x128xf32, #tpu.memory_space<hbm>> -> memref<1x10112x128xf32, #tpu.memory_space<hbm>>
      %dma_wait3A_56 = tpu.memref_squeeze %dma_wait3A_55 : memref<1x10112x128xf32, #tpu.memory_space<hbm>> -> memref<10112x128xf32, #tpu.memory_space<hbm>>
      %dma_wait3A_57 = arith.constant 0 : i32
      %dma_wait3A_58 = tpu.memref_slice %dma_wait3A_56[%mul3A_45, %dma_wait3A_57] : memref<10112x128xf32, #tpu.memory_space<hbm>> -> memref<632x128xf32, #tpu.memory_space<hbm>>
      %dma_wait3A_59 = arith.constant 0 : i32
      %dma_wait3A_60 = tpu.memref_slice %arg10[%mul3A_43, %dma_wait3A_59] : memref<10112x128xf32, #tpu.memory_space<vmem_shared>> -> memref<632x128xf32, #tpu.memory_space<vmem_shared>>
      tpu.wait_dma2 semaphore(%run_scoped3A : memref<!tpu.dma_semaphore, #tpu.memory_space<semaphore_mem>>) src(%dma_wait3A_60 : memref<632x128xf32, #tpu.memory_space<vmem_shared>>) dst(%dma_wait3A_58 : memref<632x128xf32, #tpu.memory_space<hbm>>)
      tpu.yield
    }) : () -> ()
    return
  }
}

module attributes {stable_mosaic.version = 14 : i64} {
  func.func @_node_body(%arg0: i32, %arg1: memref<1000x128xf32, #tpu.memory_space<vmem>>, %arg2: memref<1000x128xf32, #tpu.memory_space<vmem>>, %arg3: memref<1000x32xf32, #tpu.memory_space<vmem>>, %arg4: memref<128x128xf32, #tpu.memory_space<vmem>>, %arg5: memref<128x128xf32, #tpu.memory_space<vmem>>, %arg6: memref<32x128xf32, #tpu.memory_space<vmem>>, %arg7: memref<1x128xf32, #tpu.memory_space<vmem>>, %arg8: memref<128x128xf32, #tpu.memory_space<vmem>>, %arg9: memref<128x128xf32, #tpu.memory_space<vmem>>, %arg10: memref<32x128xf32, #tpu.memory_space<vmem>>, %arg11: memref<1x128xf32, #tpu.memory_space<vmem>>, %arg12: memref<128x128xf32, #tpu.memory_space<vmem>>, %arg13: memref<1x128xf32, #tpu.memory_space<vmem>>, %arg14: memref<1x128xf32, #tpu.memory_space<vmem>>, %arg15: memref<1x128xf32, #tpu.memory_space<vmem>>, %arg16: memref<128x128xf32, #tpu.memory_space<vmem>>, %arg17: memref<1x128xf32, #tpu.memory_space<vmem>>, %arg18: memref<128x256xf32, #tpu.memory_space<vmem>>, %arg19: memref<1000x256xf32, #tpu.memory_space<vmem>>, %arg20: memref<1000x128xf32, #tpu.memory_space<vmem>>) attributes {dimension_semantics = [#tpu.dimension_semantics<arbitrary>], iteration_bounds = array<i64: 10>, scalar_prefetch = 0 : i64, scratch_operands = 0 : i64, tpu.core_type = #tpu.core_type<tc>, window_params = [{transform_indices = @transform_0, window_bounds = array<i64: 1000, 128>}, {transform_indices = @transform_1, window_bounds = array<i64: 1000, 128>}, {transform_indices = @transform_2, window_bounds = array<i64: 1000, 32>}, {pipeline_mode = #tpu.pipeline_mode<synchronous>, transform_indices = @transform_3, window_bounds = array<i64: 128, 128>}, {pipeline_mode = #tpu.pipeline_mode<synchronous>, transform_indices = @transform_4, window_bounds = array<i64: 128, 128>}, {pipeline_mode = #tpu.pipeline_mode<synchronous>, transform_indices = @transform_5, window_bounds = array<i64: 32, 128>}, {pipeline_mode = #tpu.pipeline_mode<synchronous>, transform_indices = @transform_6, window_bounds = array<i64: 1, 128>}, {pipeline_mode = #tpu.pipeline_mode<synchronous>, transform_indices = @transform_7, window_bounds = array<i64: 128, 128>}, {pipeline_mode = #tpu.pipeline_mode<synchronous>, transform_indices = @transform_8, window_bounds = array<i64: 128, 128>}, {pipeline_mode = #tpu.pipeline_mode<synchronous>, transform_indices = @transform_9, window_bounds = array<i64: 32, 128>}, {pipeline_mode = #tpu.pipeline_mode<synchronous>, transform_indices = @transform_10, window_bounds = array<i64: 1, 128>}, {pipeline_mode = #tpu.pipeline_mode<synchronous>, transform_indices = @transform_11, window_bounds = array<i64: 128, 128>}, {pipeline_mode = #tpu.pipeline_mode<synchronous>, transform_indices = @transform_12, window_bounds = array<i64: 1, 128>}, {pipeline_mode = #tpu.pipeline_mode<synchronous>, transform_indices = @transform_13, window_bounds = array<i64: 1, 128>}, {pipeline_mode = #tpu.pipeline_mode<synchronous>, transform_indices = @transform_14, window_bounds = array<i64: 1, 128>}, {pipeline_mode = #tpu.pipeline_mode<synchronous>, transform_indices = @transform_15, window_bounds = array<i64: 128, 128>}, {pipeline_mode = #tpu.pipeline_mode<synchronous>, transform_indices = @transform_16, window_bounds = array<i64: 1, 128>}, {pipeline_mode = #tpu.pipeline_mode<synchronous>, transform_indices = @transform_17, window_bounds = array<i64: 128, 256>}, {transform_indices = @transform_18, window_bounds = array<i64: 1000, 256>}, {transform_indices = @transform_19, window_bounds = array<i64: 1000, 128>}]} {
    %get3A = arith.constant 0 : index
    %get3A_0 = arith.constant 0 : index
    %get3A_1 = vector.load %arg1[%get3A, %get3A_0] : memref<1000x128xf32, #tpu.memory_space<vmem>>, vector<1000x128xf32>
    %get3A_2 = arith.constant 0 : index
    %get3A_3 = arith.constant 0 : index
    %get3A_4 = vector.load %arg2[%get3A_2, %get3A_3] : memref<1000x128xf32, #tpu.memory_space<vmem>>, vector<1000x128xf32>
    %get3A_5 = arith.constant 0 : index
    %get3A_6 = arith.constant 0 : index
    %get3A_7 = vector.load %arg3[%get3A_5, %get3A_6] : memref<1000x32xf32, #tpu.memory_space<vmem>>, vector<1000x32xf32>
    %get3A_8 = arith.constant 0 : index
    %get3A_9 = arith.constant 0 : index
    %get3A_10 = vector.load %arg4[%get3A_8, %get3A_9] : memref<128x128xf32, #tpu.memory_space<vmem>>, vector<128x128xf32>
    %dot_general3A = arith.constant dense<0.000000e+00> : vector<1000x128xf32>
    %dot_general3A_11 = tpu.matmul %get3A_1, %get3A_10, %dot_general3A {dimension_numbers = #tpu.dot_dimension_numbers<[1], [0], [0], [1], [0, 0, 1, 1], [], []>, transpose_lhs_hint = false} : vector<1000x128xf32>, vector<128x128xf32>, vector<1000x128xf32> -> vector<1000x128xf32>
    %get3A_12 = arith.constant 0 : index
    %get3A_13 = arith.constant 0 : index
    %get3A_14 = vector.load %arg5[%get3A_12, %get3A_13] : memref<128x128xf32, #tpu.memory_space<vmem>>, vector<128x128xf32>
    %dot_general3A_15 = arith.constant dense<0.000000e+00> : vector<1000x128xf32>
    %dot_general3A_16 = tpu.matmul %get3A_4, %get3A_14, %dot_general3A_15 {dimension_numbers = #tpu.dot_dimension_numbers<[1], [0], [0], [1], [0, 0, 1, 1], [], []>, transpose_lhs_hint = false} : vector<1000x128xf32>, vector<128x128xf32>, vector<1000x128xf32> -> vector<1000x128xf32>
    %add3A = arith.addf %dot_general3A_11, %dot_general3A_16 : vector<1000x128xf32>
    %get3A_17 = arith.constant 0 : index
    %get3A_18 = arith.constant 0 : index
    %get3A_19 = vector.load %arg6[%get3A_17, %get3A_18] : memref<32x128xf32, #tpu.memory_space<vmem>>, vector<32x128xf32>
    %dot_general3A_20 = arith.constant dense<0.000000e+00> : vector<1000x128xf32>
    %dot_general3A_21 = tpu.matmul %get3A_7, %get3A_19, %dot_general3A_20 {dimension_numbers = #tpu.dot_dimension_numbers<[1], [0], [0], [1], [0, 0, 1, 1], [], []>, transpose_lhs_hint = false} : vector<1000x32xf32>, vector<32x128xf32>, vector<1000x128xf32> -> vector<1000x128xf32>
    %add3A_22 = arith.addf %add3A, %dot_general3A_21 : vector<1000x128xf32>
    %get3A_23 = arith.constant 0 : index
    %get3A_24 = arith.constant 0 : index
    %get3A_25 = vector.load %arg7[%get3A_23, %get3A_24] : memref<1x128xf32, #tpu.memory_space<vmem>>, vector<1x128xf32>
    %add3A_26 = vector.broadcast %get3A_25 : vector<1x128xf32> to vector<1000x128xf32>
    %add3A_27 = arith.addf %add3A_22, %add3A_26 : vector<1000x128xf32>
    %get3A_28 = arith.constant 0 : index
    %get3A_29 = arith.constant 0 : index
    %get3A_30 = vector.load %arg8[%get3A_28, %get3A_29] : memref<128x128xf32, #tpu.memory_space<vmem>>, vector<128x128xf32>
    %dot_general3A_31 = arith.constant dense<0.000000e+00> : vector<1000x128xf32>
    %dot_general3A_32 = tpu.matmul %get3A_1, %get3A_30, %dot_general3A_31 {dimension_numbers = #tpu.dot_dimension_numbers<[1], [0], [0], [1], [0, 0, 1, 1], [], []>, transpose_lhs_hint = false} : vector<1000x128xf32>, vector<128x128xf32>, vector<1000x128xf32> -> vector<1000x128xf32>
    %get3A_33 = arith.constant 0 : index
    %get3A_34 = arith.constant 0 : index
    %get3A_35 = vector.load %arg9[%get3A_33, %get3A_34] : memref<128x128xf32, #tpu.memory_space<vmem>>, vector<128x128xf32>
    %dot_general3A_36 = arith.constant dense<0.000000e+00> : vector<1000x128xf32>
    %dot_general3A_37 = tpu.matmul %get3A_4, %get3A_35, %dot_general3A_36 {dimension_numbers = #tpu.dot_dimension_numbers<[1], [0], [0], [1], [0, 0, 1, 1], [], []>, transpose_lhs_hint = false} : vector<1000x128xf32>, vector<128x128xf32>, vector<1000x128xf32> -> vector<1000x128xf32>
    %add3A_38 = arith.addf %dot_general3A_32, %dot_general3A_37 : vector<1000x128xf32>
    %get3A_39 = arith.constant 0 : index
    %get3A_40 = arith.constant 0 : index
    %get3A_41 = vector.load %arg10[%get3A_39, %get3A_40] : memref<32x128xf32, #tpu.memory_space<vmem>>, vector<32x128xf32>
    %dot_general3A_42 = arith.constant dense<0.000000e+00> : vector<1000x128xf32>
    %dot_general3A_43 = tpu.matmul %get3A_7, %get3A_41, %dot_general3A_42 {dimension_numbers = #tpu.dot_dimension_numbers<[1], [0], [0], [1], [0, 0, 1, 1], [], []>, transpose_lhs_hint = false} : vector<1000x32xf32>, vector<32x128xf32>, vector<1000x128xf32> -> vector<1000x128xf32>
    %add3A_44 = arith.addf %add3A_38, %dot_general3A_43 : vector<1000x128xf32>
    %get3A_45 = arith.constant 0 : index
    %get3A_46 = arith.constant 0 : index
    %get3A_47 = vector.load %arg11[%get3A_45, %get3A_46] : memref<1x128xf32, #tpu.memory_space<vmem>>, vector<1x128xf32>
    %add3A_48 = vector.broadcast %get3A_47 : vector<1x128xf32> to vector<1000x128xf32>
    %add3A_49 = arith.addf %add3A_44, %add3A_48 : vector<1000x128xf32>
    %get3A_50 = arith.constant 0 : index
    %get3A_51 = arith.constant 0 : index
    %get3A_52 = vector.load %arg12[%get3A_50, %get3A_51] : memref<128x128xf32, #tpu.memory_space<vmem>>, vector<128x128xf32>
    %dot_general3A_53 = arith.constant dense<0.000000e+00> : vector<1000x128xf32>
    %dot_general3A_54 = tpu.matmul %get3A_1, %get3A_52, %dot_general3A_53 {dimension_numbers = #tpu.dot_dimension_numbers<[1], [0], [0], [1], [0, 0, 1, 1], [], []>, transpose_lhs_hint = false} : vector<1000x128xf32>, vector<128x128xf32>, vector<1000x128xf32> -> vector<1000x128xf32>
    %get3A_55 = arith.constant 0 : index
    %get3A_56 = arith.constant 0 : index
    %get3A_57 = vector.load %arg13[%get3A_55, %get3A_56] : memref<1x128xf32, #tpu.memory_space<vmem>>, vector<1x128xf32>
    %add3A_58 = vector.broadcast %get3A_57 : vector<1x128xf32> to vector<1000x128xf32>
    %add3A_59 = arith.addf %dot_general3A_54, %add3A_58 : vector<1000x128xf32>
    %reduce_sum3A = arith.constant dense<0.000000e+00> : vector<1000xf32>
    %reduce_sum3A_60 = vector.multi_reduction <add>, %add3A_59, %reduce_sum3A [1] : vector<1000x128xf32> to vector<1000xf32>
    %broadcast_in_dim3A = vector.shape_cast %reduce_sum3A_60 : vector<1000xf32> to vector<1000x1xf32>
    %div3A = arith.constant 1.280000e+02 : f32
    %div3A_61 = vector.broadcast %div3A : f32 to vector<1000x1xf32>
    %div3A_62 = arith.divf %broadcast_in_dim3A, %div3A_61 : vector<1000x1xf32>
    %sub3A = vector.broadcast %div3A_62 : vector<1000x1xf32> to vector<1000x128xf32>
    %sub3A_63 = arith.subf %add3A_59, %sub3A : vector<1000x128xf32>
    %integer_pow3A = arith.mulf %sub3A_63, %sub3A_63 : vector<1000x128xf32>
    %reduce_sum3A_64 = arith.constant dense<0.000000e+00> : vector<1000xf32>
    %reduce_sum3A_65 = vector.multi_reduction <add>, %integer_pow3A, %reduce_sum3A_64 [1] : vector<1000x128xf32> to vector<1000xf32>
    %broadcast_in_dim3A_66 = vector.shape_cast %reduce_sum3A_65 : vector<1000xf32> to vector<1000x1xf32>
    %div3A_67 = arith.constant 1.280000e+02 : f32
    %div3A_68 = vector.broadcast %div3A_67 : f32 to vector<1000x1xf32>
    %div3A_69 = arith.divf %broadcast_in_dim3A_66, %div3A_68 : vector<1000x1xf32>
    %sub3A_70 = vector.broadcast %div3A_62 : vector<1000x1xf32> to vector<1000x128xf32>
    %sub3A_71 = arith.subf %add3A_59, %sub3A_70 : vector<1000x128xf32>
    %add3A_72 = arith.constant 9.99999974E-6 : f32
    %add3A_73 = vector.broadcast %add3A_72 : f32 to vector<1000x1xf32>
    %add3A_74 = arith.addf %div3A_69, %add3A_73 : vector<1000x1xf32>
    %rsqrt3A = math.rsqrt %add3A_74 : vector<1000x1xf32>
    %mul3A = vector.broadcast %rsqrt3A : vector<1000x1xf32> to vector<1000x128xf32>
    %mul3A_75 = arith.mulf %sub3A_71, %mul3A : vector<1000x128xf32>
    %get3A_76 = arith.constant 0 : index
    %get3A_77 = arith.constant 0 : index
    %get3A_78 = vector.load %arg14[%get3A_76, %get3A_77] : memref<1x128xf32, #tpu.memory_space<vmem>>, vector<1x128xf32>
    %mul3A_79 = vector.broadcast %get3A_78 : vector<1x128xf32> to vector<1000x128xf32>
    %mul3A_80 = arith.mulf %mul3A_75, %mul3A_79 : vector<1000x128xf32>
    %get3A_81 = arith.constant 0 : index
    %get3A_82 = arith.constant 0 : index
    %get3A_83 = vector.load %arg15[%get3A_81, %get3A_82] : memref<1x128xf32, #tpu.memory_space<vmem>>, vector<1x128xf32>
    %add3A_84 = vector.broadcast %get3A_83 : vector<1x128xf32> to vector<1000x128xf32>
    %add3A_85 = arith.addf %mul3A_80, %add3A_84 : vector<1000x128xf32>
    %max3A = arith.constant 0.000000e+00 : f32
    %max3A_86 = vector.broadcast %max3A : f32 to vector<1000x128xf32>
    %max3A_87 = arith.maximumf %add3A_85, %max3A_86 : vector<1000x128xf32>
    %get3A_88 = arith.constant 0 : index
    %get3A_89 = arith.constant 0 : index
    %get3A_90 = vector.load %arg16[%get3A_88, %get3A_89] : memref<128x128xf32, #tpu.memory_space<vmem>>, vector<128x128xf32>
    %dot_general3A_91 = arith.constant dense<0.000000e+00> : vector<1000x128xf32>
    %dot_general3A_92 = tpu.matmul %max3A_87, %get3A_90, %dot_general3A_91 {dimension_numbers = #tpu.dot_dimension_numbers<[1], [0], [0], [1], [0, 0, 1, 1], [], []>, transpose_lhs_hint = false} : vector<1000x128xf32>, vector<128x128xf32>, vector<1000x128xf32> -> vector<1000x128xf32>
    %get3A_93 = arith.constant 0 : index
    %get3A_94 = arith.constant 0 : index
    %get3A_95 = vector.load %arg17[%get3A_93, %get3A_94] : memref<1x128xf32, #tpu.memory_space<vmem>>, vector<1x128xf32>
    %add3A_96 = vector.broadcast %get3A_95 : vector<1x128xf32> to vector<1000x128xf32>
    %add3A_97 = arith.addf %dot_general3A_92, %add3A_96 : vector<1000x128xf32>
    %concatenate3A = tpu.concatenate %add3A_27, %add3A_49 in 1 : vector<1000x128xf32>, vector<1000x128xf32> -> vector<1000x256xf32>
    %broadcast_in_dim3A_98 = arith.constant 0.000000e+00 : f32
    %broadcast_in_dim3A_99 = vector.broadcast %broadcast_in_dim3A_98 : f32 to vector<1000x128xf32>
    %concatenate3A_100 = tpu.concatenate %add3A_97, %broadcast_in_dim3A_99 in 1 : vector<1000x128xf32>, vector<1000x128xf32> -> vector<1000x256xf32>
    %convert_element_type3A = arith.truncf %concatenate3A : vector<1000x256xf32> to vector<1000x256xbf16>
    %convert_element_type3A_101 = arith.extf %convert_element_type3A : vector<1000x256xbf16> to vector<1000x256xf32>
    %bitcast_convert_type3A = tpu.bitcast %convert_element_type3A_101 : vector<1000x256xf32> -> vector<1000x256xi32>
    %shift_right_logical3A = arith.constant 16 : i32
    %shift_right_logical3A_102 = vector.broadcast %shift_right_logical3A : i32 to vector<1000x256xi32>
    %shift_right_logical3A_103 = arith.shrui %bitcast_convert_type3A, %shift_right_logical3A_102 : vector<1000x256xi32>
    %convert_element_type3A_104 = arith.truncf %concatenate3A_100 : vector<1000x256xf32> to vector<1000x256xbf16>
    %convert_element_type3A_105 = arith.extf %convert_element_type3A_104 : vector<1000x256xbf16> to vector<1000x256xf32>
    %bitcast_convert_type3A_106 = tpu.bitcast %convert_element_type3A_105 : vector<1000x256xf32> -> vector<1000x256xi32>
    %or3A = arith.ori %shift_right_logical3A_103, %bitcast_convert_type3A_106 : vector<1000x256xi32>
    %bitcast_convert_type3A_107 = tpu.bitcast %or3A : vector<1000x256xi32> -> vector<1000x256xf32>
    %swap3A = arith.constant 0 : index
    %swap3A_108 = arith.constant 0 : index
    %swap3A_109 = vector.load %arg19[%swap3A, %swap3A_108] : memref<1000x256xf32, #tpu.memory_space<vmem>>, vector<1000x256xf32>
    tpu.vector_store %arg19[%swap3A, %swap3A_108], %bitcast_convert_type3A_107 {strides = array<i32>} : memref<1000x256xf32, #tpu.memory_space<vmem>>, vector<1000x256xf32>,
    %get3A_110 = arith.constant 0 : index
    %get3A_111 = arith.constant 0 : index
    %get3A_112 = vector.load %arg18[%get3A_110, %get3A_111] : memref<128x256xf32, #tpu.memory_space<vmem>>, vector<128x256xf32>
    %dot_general3A_113 = arith.constant dense<0.000000e+00> : vector<1000x256xf32>
    %dot_general3A_114 = tpu.matmul %get3A_1, %get3A_112, %dot_general3A_113 {dimension_numbers = #tpu.dot_dimension_numbers<[1], [0], [0], [1], [0, 0, 1, 1], [], []>, transpose_lhs_hint = false} : vector<1000x128xf32>, vector<128x256xf32>, vector<1000x256xf32> -> vector<1000x256xf32>
    %slice3A = vector.extract_strided_slice %dot_general3A_114 {offsets = [0, 0], sizes = [1000, 128], strides = [1, 1]} : vector<1000x256xf32> to vector<1000x128xf32>
    %slice3A_115 = vector.extract_strided_slice %dot_general3A_114 {offsets = [0, 128], sizes = [1000, 128], strides = [1, 1]} : vector<1000x256xf32> to vector<1000x128xf32>
    %convert_element_type3A_116 = arith.truncf %slice3A : vector<1000x128xf32> to vector<1000x128xbf16>
    %convert_element_type3A_117 = arith.extf %convert_element_type3A_116 : vector<1000x128xbf16> to vector<1000x128xf32>
    %bitcast_convert_type3A_118 = tpu.bitcast %convert_element_type3A_117 : vector<1000x128xf32> -> vector<1000x128xi32>
    %shift_right_logical3A_119 = arith.constant 16 : i32
    %shift_right_logical3A_120 = vector.broadcast %shift_right_logical3A_119 : i32 to vector<1000x128xi32>
    %shift_right_logical3A_121 = arith.shrui %bitcast_convert_type3A_118, %shift_right_logical3A_120 : vector<1000x128xi32>
    %convert_element_type3A_122 = arith.truncf %slice3A_115 : vector<1000x128xf32> to vector<1000x128xbf16>
    %convert_element_type3A_123 = arith.extf %convert_element_type3A_122 : vector<1000x128xbf16> to vector<1000x128xf32>
    %bitcast_convert_type3A_124 = tpu.bitcast %convert_element_type3A_123 : vector<1000x128xf32> -> vector<1000x128xi32>
    %or3A_125 = arith.ori %shift_right_logical3A_121, %bitcast_convert_type3A_124 : vector<1000x128xi32>
    %bitcast_convert_type3A_126 = tpu.bitcast %or3A_125 : vector<1000x128xi32> -> vector<1000x128xf32>
    %swap3A_127 = arith.constant 0 : index
    %swap3A_128 = arith.constant 0 : index
    %swap3A_129 = vector.load %arg20[%swap3A_127, %swap3A_128] : memref<1000x128xf32, #tpu.memory_space<vmem>>, vector<1000x128xf32>
    tpu.vector_store %arg20[%swap3A_127, %swap3A_128], %bitcast_convert_type3A_126 {strides = array<i32>} : memref<1000x128xf32, #tpu.memory_space<vmem>>, vector<1000x128xf32>,
    return
  }
  func.func @transform_0(%arg0: i32) -> (i32, i32) {
    %c0_i32 = arith.constant 0 : i32
    %c0_i32_0 = arith.constant 0 : i32
    return %arg0, %c0_i32 : i32, i32
  }
  func.func @transform_1(%arg0: i32) -> (i32, i32) {
    %c0_i32 = arith.constant 0 : i32
    %c0_i32_0 = arith.constant 0 : i32
    return %arg0, %c0_i32 : i32, i32
  }
  func.func @transform_2(%arg0: i32) -> (i32, i32) {
    %c0_i32 = arith.constant 0 : i32
    %c0_i32_0 = arith.constant 0 : i32
    return %arg0, %c0_i32 : i32, i32
  }
  func.func @transform_3(%arg0: i32) -> (i32, i32) {
    %c0_i32 = arith.constant 0 : i32
    %c0_i32_0 = arith.constant 0 : i32
    %c0_i32_1 = arith.constant 0 : i32
    return %c0_i32, %c0_i32_0 : i32, i32
  }
  func.func @transform_4(%arg0: i32) -> (i32, i32) {
    %c0_i32 = arith.constant 0 : i32
    %c0_i32_0 = arith.constant 0 : i32
    %c0_i32_1 = arith.constant 0 : i32
    return %c0_i32, %c0_i32_0 : i32, i32
  }
  func.func @transform_5(%arg0: i32) -> (i32, i32) {
    %c0_i32 = arith.constant 0 : i32
    %c0_i32_0 = arith.constant 0 : i32
    %c0_i32_1 = arith.constant 0 : i32
    return %c0_i32, %c0_i32_0 : i32, i32
  }
  func.func @transform_6(%arg0: i32) -> (i32, i32) {
    %c0_i32 = arith.constant 0 : i32
    %c0_i32_0 = arith.constant 0 : i32
    %c0_i32_1 = arith.constant 0 : i32
    return %c0_i32, %c0_i32_0 : i32, i32
  }
  func.func @transform_7(%arg0: i32) -> (i32, i32) {
    %c0_i32 = arith.constant 0 : i32
    %c0_i32_0 = arith.constant 0 : i32
    %c0_i32_1 = arith.constant 0 : i32
    return %c0_i32, %c0_i32_0 : i32, i32
  }
  func.func @transform_8(%arg0: i32) -> (i32, i32) {
    %c0_i32 = arith.constant 0 : i32
    %c0_i32_0 = arith.constant 0 : i32
    %c0_i32_1 = arith.constant 0 : i32
    return %c0_i32, %c0_i32_0 : i32, i32
  }
  func.func @transform_9(%arg0: i32) -> (i32, i32) {
    %c0_i32 = arith.constant 0 : i32
    %c0_i32_0 = arith.constant 0 : i32
    %c0_i32_1 = arith.constant 0 : i32
    return %c0_i32, %c0_i32_0 : i32, i32
  }
  func.func @transform_10(%arg0: i32) -> (i32, i32) {
    %c0_i32 = arith.constant 0 : i32
    %c0_i32_0 = arith.constant 0 : i32
    %c0_i32_1 = arith.constant 0 : i32
    return %c0_i32, %c0_i32_0 : i32, i32
  }
  func.func @transform_11(%arg0: i32) -> (i32, i32) {
    %c0_i32 = arith.constant 0 : i32
    %c0_i32_0 = arith.constant 0 : i32
    %c0_i32_1 = arith.constant 0 : i32
    return %c0_i32, %c0_i32_0 : i32, i32
  }
  func.func @transform_12(%arg0: i32) -> (i32, i32) {
    %c0_i32 = arith.constant 0 : i32
    %c0_i32_0 = arith.constant 0 : i32
    %c0_i32_1 = arith.constant 0 : i32
    return %c0_i32, %c0_i32_0 : i32, i32
  }
  func.func @transform_13(%arg0: i32) -> (i32, i32) {
    %c0_i32 = arith.constant 0 : i32
    %c0_i32_0 = arith.constant 0 : i32
    %c0_i32_1 = arith.constant 0 : i32
    return %c0_i32, %c0_i32_0 : i32, i32
  }
  func.func @transform_14(%arg0: i32) -> (i32, i32) {
    %c0_i32 = arith.constant 0 : i32
    %c0_i32_0 = arith.constant 0 : i32
    %c0_i32_1 = arith.constant 0 : i32
    return %c0_i32, %c0_i32_0 : i32, i32
  }
  func.func @transform_15(%arg0: i32) -> (i32, i32) {
    %c0_i32 = arith.constant 0 : i32
    %c0_i32_0 = arith.constant 0 : i32
    %c0_i32_1 = arith.constant 0 : i32
    return %c0_i32, %c0_i32_0 : i32, i32
  }
  func.func @transform_16(%arg0: i32) -> (i32, i32) {
    %c0_i32 = arith.constant 0 : i32
    %c0_i32_0 = arith.constant 0 : i32
    %c0_i32_1 = arith.constant 0 : i32
    return %c0_i32, %c0_i32_0 : i32, i32
  }
  func.func @transform_17(%arg0: i32) -> (i32, i32) {
    %c0_i32 = arith.constant 0 : i32
    %c0_i32_0 = arith.constant 0 : i32
    %c0_i32_1 = arith.constant 0 : i32
    return %c0_i32, %c0_i32_0 : i32, i32
  }
  func.func @transform_18(%arg0: i32) -> (i32, i32) {
    %c0_i32 = arith.constant 0 : i32
    %c0_i32_0 = arith.constant 0 : i32
    return %arg0, %c0_i32 : i32, i32
  }
  func.func @transform_19(%arg0: i32) -> (i32, i32) {
    %c0_i32 = arith.constant 0 : i32
    %c0_i32_0 = arith.constant 0 : i32
    return %arg0, %c0_i32 : i32, i32
  }
}

module attributes {stable_mosaic.version = 14 : i64} {
  func.func @_edge_body(%arg0: i32, %arg1: memref<3200x256xf32, #tpu.memory_space<vmem>>, %arg2: memref<3200x128xf32, #tpu.memory_space<vmem>>, %arg3: memref<3200x16xf32, #tpu.memory_space<vmem>>, %arg4: memref<3200x16xf32, #tpu.memory_space<vmem>>, %arg5: memref<3200x1xf32, #tpu.memory_space<vmem>>, %arg6: memref<3200x3xf32, #tpu.memory_space<vmem>>, %arg7: memref<32x256xf32, #tpu.memory_space<vmem>>, %arg8: memref<1x128xf32, #tpu.memory_space<vmem>>, %arg9: memref<1x128xf32, #tpu.memory_space<vmem>>, %arg10: memref<128x128xf32, #tpu.memory_space<vmem>>, %arg11: memref<1x128xf32, #tpu.memory_space<vmem>>, %arg12: memref<1x128xf32, #tpu.memory_space<vmem>>, %arg13: memref<1x128xf32, #tpu.memory_space<vmem>>, %arg14: memref<128x128xf32, #tpu.memory_space<vmem>>, %arg15: memref<1x128xf32, #tpu.memory_space<vmem>>, %arg16: memref<128x128xf32, #tpu.memory_space<vmem>>, %arg17: memref<4x128xf32, #tpu.memory_space<vmem>>, %arg18: memref<3200x128xf32, #tpu.memory_space<vmem>>) attributes {dimension_semantics = [#tpu.dimension_semantics<arbitrary>], iteration_bounds = array<i64: 100>, scalar_prefetch = 0 : i64, scratch_operands = 0 : i64, tpu.core_type = #tpu.core_type<tc>, window_params = [{transform_indices = @transform_0, window_bounds = array<i64: 3200, 256>}, {transform_indices = @transform_1, window_bounds = array<i64: 3200, 128>}, {transform_indices = @transform_2, window_bounds = array<i64: 3200, 16>}, {transform_indices = @transform_3, window_bounds = array<i64: 3200, 16>}, {transform_indices = @transform_4, window_bounds = array<i64: 3200, 1>}, {transform_indices = @transform_5, window_bounds = array<i64: 3200, 3>}, {pipeline_mode = #tpu.pipeline_mode<synchronous>, transform_indices = @transform_6, window_bounds = array<i64: 32, 256>}, {pipeline_mode = #tpu.pipeline_mode<synchronous>, transform_indices = @transform_7, window_bounds = array<i64: 1, 128>}, {pipeline_mode = #tpu.pipeline_mode<synchronous>, transform_indices = @transform_8, window_bounds = array<i64: 1, 128>}, {pipeline_mode = #tpu.pipeline_mode<synchronous>, transform_indices = @transform_9, window_bounds = array<i64: 128, 128>}, {pipeline_mode = #tpu.pipeline_mode<synchronous>, transform_indices = @transform_10, window_bounds = array<i64: 1, 128>}, {pipeline_mode = #tpu.pipeline_mode<synchronous>, transform_indices = @transform_11, window_bounds = array<i64: 1, 128>}, {pipeline_mode = #tpu.pipeline_mode<synchronous>, transform_indices = @transform_12, window_bounds = array<i64: 1, 128>}, {pipeline_mode = #tpu.pipeline_mode<synchronous>, transform_indices = @transform_13, window_bounds = array<i64: 128, 128>}, {pipeline_mode = #tpu.pipeline_mode<synchronous>, transform_indices = @transform_14, window_bounds = array<i64: 1, 128>}, {pipeline_mode = #tpu.pipeline_mode<synchronous>, transform_indices = @transform_15, window_bounds = array<i64: 128, 128>}, {pipeline_mode = #tpu.pipeline_mode<synchronous>, transform_indices = @transform_16, window_bounds = array<i64: 4, 128>}, {transform_indices = @transform_17, window_bounds = array<i64: 3200, 128>}]} {
    %get3A = arith.constant 0 : index
    %get3A_0 = arith.constant 0 : index
    %get3A_1 = vector.load %arg1[%get3A, %get3A_0] : memref<3200x256xf32, #tpu.memory_space<vmem>>, vector<3200x256xf32>
    %get3A_2 = arith.constant 0 : index
    %get3A_3 = arith.constant 0 : index
    %get3A_4 = vector.load %arg2[%get3A_2, %get3A_3] : memref<3200x128xf32, #tpu.memory_space<vmem>>, vector<3200x128xf32>
    %bitcast_convert_type3A = tpu.bitcast %get3A_1 : vector<3200x256xf32> -> vector<3200x256xi32>
    %shift_left3A = arith.constant 16 : i32
    %shift_left3A_5 = vector.broadcast %shift_left3A : i32 to vector<3200x256xi32>
    %shift_left3A_6 = arith.shli %bitcast_convert_type3A, %shift_left3A_5 : vector<3200x256xi32>
    %bitcast_convert_type3A_7 = tpu.bitcast %shift_left3A_6 : vector<3200x256xi32> -> vector<3200x256xf32>
    %bitcast_convert_type3A_8 = tpu.bitcast %get3A_1 : vector<3200x256xf32> -> vector<3200x256xi32>
    %and3A = arith.constant -65536 : i32
    %and3A_9 = vector.broadcast %and3A : i32 to vector<3200x256xi32>
    %and3A_10 = arith.andi %bitcast_convert_type3A_8, %and3A_9 : vector<3200x256xi32>
    %bitcast_convert_type3A_11 = tpu.bitcast %and3A_10 : vector<3200x256xi32> -> vector<3200x256xf32>
    %slice3A = vector.extract_strided_slice %bitcast_convert_type3A_11 {offsets = [0, 0], sizes = [3200, 128], strides = [1, 1]} : vector<3200x256xf32> to vector<3200x128xf32>
    %get3A_12 = arith.constant 0 : index
    %get3A_13 = arith.constant 0 : index
    %get3A_14 = vector.load %arg7[%get3A_12, %get3A_13] : memref<32x256xf32, #tpu.memory_space<vmem>>, vector<32x256xf32>
    %get3A_15 = arith.constant 0 : index
    %get3A_16 = arith.constant 0 : index
    %get3A_17 = vector.load %arg3[%get3A_15, %get3A_16] : memref<3200x16xf32, #tpu.memory_space<vmem>>, vector<3200x16xf32>
    %slice3A_18 = vector.extract_strided_slice %get3A_14 {offsets = [0, 0], sizes = [16, 256], strides = [1, 1]} : vector<32x256xf32> to vector<16x256xf32>
    %dot_general3A = arith.constant dense<0.000000e+00> : vector<3200x256xf32>
    %dot_general3A_19 = tpu.matmul %get3A_17, %slice3A_18, %dot_general3A {dimension_numbers = #tpu.dot_dimension_numbers<[1], [0], [0], [1], [0, 0, 1, 1], [], []>, transpose_lhs_hint = false} : vector<3200x16xf32>, vector<16x256xf32>, vector<3200x256xf32> -> vector<3200x256xf32>
    %get3A_20 = arith.constant 0 : index
    %get3A_21 = arith.constant 0 : index
    %get3A_22 = vector.load %arg4[%get3A_20, %get3A_21] : memref<3200x16xf32, #tpu.memory_space<vmem>>, vector<3200x16xf32>
    %slice3A_23 = vector.extract_strided_slice %get3A_14 {offsets = [16, 0], sizes = [16, 256], strides = [1, 1]} : vector<32x256xf32> to vector<16x256xf32>
    %dot_general3A_24 = arith.constant dense<0.000000e+00> : vector<3200x256xf32>
    %dot_general3A_25 = tpu.matmul %get3A_22, %slice3A_23, %dot_general3A_24 {dimension_numbers = #tpu.dot_dimension_numbers<[1], [0], [0], [1], [0, 0, 1, 1], [], []>, transpose_lhs_hint = false} : vector<3200x16xf32>, vector<16x256xf32>, vector<3200x256xf32> -> vector<3200x256xf32>
    %add3A = arith.addf %dot_general3A_19, %dot_general3A_25 : vector<3200x256xf32>
    %slice3A_26 = vector.extract_strided_slice %bitcast_convert_type3A_7 {offsets = [0, 0], sizes = [3200, 128], strides = [1, 1]} : vector<3200x256xf32> to vector<3200x128xf32>
    %bitcast_convert_type3A_27 = tpu.bitcast %get3A_4 : vector<3200x128xf32> -> vector<3200x128xi32>
    %shift_left3A_28 = arith.constant 16 : i32
    %shift_left3A_29 = vector.broadcast %shift_left3A_28 : i32 to vector<3200x128xi32>
    %shift_left3A_30 = arith.shli %bitcast_convert_type3A_27, %shift_left3A_29 : vector<3200x128xi32>
    %bitcast_convert_type3A_31 = tpu.bitcast %shift_left3A_30 : vector<3200x128xi32> -> vector<3200x128xf32>
    %add3A_32 = arith.addf %slice3A_26, %bitcast_convert_type3A_31 : vector<3200x128xf32>
    %slice3A_33 = vector.extract_strided_slice %add3A {offsets = [0, 0], sizes = [3200, 128], strides = [1, 1]} : vector<3200x256xf32> to vector<3200x128xf32>
    %add3A_34 = arith.addf %add3A_32, %slice3A_33 : vector<3200x128xf32>
    %slice3A_35 = vector.extract_strided_slice %bitcast_convert_type3A_7 {offsets = [0, 128], sizes = [3200, 128], strides = [1, 1]} : vector<3200x256xf32> to vector<3200x128xf32>
    %bitcast_convert_type3A_36 = tpu.bitcast %get3A_4 : vector<3200x128xf32> -> vector<3200x128xi32>
    %and3A_37 = arith.constant -65536 : i32
    %and3A_38 = vector.broadcast %and3A_37 : i32 to vector<3200x128xi32>
    %and3A_39 = arith.andi %bitcast_convert_type3A_36, %and3A_38 : vector<3200x128xi32>
    %bitcast_convert_type3A_40 = tpu.bitcast %and3A_39 : vector<3200x128xi32> -> vector<3200x128xf32>
    %add3A_41 = arith.addf %slice3A_35, %bitcast_convert_type3A_40 : vector<3200x128xf32>
    %slice3A_42 = vector.extract_strided_slice %add3A {offsets = [0, 128], sizes = [3200, 128], strides = [1, 1]} : vector<3200x256xf32> to vector<3200x128xf32>
    %add3A_43 = arith.addf %add3A_41, %slice3A_42 : vector<3200x128xf32>
    %get3A_44 = arith.constant 0 : index
    %get3A_45 = arith.constant 0 : index
    %get3A_46 = vector.load %arg8[%get3A_44, %get3A_45] : memref<1x128xf32, #tpu.memory_space<vmem>>, vector<1x128xf32>
    %get3A_47 = arith.constant 0 : index
    %get3A_48 = arith.constant 0 : index
    %get3A_49 = vector.load %arg9[%get3A_47, %get3A_48] : memref<1x128xf32, #tpu.memory_space<vmem>>, vector<1x128xf32>
    %reduce_sum3A = arith.constant dense<0.000000e+00> : vector<3200xf32>
    %reduce_sum3A_50 = vector.multi_reduction <add>, %add3A_34, %reduce_sum3A [1] : vector<3200x128xf32> to vector<3200xf32>
    %broadcast_in_dim3A = vector.shape_cast %reduce_sum3A_50 : vector<3200xf32> to vector<3200x1xf32>
    %div3A = arith.constant 1.280000e+02 : f32
    %div3A_51 = vector.broadcast %div3A : f32 to vector<3200x1xf32>
    %div3A_52 = arith.divf %broadcast_in_dim3A, %div3A_51 : vector<3200x1xf32>
    %sub3A = vector.broadcast %div3A_52 : vector<3200x1xf32> to vector<3200x128xf32>
    %sub3A_53 = arith.subf %add3A_34, %sub3A : vector<3200x128xf32>
    %integer_pow3A = arith.mulf %sub3A_53, %sub3A_53 : vector<3200x128xf32>
    %reduce_sum3A_54 = arith.constant dense<0.000000e+00> : vector<3200xf32>
    %reduce_sum3A_55 = vector.multi_reduction <add>, %integer_pow3A, %reduce_sum3A_54 [1] : vector<3200x128xf32> to vector<3200xf32>
    %broadcast_in_dim3A_56 = vector.shape_cast %reduce_sum3A_55 : vector<3200xf32> to vector<3200x1xf32>
    %div3A_57 = arith.constant 1.280000e+02 : f32
    %div3A_58 = vector.broadcast %div3A_57 : f32 to vector<3200x1xf32>
    %div3A_59 = arith.divf %broadcast_in_dim3A_56, %div3A_58 : vector<3200x1xf32>
    %sub3A_60 = vector.broadcast %div3A_52 : vector<3200x1xf32> to vector<3200x128xf32>
    %sub3A_61 = arith.subf %add3A_34, %sub3A_60 : vector<3200x128xf32>
    %add3A_62 = arith.constant 9.99999974E-6 : f32
    %add3A_63 = vector.broadcast %add3A_62 : f32 to vector<3200x1xf32>
    %add3A_64 = arith.addf %div3A_59, %add3A_63 : vector<3200x1xf32>
    %rsqrt3A = math.rsqrt %add3A_64 : vector<3200x1xf32>
    %mul3A = vector.broadcast %rsqrt3A : vector<3200x1xf32> to vector<3200x128xf32>
    %mul3A_65 = arith.mulf %sub3A_61, %mul3A : vector<3200x128xf32>
    %mul3A_66 = vector.broadcast %get3A_46 : vector<1x128xf32> to vector<3200x128xf32>
    %mul3A_67 = arith.mulf %mul3A_65, %mul3A_66 : vector<3200x128xf32>
    %add3A_68 = vector.broadcast %get3A_49 : vector<1x128xf32> to vector<3200x128xf32>
    %add3A_69 = arith.addf %mul3A_67, %add3A_68 : vector<3200x128xf32>
    %max3A = arith.constant 0.000000e+00 : f32
    %max3A_70 = vector.broadcast %max3A : f32 to vector<3200x128xf32>
    %max3A_71 = arith.maximumf %add3A_69, %max3A_70 : vector<3200x128xf32>
    %get3A_72 = arith.constant 0 : index
    %get3A_73 = arith.constant 0 : index
    %get3A_74 = vector.load %arg12[%get3A_72, %get3A_73] : memref<1x128xf32, #tpu.memory_space<vmem>>, vector<1x128xf32>
    %get3A_75 = arith.constant 0 : index
    %get3A_76 = arith.constant 0 : index
    %get3A_77 = vector.load %arg13[%get3A_75, %get3A_76] : memref<1x128xf32, #tpu.memory_space<vmem>>, vector<1x128xf32>
    %reduce_sum3A_78 = arith.constant dense<0.000000e+00> : vector<3200xf32>
    %reduce_sum3A_79 = vector.multi_reduction <add>, %add3A_43, %reduce_sum3A_78 [1] : vector<3200x128xf32> to vector<3200xf32>
    %broadcast_in_dim3A_80 = vector.shape_cast %reduce_sum3A_79 : vector<3200xf32> to vector<3200x1xf32>
    %div3A_81 = arith.constant 1.280000e+02 : f32
    %div3A_82 = vector.broadcast %div3A_81 : f32 to vector<3200x1xf32>
    %div3A_83 = arith.divf %broadcast_in_dim3A_80, %div3A_82 : vector<3200x1xf32>
    %sub3A_84 = vector.broadcast %div3A_83 : vector<3200x1xf32> to vector<3200x128xf32>
    %sub3A_85 = arith.subf %add3A_43, %sub3A_84 : vector<3200x128xf32>
    %integer_pow3A_86 = arith.mulf %sub3A_85, %sub3A_85 : vector<3200x128xf32>
    %reduce_sum3A_87 = arith.constant dense<0.000000e+00> : vector<3200xf32>
    %reduce_sum3A_88 = vector.multi_reduction <add>, %integer_pow3A_86, %reduce_sum3A_87 [1] : vector<3200x128xf32> to vector<3200xf32>
    %broadcast_in_dim3A_89 = vector.shape_cast %reduce_sum3A_88 : vector<3200xf32> to vector<3200x1xf32>
    %div3A_90 = arith.constant 1.280000e+02 : f32
    %div3A_91 = vector.broadcast %div3A_90 : f32 to vector<3200x1xf32>
    %div3A_92 = arith.divf %broadcast_in_dim3A_89, %div3A_91 : vector<3200x1xf32>
    %sub3A_93 = vector.broadcast %div3A_83 : vector<3200x1xf32> to vector<3200x128xf32>
    %sub3A_94 = arith.subf %add3A_43, %sub3A_93 : vector<3200x128xf32>
    %add3A_95 = arith.constant 9.99999974E-6 : f32
    %add3A_96 = vector.broadcast %add3A_95 : f32 to vector<3200x1xf32>
    %add3A_97 = arith.addf %div3A_92, %add3A_96 : vector<3200x1xf32>
    %rsqrt3A_98 = math.rsqrt %add3A_97 : vector<3200x1xf32>
    %mul3A_99 = vector.broadcast %rsqrt3A_98 : vector<3200x1xf32> to vector<3200x128xf32>
    %mul3A_100 = arith.mulf %sub3A_94, %mul3A_99 : vector<3200x128xf32>
    %mul3A_101 = vector.broadcast %get3A_74 : vector<1x128xf32> to vector<3200x128xf32>
    %mul3A_102 = arith.mulf %mul3A_100, %mul3A_101 : vector<3200x128xf32>
    %add3A_103 = vector.broadcast %get3A_77 : vector<1x128xf32> to vector<3200x128xf32>
    %add3A_104 = arith.addf %mul3A_102, %add3A_103 : vector<3200x128xf32>
    %max3A_105 = arith.constant 0.000000e+00 : f32
    %max3A_106 = vector.broadcast %max3A_105 : f32 to vector<3200x128xf32>
    %max3A_107 = arith.maximumf %add3A_104, %max3A_106 : vector<3200x128xf32>
    %get3A_108 = arith.constant 0 : index
    %get3A_109 = arith.constant 0 : index
    %get3A_110 = vector.load %arg10[%get3A_108, %get3A_109] : memref<128x128xf32, #tpu.memory_space<vmem>>, vector<128x128xf32>
    %dot_general3A_111 = arith.constant dense<0.000000e+00> : vector<3200x128xf32>
    %dot_general3A_112 = tpu.matmul %max3A_71, %get3A_110, %dot_general3A_111 {dimension_numbers = #tpu.dot_dimension_numbers<[1], [0], [0], [1], [0, 0, 1, 1], [], []>, transpose_lhs_hint = false} : vector<3200x128xf32>, vector<128x128xf32>, vector<3200x128xf32> -> vector<3200x128xf32>
    %get3A_113 = arith.constant 0 : index
    %get3A_114 = arith.constant 0 : index
    %get3A_115 = vector.load %arg11[%get3A_113, %get3A_114] : memref<1x128xf32, #tpu.memory_space<vmem>>, vector<1x128xf32>
    %add3A_116 = vector.broadcast %get3A_115 : vector<1x128xf32> to vector<3200x128xf32>
    %add3A_117 = arith.addf %dot_general3A_112, %add3A_116 : vector<3200x128xf32>
    %mul3A_118 = arith.mulf %slice3A, %add3A_117 : vector<3200x128xf32>
    %get3A_119 = arith.constant 0 : index
    %get3A_120 = arith.constant 0 : index
    %get3A_121 = vector.load %arg16[%get3A_119, %get3A_120] : memref<128x128xf32, #tpu.memory_space<vmem>>, vector<128x128xf32>
    %dot_general3A_122 = arith.constant dense<0.000000e+00> : vector<3200x128xf32>
    %dot_general3A_123 = tpu.matmul %mul3A_118, %get3A_121, %dot_general3A_122 {dimension_numbers = #tpu.dot_dimension_numbers<[1], [0], [0], [1], [0, 0, 1, 1], [], []>, transpose_lhs_hint = false} : vector<3200x128xf32>, vector<128x128xf32>, vector<3200x128xf32> -> vector<3200x128xf32>
    %exp3A = math.exp %dot_general3A_123 : vector<3200x128xf32>
    %get3A_124 = arith.constant 0 : index
    %get3A_125 = arith.constant 0 : index
    %get3A_126 = vector.load %arg14[%get3A_124, %get3A_125] : memref<128x128xf32, #tpu.memory_space<vmem>>, vector<128x128xf32>
    %dot_general3A_127 = arith.constant dense<0.000000e+00> : vector<3200x128xf32>
    %dot_general3A_128 = tpu.matmul %max3A_107, %get3A_126, %dot_general3A_127 {dimension_numbers = #tpu.dot_dimension_numbers<[1], [0], [0], [1], [0, 0, 1, 1], [], []>, transpose_lhs_hint = false} : vector<3200x128xf32>, vector<128x128xf32>, vector<3200x128xf32> -> vector<3200x128xf32>
    %get3A_129 = arith.constant 0 : index
    %get3A_130 = arith.constant 0 : index
    %get3A_131 = vector.load %arg15[%get3A_129, %get3A_130] : memref<1x128xf32, #tpu.memory_space<vmem>>, vector<1x128xf32>
    %add3A_132 = vector.broadcast %get3A_131 : vector<1x128xf32> to vector<3200x128xf32>
    %add3A_133 = arith.addf %dot_general3A_128, %add3A_132 : vector<3200x128xf32>
    %broadcast_in_dim3A_134 = arith.constant 1.000000e+00 : f32
    %broadcast_in_dim3A_135 = vector.broadcast %broadcast_in_dim3A_134 : f32 to vector<3200x1xf32>
    %get3A_136 = arith.constant 0 : index
    %get3A_137 = arith.constant 0 : index
    %get3A_138 = vector.load %arg6[%get3A_136, %get3A_137] : memref<3200x3xf32, #tpu.memory_space<vmem>>, vector<3200x3xf32>
    %get3A_139 = arith.constant 0 : index
    %get3A_140 = arith.constant 0 : index
    %get3A_141 = vector.load %arg5[%get3A_139, %get3A_140] : memref<3200x1xf32, #tpu.memory_space<vmem>>, vector<3200x1xf32>
    %mul3A_142 = vector.broadcast %get3A_141 : vector<3200x1xf32> to vector<3200x3xf32>
    %mul3A_143 = arith.mulf %get3A_138, %mul3A_142 : vector<3200x3xf32>
    %concatenate3A = tpu.concatenate %broadcast_in_dim3A_135, %mul3A_143 in 1 : vector<3200x1xf32>, vector<3200x3xf32> -> vector<3200x4xf32>
    %mul3A_144 = arith.mulf %exp3A, %add3A_133 : vector<3200x128xf32>
    %get3A_145 = arith.constant 0 : index
    %get3A_146 = arith.constant 0 : index
    %get3A_147 = vector.load %arg17[%get3A_145, %get3A_146] : memref<4x128xf32, #tpu.memory_space<vmem>>, vector<4x128xf32>
    %dot_general3A_148 = arith.constant dense<0.000000e+00> : vector<3200x128xf32>
    %dot_general3A_149 = tpu.matmul %concatenate3A, %get3A_147, %dot_general3A_148 {dimension_numbers = #tpu.dot_dimension_numbers<[1], [0], [0], [1], [0, 0, 1, 1], [], []>, transpose_lhs_hint = false} : vector<3200x4xf32>, vector<4x128xf32>, vector<3200x128xf32> -> vector<3200x128xf32>
    %mul3A_150 = arith.mulf %mul3A_144, %dot_general3A_149 : vector<3200x128xf32>
    %swap3A = arith.constant 0 : index
    %swap3A_151 = arith.constant 0 : index
    %swap3A_152 = vector.load %arg18[%swap3A, %swap3A_151] : memref<3200x128xf32, #tpu.memory_space<vmem>>, vector<3200x128xf32>
    tpu.vector_store %arg18[%swap3A, %swap3A_151], %mul3A_150 {strides = array<i32>} : memref<3200x128xf32, #tpu.memory_space<vmem>>, vector<3200x128xf32>,
    return
  }
  func.func @transform_0(%arg0: i32) -> (i32, i32) {
    %c0_i32 = arith.constant 0 : i32
    %c0_i32_0 = arith.constant 0 : i32
    return %arg0, %c0_i32 : i32, i32
  }
  func.func @transform_1(%arg0: i32) -> (i32, i32) {
    %c0_i32 = arith.constant 0 : i32
    %c0_i32_0 = arith.constant 0 : i32
    return %arg0, %c0_i32 : i32, i32
  }
  func.func @transform_2(%arg0: i32) -> (i32, i32) {
    %c0_i32 = arith.constant 0 : i32
    %c0_i32_0 = arith.constant 0 : i32
    return %arg0, %c0_i32 : i32, i32
  }
  func.func @transform_3(%arg0: i32) -> (i32, i32) {
    %c0_i32 = arith.constant 0 : i32
    %c0_i32_0 = arith.constant 0 : i32
    return %arg0, %c0_i32 : i32, i32
  }
  func.func @transform_4(%arg0: i32) -> (i32, i32) {
    %c0_i32 = arith.constant 0 : i32
    %c0_i32_0 = arith.constant 0 : i32
    return %arg0, %c0_i32 : i32, i32
  }
  func.func @transform_5(%arg0: i32) -> (i32, i32) {
    %c0_i32 = arith.constant 0 : i32
    %c0_i32_0 = arith.constant 0 : i32
    return %arg0, %c0_i32 : i32, i32
  }
  func.func @transform_6(%arg0: i32) -> (i32, i32) {
    %c0_i32 = arith.constant 0 : i32
    %c0_i32_0 = arith.constant 0 : i32
    %c0_i32_1 = arith.constant 0 : i32
    return %c0_i32, %c0_i32_0 : i32, i32
  }
  func.func @transform_7(%arg0: i32) -> (i32, i32) {
    %c0_i32 = arith.constant 0 : i32
    %c0_i32_0 = arith.constant 0 : i32
    %c0_i32_1 = arith.constant 0 : i32
    return %c0_i32, %c0_i32_0 : i32, i32
  }
  func.func @transform_8(%arg0: i32) -> (i32, i32) {
    %c0_i32 = arith.constant 0 : i32
    %c0_i32_0 = arith.constant 0 : i32
    %c0_i32_1 = arith.constant 0 : i32
    return %c0_i32, %c0_i32_0 : i32, i32
  }
  func.func @transform_9(%arg0: i32) -> (i32, i32) {
    %c0_i32 = arith.constant 0 : i32
    %c0_i32_0 = arith.constant 0 : i32
    %c0_i32_1 = arith.constant 0 : i32
    return %c0_i32, %c0_i32_0 : i32, i32
  }
  func.func @transform_10(%arg0: i32) -> (i32, i32) {
    %c0_i32 = arith.constant 0 : i32
    %c0_i32_0 = arith.constant 0 : i32
    %c0_i32_1 = arith.constant 0 : i32
    return %c0_i32, %c0_i32_0 : i32, i32
  }
  func.func @transform_11(%arg0: i32) -> (i32, i32) {
    %c0_i32 = arith.constant 0 : i32
    %c0_i32_0 = arith.constant 0 : i32
    %c0_i32_1 = arith.constant 0 : i32
    return %c0_i32, %c0_i32_0 : i32, i32
  }
  func.func @transform_12(%arg0: i32) -> (i32, i32) {
    %c0_i32 = arith.constant 0 : i32
    %c0_i32_0 = arith.constant 0 : i32
    %c0_i32_1 = arith.constant 0 : i32
    return %c0_i32, %c0_i32_0 : i32, i32
  }
  func.func @transform_13(%arg0: i32) -> (i32, i32) {
    %c0_i32 = arith.constant 0 : i32
    %c0_i32_0 = arith.constant 0 : i32
    %c0_i32_1 = arith.constant 0 : i32
    return %c0_i32, %c0_i32_0 : i32, i32
  }
  func.func @transform_14(%arg0: i32) -> (i32, i32) {
    %c0_i32 = arith.constant 0 : i32
    %c0_i32_0 = arith.constant 0 : i32
    %c0_i32_1 = arith.constant 0 : i32
    return %c0_i32, %c0_i32_0 : i32, i32
  }
  func.func @transform_15(%arg0: i32) -> (i32, i32) {
    %c0_i32 = arith.constant 0 : i32
    %c0_i32_0 = arith.constant 0 : i32
    %c0_i32_1 = arith.constant 0 : i32
    return %c0_i32, %c0_i32_0 : i32, i32
  }
  func.func @transform_16(%arg0: i32) -> (i32, i32) {
    %c0_i32 = arith.constant 0 : i32
    %c0_i32_0 = arith.constant 0 : i32
    %c0_i32_1 = arith.constant 0 : i32
    return %c0_i32, %c0_i32_0 : i32, i32
  }
  func.func @transform_17(%arg0: i32) -> (i32, i32) {
    %c0_i32 = arith.constant 0 : i32
    %c0_i32_0 = arith.constant 0 : i32
    return %arg0, %c0_i32 : i32, i32
  }
}

module attributes {stable_mosaic.version = 14 : i64} {
  func.func @_final_body(%arg0: i32, %arg1: memref<2x1000x128xf32, #tpu.memory_space<vmem>>, %arg2: memref<1000x3xf32, #tpu.memory_space<vmem>>, %arg3: memref<3x1000x32xf32, #tpu.memory_space<vmem>>, %arg4: memref<1x16xf32, #tpu.memory_space<vmem>>, %arg5: memref<16x16xf32, #tpu.memory_space<vmem>>, %arg6: memref<32x16xf32, #tpu.memory_space<vmem>>, %arg7: memref<1x16xf32, #tpu.memory_space<vmem>>, %arg8: memref<16x16xf32, #tpu.memory_space<vmem>>, %arg9: memref<32x16xf32, #tpu.memory_space<vmem>>, %arg10: memref<1000x3xf32, #tpu.memory_space<vmem>>) attributes {dimension_semantics = [#tpu.dimension_semantics<arbitrary>], iteration_bounds = array<i64: 10>, scalar_prefetch = 0 : i64, scratch_operands = 0 : i64, tpu.core_type = #tpu.core_type<tc>, window_params = [{transform_indices = @transform_0, window_bounds = array<i64: 2, 1000, 128>}, {transform_indices = @transform_1, window_bounds = array<i64: 1000, 3>}, {transform_indices = @transform_2, window_bounds = array<i64: 3, 1000, 32>}, {pipeline_mode = #tpu.pipeline_mode<synchronous>, transform_indices = @transform_3, window_bounds = array<i64: 1, 16>}, {pipeline_mode = #tpu.pipeline_mode<synchronous>, transform_indices = @transform_4, window_bounds = array<i64: 16, 16>}, {pipeline_mode = #tpu.pipeline_mode<synchronous>, transform_indices = @transform_5, window_bounds = array<i64: 32, 16>}, {pipeline_mode = #tpu.pipeline_mode<synchronous>, transform_indices = @transform_6, window_bounds = array<i64: 1, 16>}, {pipeline_mode = #tpu.pipeline_mode<synchronous>, transform_indices = @transform_7, window_bounds = array<i64: 16, 16>}, {pipeline_mode = #tpu.pipeline_mode<synchronous>, transform_indices = @transform_8, window_bounds = array<i64: 32, 16>}, {transform_indices = @transform_9, window_bounds = array<i64: 1000, 3>}]} {
    %get3A = arith.constant 0 : index
    %get3A_0 = arith.constant 0 : index
    %get3A_1 = arith.constant 0 : index
    %get3A_2 = vector.load %arg1[%get3A, %get3A_0, %get3A_1] : memref<2x1000x128xf32, #tpu.memory_space<vmem>>, vector<1x1000x128xf32>
    %get3A_3 = vector.shape_cast %get3A_2 : vector<1x1000x128xf32> to vector<1000x128xf32>
    %get3A_4 = arith.constant 1 : index
    %get3A_5 = arith.constant 0 : index
    %get3A_6 = arith.constant 0 : index
    %get3A_7 = vector.load %arg1[%get3A_4, %get3A_5, %get3A_6] : memref<2x1000x128xf32, #tpu.memory_space<vmem>>, vector<1x1000x128xf32>
    %get3A_8 = vector.shape_cast %get3A_7 : vector<1x1000x128xf32> to vector<1000x128xf32>
    %add3A = arith.addf %get3A_3, %get3A_8 : vector<1000x128xf32>
    %slice3A = vector.extract_strided_slice %add3A {offsets = [0, 0], sizes = [1000, 16], strides = [1, 1]} : vector<1000x128xf32> to vector<1000x16xf32>
    %add3A_9 = arith.constant 1.000000e-16 : f32
    %add3A_10 = vector.broadcast %add3A_9 : f32 to vector<1000x16xf32>
    %add3A_11 = arith.addf %slice3A, %add3A_10 : vector<1000x16xf32>
    %slice3A_12 = vector.extract_strided_slice %add3A {offsets = [0, 16], sizes = [1000, 16], strides = [1, 1]} : vector<1000x128xf32> to vector<1000x16xf32>
    %div3A = arith.divf %slice3A_12, %add3A_11 : vector<1000x16xf32>
    %get3A_13 = arith.constant 0 : index
    %get3A_14 = arith.constant 0 : index
    %get3A_15 = vector.load %arg2[%get3A_13, %get3A_14] : memref<1000x3xf32, #tpu.memory_space<vmem>>, vector<1000x1xf32>
    %get3A_16 = arith.constant 0 : index
    %get3A_17 = arith.constant 0 : index
    %get3A_18 = arith.constant 0 : index
    %get3A_19 = vector.load %arg3[%get3A_16, %get3A_17, %get3A_18] : memref<3x1000x32xf32, #tpu.memory_space<vmem>>, vector<1x1000x32xf32>
    %get3A_20 = vector.shape_cast %get3A_19 : vector<1x1000x32xf32> to vector<1000x32xf32>
    %get3A_21 = arith.constant 0 : index
    %get3A_22 = arith.constant 0 : index
    %get3A_23 = vector.load %arg4[%get3A_21, %get3A_22] : memref<1x16xf32, #tpu.memory_space<vmem>>, vector<1x16xf32>
    %mul3A = vector.broadcast %get3A_15 : vector<1000x1xf32> to vector<1000x16xf32>
    %mul3A_24 = vector.broadcast %get3A_23 : vector<1x16xf32> to vector<1000x16xf32>
    %mul3A_25 = arith.mulf %mul3A, %mul3A_24 : vector<1000x16xf32>
    %get3A_26 = arith.constant 0 : index
    %get3A_27 = arith.constant 0 : index
    %get3A_28 = vector.load %arg5[%get3A_26, %get3A_27] : memref<16x16xf32, #tpu.memory_space<vmem>>, vector<16x16xf32>
    %dot_general3A = arith.constant dense<0.000000e+00> : vector<1000x16xf32>
    %dot_general3A_29 = tpu.matmul %div3A, %get3A_28, %dot_general3A {dimension_numbers = #tpu.dot_dimension_numbers<[1], [0], [0], [1], [0, 0, 1, 1], [], []>, transpose_lhs_hint = false} : vector<1000x16xf32>, vector<16x16xf32>, vector<1000x16xf32> -> vector<1000x16xf32>
    %add3A_30 = arith.addf %mul3A_25, %dot_general3A_29 : vector<1000x16xf32>
    %get3A_31 = arith.constant 0 : index
    %get3A_32 = arith.constant 0 : index
    %get3A_33 = vector.load %arg6[%get3A_31, %get3A_32] : memref<32x16xf32, #tpu.memory_space<vmem>>, vector<32x16xf32>
    %dot_general3A_34 = arith.constant dense<0.000000e+00> : vector<1000x16xf32>
    %dot_general3A_35 = tpu.matmul %get3A_20, %get3A_33, %dot_general3A_34 {dimension_numbers = #tpu.dot_dimension_numbers<[1], [0], [0], [1], [0, 0, 1, 1], [], []>, transpose_lhs_hint = false} : vector<1000x32xf32>, vector<32x16xf32>, vector<1000x16xf32> -> vector<1000x16xf32>
    %add3A_36 = arith.addf %add3A_30, %dot_general3A_35 : vector<1000x16xf32>
    %get3A_37 = arith.constant 0 : index
    %get3A_38 = arith.constant 0 : index
    %get3A_39 = vector.load %arg7[%get3A_37, %get3A_38] : memref<1x16xf32, #tpu.memory_space<vmem>>, vector<1x16xf32>
    %mul3A_40 = vector.broadcast %get3A_15 : vector<1000x1xf32> to vector<1000x16xf32>
    %mul3A_41 = vector.broadcast %get3A_39 : vector<1x16xf32> to vector<1000x16xf32>
    %mul3A_42 = arith.mulf %mul3A_40, %mul3A_41 : vector<1000x16xf32>
    %get3A_43 = arith.constant 0 : index
    %get3A_44 = arith.constant 0 : index
    %get3A_45 = vector.load %arg8[%get3A_43, %get3A_44] : memref<16x16xf32, #tpu.memory_space<vmem>>, vector<16x16xf32>
    %dot_general3A_46 = arith.constant dense<0.000000e+00> : vector<1000x16xf32>
    %dot_general3A_47 = tpu.matmul %div3A, %get3A_45, %dot_general3A_46 {dimension_numbers = #tpu.dot_dimension_numbers<[1], [0], [0], [1], [0, 0, 1, 1], [], []>, transpose_lhs_hint = false} : vector<1000x16xf32>, vector<16x16xf32>, vector<1000x16xf32> -> vector<1000x16xf32>
    %add3A_48 = arith.addf %mul3A_42, %dot_general3A_47 : vector<1000x16xf32>
    %get3A_49 = arith.constant 0 : index
    %get3A_50 = arith.constant 0 : index
    %get3A_51 = vector.load %arg9[%get3A_49, %get3A_50] : memref<32x16xf32, #tpu.memory_space<vmem>>, vector<32x16xf32>
    %dot_general3A_52 = arith.constant dense<0.000000e+00> : vector<1000x16xf32>
    %dot_general3A_53 = tpu.matmul %get3A_20, %get3A_51, %dot_general3A_52 {dimension_numbers = #tpu.dot_dimension_numbers<[1], [0], [0], [1], [0, 0, 1, 1], [], []>, transpose_lhs_hint = false} : vector<1000x32xf32>, vector<32x16xf32>, vector<1000x16xf32> -> vector<1000x16xf32>
    %add3A_54 = arith.addf %add3A_48, %dot_general3A_53 : vector<1000x16xf32>
    %slice3A_55 = vector.extract_strided_slice %add3A {offsets = [0, 32], sizes = [1000, 16], strides = [1, 1]} : vector<1000x128xf32> to vector<1000x16xf32>
    %div3A_56 = arith.divf %slice3A_55, %add3A_11 : vector<1000x16xf32>
    %get3A_57 = arith.constant 0 : index
    %get3A_58 = arith.constant 1 : index
    %get3A_59 = vector.load %arg2[%get3A_57, %get3A_58] : memref<1000x3xf32, #tpu.memory_space<vmem>>, vector<1000x1xf32>
    %get3A_60 = arith.constant 1 : index
    %get3A_61 = arith.constant 0 : index
    %get3A_62 = arith.constant 0 : index
    %get3A_63 = vector.load %arg3[%get3A_60, %get3A_61, %get3A_62] : memref<3x1000x32xf32, #tpu.memory_space<vmem>>, vector<1x1000x32xf32>
    %get3A_64 = vector.shape_cast %get3A_63 : vector<1x1000x32xf32> to vector<1000x32xf32>
    %get3A_65 = arith.constant 0 : index
    %get3A_66 = arith.constant 0 : index
    %get3A_67 = vector.load %arg4[%get3A_65, %get3A_66] : memref<1x16xf32, #tpu.memory_space<vmem>>, vector<1x16xf32>
    %mul3A_68 = vector.broadcast %get3A_59 : vector<1000x1xf32> to vector<1000x16xf32>
    %mul3A_69 = vector.broadcast %get3A_67 : vector<1x16xf32> to vector<1000x16xf32>
    %mul3A_70 = arith.mulf %mul3A_68, %mul3A_69 : vector<1000x16xf32>
    %get3A_71 = arith.constant 0 : index
    %get3A_72 = arith.constant 0 : index
    %get3A_73 = vector.load %arg5[%get3A_71, %get3A_72] : memref<16x16xf32, #tpu.memory_space<vmem>>, vector<16x16xf32>
    %dot_general3A_74 = arith.constant dense<0.000000e+00> : vector<1000x16xf32>
    %dot_general3A_75 = tpu.matmul %div3A_56, %get3A_73, %dot_general3A_74 {dimension_numbers = #tpu.dot_dimension_numbers<[1], [0], [0], [1], [0, 0, 1, 1], [], []>, transpose_lhs_hint = false} : vector<1000x16xf32>, vector<16x16xf32>, vector<1000x16xf32> -> vector<1000x16xf32>
    %add3A_76 = arith.addf %mul3A_70, %dot_general3A_75 : vector<1000x16xf32>
    %get3A_77 = arith.constant 0 : index
    %get3A_78 = arith.constant 0 : index
    %get3A_79 = vector.load %arg6[%get3A_77, %get3A_78] : memref<32x16xf32, #tpu.memory_space<vmem>>, vector<32x16xf32>
    %dot_general3A_80 = arith.constant dense<0.000000e+00> : vector<1000x16xf32>
    %dot_general3A_81 = tpu.matmul %get3A_64, %get3A_79, %dot_general3A_80 {dimension_numbers = #tpu.dot_dimension_numbers<[1], [0], [0], [1], [0, 0, 1, 1], [], []>, transpose_lhs_hint = false} : vector<1000x32xf32>, vector<32x16xf32>, vector<1000x16xf32> -> vector<1000x16xf32>
    %add3A_82 = arith.addf %add3A_76, %dot_general3A_81 : vector<1000x16xf32>
    %get3A_83 = arith.constant 0 : index
    %get3A_84 = arith.constant 0 : index
    %get3A_85 = vector.load %arg7[%get3A_83, %get3A_84] : memref<1x16xf32, #tpu.memory_space<vmem>>, vector<1x16xf32>
    %mul3A_86 = vector.broadcast %get3A_59 : vector<1000x1xf32> to vector<1000x16xf32>
    %mul3A_87 = vector.broadcast %get3A_85 : vector<1x16xf32> to vector<1000x16xf32>
    %mul3A_88 = arith.mulf %mul3A_86, %mul3A_87 : vector<1000x16xf32>
    %get3A_89 = arith.constant 0 : index
    %get3A_90 = arith.constant 0 : index
    %get3A_91 = vector.load %arg8[%get3A_89, %get3A_90] : memref<16x16xf32, #tpu.memory_space<vmem>>, vector<16x16xf32>
    %dot_general3A_92 = arith.constant dense<0.000000e+00> : vector<1000x16xf32>
    %dot_general3A_93 = tpu.matmul %div3A_56, %get3A_91, %dot_general3A_92 {dimension_numbers = #tpu.dot_dimension_numbers<[1], [0], [0], [1], [0, 0, 1, 1], [], []>, transpose_lhs_hint = false} : vector<1000x16xf32>, vector<16x16xf32>, vector<1000x16xf32> -> vector<1000x16xf32>
    %add3A_94 = arith.addf %mul3A_88, %dot_general3A_93 : vector<1000x16xf32>
    %get3A_95 = arith.constant 0 : index
    %get3A_96 = arith.constant 0 : index
    %get3A_97 = vector.load %arg9[%get3A_95, %get3A_96] : memref<32x16xf32, #tpu.memory_space<vmem>>, vector<32x16xf32>
    %dot_general3A_98 = arith.constant dense<0.000000e+00> : vector<1000x16xf32>
    %dot_general3A_99 = tpu.matmul %get3A_64, %get3A_97, %dot_general3A_98 {dimension_numbers = #tpu.dot_dimension_numbers<[1], [0], [0], [1], [0, 0, 1, 1], [], []>, transpose_lhs_hint = false} : vector<1000x32xf32>, vector<32x16xf32>, vector<1000x16xf32> -> vector<1000x16xf32>
    %add3A_100 = arith.addf %add3A_94, %dot_general3A_99 : vector<1000x16xf32>
    %slice3A_101 = vector.extract_strided_slice %add3A {offsets = [0, 48], sizes = [1000, 16], strides = [1, 1]} : vector<1000x128xf32> to vector<1000x16xf32>
    %div3A_102 = arith.divf %slice3A_101, %add3A_11 : vector<1000x16xf32>
    %get3A_103 = arith.constant 0 : index
    %get3A_104 = arith.constant 2 : index
    %get3A_105 = vector.load %arg2[%get3A_103, %get3A_104] : memref<1000x3xf32, #tpu.memory_space<vmem>>, vector<1000x1xf32>
    %get3A_106 = arith.constant 2 : index
    %get3A_107 = arith.constant 0 : index
    %get3A_108 = arith.constant 0 : index
    %get3A_109 = vector.load %arg3[%get3A_106, %get3A_107, %get3A_108] : memref<3x1000x32xf32, #tpu.memory_space<vmem>>, vector<1x1000x32xf32>
    %get3A_110 = vector.shape_cast %get3A_109 : vector<1x1000x32xf32> to vector<1000x32xf32>
    %get3A_111 = arith.constant 0 : index
    %get3A_112 = arith.constant 0 : index
    %get3A_113 = vector.load %arg4[%get3A_111, %get3A_112] : memref<1x16xf32, #tpu.memory_space<vmem>>, vector<1x16xf32>
    %mul3A_114 = vector.broadcast %get3A_105 : vector<1000x1xf32> to vector<1000x16xf32>
    %mul3A_115 = vector.broadcast %get3A_113 : vector<1x16xf32> to vector<1000x16xf32>
    %mul3A_116 = arith.mulf %mul3A_114, %mul3A_115 : vector<1000x16xf32>
    %get3A_117 = arith.constant 0 : index
    %get3A_118 = arith.constant 0 : index
    %get3A_119 = vector.load %arg5[%get3A_117, %get3A_118] : memref<16x16xf32, #tpu.memory_space<vmem>>, vector<16x16xf32>
    %dot_general3A_120 = arith.constant dense<0.000000e+00> : vector<1000x16xf32>
    %dot_general3A_121 = tpu.matmul %div3A_102, %get3A_119, %dot_general3A_120 {dimension_numbers = #tpu.dot_dimension_numbers<[1], [0], [0], [1], [0, 0, 1, 1], [], []>, transpose_lhs_hint = false} : vector<1000x16xf32>, vector<16x16xf32>, vector<1000x16xf32> -> vector<1000x16xf32>
    %add3A_122 = arith.addf %mul3A_116, %dot_general3A_121 : vector<1000x16xf32>
    %get3A_123 = arith.constant 0 : index
    %get3A_124 = arith.constant 0 : index
    %get3A_125 = vector.load %arg6[%get3A_123, %get3A_124] : memref<32x16xf32, #tpu.memory_space<vmem>>, vector<32x16xf32>
    %dot_general3A_126 = arith.constant dense<0.000000e+00> : vector<1000x16xf32>
    %dot_general3A_127 = tpu.matmul %get3A_110, %get3A_125, %dot_general3A_126 {dimension_numbers = #tpu.dot_dimension_numbers<[1], [0], [0], [1], [0, 0, 1, 1], [], []>, transpose_lhs_hint = false} : vector<1000x32xf32>, vector<32x16xf32>, vector<1000x16xf32> -> vector<1000x16xf32>
    %add3A_128 = arith.addf %add3A_122, %dot_general3A_127 : vector<1000x16xf32>
    %get3A_129 = arith.constant 0 : index
    %get3A_130 = arith.constant 0 : index
    %get3A_131 = vector.load %arg7[%get3A_129, %get3A_130] : memref<1x16xf32, #tpu.memory_space<vmem>>, vector<1x16xf32>
    %mul3A_132 = vector.broadcast %get3A_105 : vector<1000x1xf32> to vector<1000x16xf32>
    %mul3A_133 = vector.broadcast %get3A_131 : vector<1x16xf32> to vector<1000x16xf32>
    %mul3A_134 = arith.mulf %mul3A_132, %mul3A_133 : vector<1000x16xf32>
    %get3A_135 = arith.constant 0 : index
    %get3A_136 = arith.constant 0 : index
    %get3A_137 = vector.load %arg8[%get3A_135, %get3A_136] : memref<16x16xf32, #tpu.memory_space<vmem>>, vector<16x16xf32>
    %dot_general3A_138 = arith.constant dense<0.000000e+00> : vector<1000x16xf32>
    %dot_general3A_139 = tpu.matmul %div3A_102, %get3A_137, %dot_general3A_138 {dimension_numbers = #tpu.dot_dimension_numbers<[1], [0], [0], [1], [0, 0, 1, 1], [], []>, transpose_lhs_hint = false} : vector<1000x16xf32>, vector<16x16xf32>, vector<1000x16xf32> -> vector<1000x16xf32>
    %add3A_140 = arith.addf %mul3A_134, %dot_general3A_139 : vector<1000x16xf32>
    %get3A_141 = arith.constant 0 : index
    %get3A_142 = arith.constant 0 : index
    %get3A_143 = vector.load %arg9[%get3A_141, %get3A_142] : memref<32x16xf32, #tpu.memory_space<vmem>>, vector<32x16xf32>
    %dot_general3A_144 = arith.constant dense<0.000000e+00> : vector<1000x16xf32>
    %dot_general3A_145 = tpu.matmul %get3A_110, %get3A_143, %dot_general3A_144 {dimension_numbers = #tpu.dot_dimension_numbers<[1], [0], [0], [1], [0, 0, 1, 1], [], []>, transpose_lhs_hint = false} : vector<1000x32xf32>, vector<32x16xf32>, vector<1000x16xf32> -> vector<1000x16xf32>
    %add3A_146 = arith.addf %add3A_140, %dot_general3A_145 : vector<1000x16xf32>
    %mul3A_147 = arith.mulf %add3A_36, %add3A_54 : vector<1000x16xf32>
    %mul3A_148 = arith.mulf %add3A_82, %add3A_100 : vector<1000x16xf32>
    %add3A_149 = arith.addf %mul3A_147, %mul3A_148 : vector<1000x16xf32>
    %mul3A_150 = arith.mulf %add3A_128, %add3A_146 : vector<1000x16xf32>
    %add3A_151 = arith.addf %add3A_149, %mul3A_150 : vector<1000x16xf32>
    %mul3A_152 = arith.mulf %add3A_54, %add3A_54 : vector<1000x16xf32>
    %mul3A_153 = arith.mulf %add3A_100, %add3A_100 : vector<1000x16xf32>
    %add3A_154 = arith.addf %mul3A_152, %mul3A_153 : vector<1000x16xf32>
    %mul3A_155 = arith.mulf %add3A_146, %add3A_146 : vector<1000x16xf32>
    %add3A_156 = arith.addf %add3A_154, %mul3A_155 : vector<1000x16xf32>
    %add3A_157 = arith.constant 9.99999997E-7 : f32
    %add3A_158 = vector.broadcast %add3A_157 : f32 to vector<1000x16xf32>
    %add3A_159 = arith.addf %add3A_156, %add3A_158 : vector<1000x16xf32>
    %div3A_160 = arith.divf %add3A_151, %add3A_159 : vector<1000x16xf32>
    %ge3A = arith.constant 0.000000e+00 : f32
    %ge3A_161 = vector.broadcast %ge3A : f32 to vector<1000x16xf32>
    %ge3A_162 = arith.cmpf oge, %add3A_151, %ge3A_161 : vector<1000x16xf32>
    %jit3A = arith.constant 0.000000e+00 : f32
    %jit3A_163 = arith.constant 8.000000e-01 : f32
    %broadcast_in_dim3A = vector.broadcast %jit3A : f32 to vector<1000x16xf32>
    %broadcast_in_dim3A_164 = vector.broadcast %jit3A_163 : f32 to vector<1000x16xf32>
    %select_n3A = arith.select %ge3A_162, %broadcast_in_dim3A, %broadcast_in_dim3A_164 : vector<1000x16xi1>, vector<1000x16xf32>
    %mul3A_165 = arith.mulf %select_n3A, %div3A_160 : vector<1000x16xf32>
    %mul3A_166 = arith.mulf %mul3A_165, %add3A_54 : vector<1000x16xf32>
    %sub3A = arith.subf %add3A_36, %mul3A_166 : vector<1000x16xf32>
    %reduce_sum3A = arith.constant dense<0.000000e+00> : vector<1000xf32>
    %reduce_sum3A_167 = vector.multi_reduction <add>, %div3A, %reduce_sum3A [1] : vector<1000x16xf32> to vector<1000xf32>
    %broadcast_in_dim3A_168 = vector.shape_cast %reduce_sum3A_167 : vector<1000xf32> to vector<1000x1xf32>
    %div3A_169 = arith.constant 1.600000e+01 : f32
    %div3A_170 = vector.broadcast %div3A_169 : f32 to vector<1000x1xf32>
    %div3A_171 = arith.divf %broadcast_in_dim3A_168, %div3A_170 : vector<1000x1xf32>
    %reduce_sum3A_172 = arith.constant dense<0.000000e+00> : vector<1000xf32>
    %reduce_sum3A_173 = vector.multi_reduction <add>, %sub3A, %reduce_sum3A_172 [1] : vector<1000x16xf32> to vector<1000xf32>
    %broadcast_in_dim3A_174 = vector.shape_cast %reduce_sum3A_173 : vector<1000xf32> to vector<1000x1xf32>
    %div3A_175 = arith.constant 1.600000e+01 : f32
    %div3A_176 = vector.broadcast %div3A_175 : f32 to vector<1000x1xf32>
    %div3A_177 = arith.divf %broadcast_in_dim3A_174, %div3A_176 : vector<1000x1xf32>
    %add3A_178 = arith.addf %div3A_171, %div3A_177 : vector<1000x1xf32>
    %mul3A_179 = arith.mulf %select_n3A, %div3A_160 : vector<1000x16xf32>
    %mul3A_180 = arith.mulf %mul3A_179, %add3A_100 : vector<1000x16xf32>
    %sub3A_181 = arith.subf %add3A_82, %mul3A_180 : vector<1000x16xf32>
    %reduce_sum3A_182 = arith.constant dense<0.000000e+00> : vector<1000xf32>
    %reduce_sum3A_183 = vector.multi_reduction <add>, %div3A_56, %reduce_sum3A_182 [1] : vector<1000x16xf32> to vector<1000xf32>
    %broadcast_in_dim3A_184 = vector.shape_cast %reduce_sum3A_183 : vector<1000xf32> to vector<1000x1xf32>
    %div3A_185 = arith.constant 1.600000e+01 : f32
    %div3A_186 = vector.broadcast %div3A_185 : f32 to vector<1000x1xf32>
    %div3A_187 = arith.divf %broadcast_in_dim3A_184, %div3A_186 : vector<1000x1xf32>
    %reduce_sum3A_188 = arith.constant dense<0.000000e+00> : vector<1000xf32>
    %reduce_sum3A_189 = vector.multi_reduction <add>, %sub3A_181, %reduce_sum3A_188 [1] : vector<1000x16xf32> to vector<1000xf32>
    %broadcast_in_dim3A_190 = vector.shape_cast %reduce_sum3A_189 : vector<1000xf32> to vector<1000x1xf32>
    %div3A_191 = arith.constant 1.600000e+01 : f32
    %div3A_192 = vector.broadcast %div3A_191 : f32 to vector<1000x1xf32>
    %div3A_193 = arith.divf %broadcast_in_dim3A_190, %div3A_192 : vector<1000x1xf32>
    %add3A_194 = arith.addf %div3A_187, %div3A_193 : vector<1000x1xf32>
    %mul3A_195 = arith.mulf %select_n3A, %div3A_160 : vector<1000x16xf32>
    %mul3A_196 = arith.mulf %mul3A_195, %add3A_146 : vector<1000x16xf32>
    %sub3A_197 = arith.subf %add3A_128, %mul3A_196 : vector<1000x16xf32>
    %reduce_sum3A_198 = arith.constant dense<0.000000e+00> : vector<1000xf32>
    %reduce_sum3A_199 = vector.multi_reduction <add>, %div3A_102, %reduce_sum3A_198 [1] : vector<1000x16xf32> to vector<1000xf32>
    %broadcast_in_dim3A_200 = vector.shape_cast %reduce_sum3A_199 : vector<1000xf32> to vector<1000x1xf32>
    %div3A_201 = arith.constant 1.600000e+01 : f32
    %div3A_202 = vector.broadcast %div3A_201 : f32 to vector<1000x1xf32>
    %div3A_203 = arith.divf %broadcast_in_dim3A_200, %div3A_202 : vector<1000x1xf32>
    %reduce_sum3A_204 = arith.constant dense<0.000000e+00> : vector<1000xf32>
    %reduce_sum3A_205 = vector.multi_reduction <add>, %sub3A_197, %reduce_sum3A_204 [1] : vector<1000x16xf32> to vector<1000xf32>
    %broadcast_in_dim3A_206 = vector.shape_cast %reduce_sum3A_205 : vector<1000xf32> to vector<1000x1xf32>
    %div3A_207 = arith.constant 1.600000e+01 : f32
    %div3A_208 = vector.broadcast %div3A_207 : f32 to vector<1000x1xf32>
    %div3A_209 = arith.divf %broadcast_in_dim3A_206, %div3A_208 : vector<1000x1xf32>
    %add3A_210 = arith.addf %div3A_203, %div3A_209 : vector<1000x1xf32>
    %concatenate3A = tpu.concatenate %add3A_178, %add3A_194, %add3A_210 in 1 : vector<1000x1xf32>, vector<1000x1xf32>, vector<1000x1xf32> -> vector<1000x3xf32>
    %swap3A = arith.constant 0 : index
    %swap3A_211 = arith.constant 0 : index
    %swap3A_212 = vector.load %arg10[%swap3A, %swap3A_211] : memref<1000x3xf32, #tpu.memory_space<vmem>>, vector<1000x3xf32>
    tpu.vector_store %arg10[%swap3A, %swap3A_211], %concatenate3A {strides = array<i32>} : memref<1000x3xf32, #tpu.memory_space<vmem>>, vector<1000x3xf32>,
    return
  }
  func.func @transform_0(%arg0: i32) -> (i32, i32, i32) {
    %c0_i32 = arith.constant 0 : i32
    %c0_i32_0 = arith.constant 0 : i32
    %c0_i32_1 = arith.constant 0 : i32
    return %c0_i32, %arg0, %c0_i32_0 : i32, i32, i32
  }
  func.func @transform_1(%arg0: i32) -> (i32, i32) {
    %c0_i32 = arith.constant 0 : i32
    %c0_i32_0 = arith.constant 0 : i32
    return %arg0, %c0_i32 : i32, i32
  }
  func.func @transform_2(%arg0: i32) -> (i32, i32, i32) {
    %c0_i32 = arith.constant 0 : i32
    %c0_i32_0 = arith.constant 0 : i32
    %c0_i32_1 = arith.constant 0 : i32
    return %c0_i32, %arg0, %c0_i32_0 : i32, i32, i32
  }
  func.func @transform_3(%arg0: i32) -> (i32, i32) {
    %c0_i32 = arith.constant 0 : i32
    %c0_i32_0 = arith.constant 0 : i32
    %c0_i32_1 = arith.constant 0 : i32
    return %c0_i32, %c0_i32_0 : i32, i32
  }
  func.func @transform_4(%arg0: i32) -> (i32, i32) {
    %c0_i32 = arith.constant 0 : i32
    %c0_i32_0 = arith.constant 0 : i32
    %c0_i32_1 = arith.constant 0 : i32
    return %c0_i32, %c0_i32_0 : i32, i32
  }
  func.func @transform_5(%arg0: i32) -> (i32, i32) {
    %c0_i32 = arith.constant 0 : i32
    %c0_i32_0 = arith.constant 0 : i32
    %c0_i32_1 = arith.constant 0 : i32
    return %c0_i32, %c0_i32_0 : i32, i32
  }
  func.func @transform_6(%arg0: i32) -> (i32, i32) {
    %c0_i32 = arith.constant 0 : i32
    %c0_i32_0 = arith.constant 0 : i32
    %c0_i32_1 = arith.constant 0 : i32
    return %c0_i32, %c0_i32_0 : i32, i32
  }
  func.func @transform_7(%arg0: i32) -> (i32, i32) {
    %c0_i32 = arith.constant 0 : i32
    %c0_i32_0 = arith.constant 0 : i32
    %c0_i32_1 = arith.constant 0 : i32
    return %c0_i32, %c0_i32_0 : i32, i32
  }
  func.func @transform_8(%arg0: i32) -> (i32, i32) {
    %c0_i32 = arith.constant 0 : i32
    %c0_i32_0 = arith.constant 0 : i32
    %c0_i32_1 = arith.constant 0 : i32
    return %c0_i32, %c0_i32_0 : i32, i32
  }
  func.func @transform_9(%arg0: i32) -> (i32, i32) {
    %c0_i32 = arith.constant 0 : i32
    %c0_i32_0 = arith.constant 0 : i32
    return %arg0, %c0_i32 : i32, i32
  }
}

</mosaic_0001>

<sc_bundles>
// kernel: kernel.10.cloned.1.call-start
scs
__scs_entry_jumppad:
0x0: {  	(pc) =	sbr.rel $0x88, $3  }
0x1: {  	(tag) =	ssettag $0x0;
	lr =	simm.s32 $0x1  }
0x2: {  	[smem:$0x3F83] =	sst lr;
	_ =	strace $0xD0000000  }
0x3: {  	_ = 	snop  }
0x4: {  	_ = 	snop  }
0x5: {  	_ = 	snop  }
0x6: {  	_ = 	snop  }
0x7: {  	_ = 	snop  }
__scs_overlays_trampoline_lowered:
0x8: {  	[smem:$0x3F92] =	sst s0  }
0x9: {  	[smem:$0x3F93] =	sst s1  }
0xa: {  	[smem:$0x3F94] =	sst s2  }
0xb: {  	[smem:$0x3F95] =	sst s3  }
0xc: {  	[smem:$0x3F96] =	sst s4  }
0xd: {  	[smem:$0x3F97] =	sst s5  }
0xe: {  	[smem:$0x3F98] =	sst s6  }
0xf: {  	[smem:$0x3F99] =	sst s7  }
0x10: {  	[smem:$0x3F9A] =	sst s8  }
0x11: {  	[smem:$0x3F9B] =	sst s9;
	s0 =	simm.s32 @!p0 $0x0  }
0x12: {  	s1 =	sld [smem:$0x3F81];
	s0 =	simm.s32 @p0 $0x1  }
0x13: {  	[smem:$0x3F9C] =	sst s0;
	s0 =	simm.s32 @!p1 $0x0  }
0x14: {  	s2 =	sld [smem:$0x3F80];
	s0 =	simm.s32 @p1 $0x1  }
0x15: {  	[smem:$0x3F9D] =	sst s0;
	s0 =	simm.s32 @!p2 $0x0  }
0x16: {  	s3 =	sld [smem:$0x3FDB];
	s0 =	simm.s32 @p2 $0x1  }
0x17: {  	s4 =	simm.s32 $0x1BF5;
	[smem:$0x3F9F] =	sst s0  }
0x18: {  	s0 =	sld [smem:$0x3F82];
	_ =	swait.ge [sflag:s4], $0x0  }
0x19: {  	s7 =	sld [smem:$0x3F83]  }
0x1a: {  	s8 =	sadd.s32 $0xFFFFE003, lr  }
0x1b: {  	s9 =	sadd.s32 $0xFFFFFEF7, lr;
	s5 =	simm.s32 $0xFFFFFFFF;
	p2 =	slt.u32 s8, $0xFFFFF086  }
0x1c: {  	p1 =	slt.u32 s9, $0xF7A;
	s5 =	simm.s32 @!p2 $0x0  }
0x1d: {  	s5 =	simm.s32 @p1 $0x1;
	p0 =	seq.s32 s7, s2  }
0x1e: {  	s7 =	smul.u32 @!p0 $0xF7A, s2;
	p2 =	seq.s32 @!p0 s5, $0x0  }
0x1f: {  	s9 =	smul.u32 $0xF7A, s1;
	s8 =	simm.s32 @!p0 $0x1BF5;
	p2 =	por !p2, p0  }
0x20: {  	[sflag:s8] =	ssyncset.s32 @!p0 $0xFFFFF086;
	s6 =	sadd.s32 @!p0 s3, s7;
	s7 =	simm.s32 @!p0 $0x108  }
0x21: {  	s3 =	sadd.s32 s3, s9;
	s6 =	sadd.s32 @!p0 $0x88, s6;
	s7 =	simm.s32 @p2 $0x1082  }
0x22: {  	[simem:s7], [sflag:s8] =	dma.local @!p0 [hbm:s6], $0xF7A  }
0x23: {  	s9 =	sor.u32 $0xD0000000, s2;
	s6 =	simm.s32 $0x108;
	_ =	swait.ge @!p0 [sflag:s8], $0x0  }
0x24: {  	s3 =	sadd.s32 $0x88, s3;
	s6 =	simm.s32 @!p1 $0x1082;
	[sflag:s4] =	ssyncset.s32 $0xFFFFF086  }
0x25: {  	[simem:s6], [sflag:s4] =	dma.local [hbm:s3], $0xF7A  }
0x26: {  	[smem:$0x3F83] =	sst s1;
	(tag) =	ssettag s2;
	_ =	strace s9  }
0x27: {  	s1 =	sld [smem:$0x3F93]  }
0x28: {  	s2 =	sld [smem:$0x3F94]  }
0x29: {  	s4 =	sld [smem:$0x3F96]  }
0x2a: {  	p0 =	seq.s32 s5, $0x0;
	s5 =	sld [smem:$0x3F97]  }
0x2b: {  	s6 =	sld [smem:$0x3F98]  }
0x2c: {  	s7 =	sld [smem:$0x3F99]  }
0x2d: {  	s3 =	simm.s32 $0x108;
	s8 =	sld [smem:$0x3F9A]  }
0x2e: {  	s3 =	simm.s32 @!p0 $0x1082;
	s9 =	sld [smem:$0x3F9B]  }
0x2f: {  	lr =	sadd.s32 s0, s3;
	s0 =	sld [smem:$0x3F92]  }
0x30: {  	s3 =	sld [smem:$0x3F95]  }
0x31: {  	[smem:$0x3F9E] =	sst s10  }
0x32: {  	s10 =	sld [smem:$0x3F9C];
	_ =	sdelay $0x3  }
0x33: {  	p0 =	seq.s32 s10, $0x1;
	s10 =	sld [smem:$0x3F9E];
	_ =	sdelay $0x3  }
0x34: {  	[smem:$0x3F9E] =	sst s10  }
0x35: {  	s10 =	sld [smem:$0x3F9D];
	_ =	sdelay $0x3  }
0x36: {  	p1 =	seq.s32 s10, $0x1;
	s10 =	sld [smem:$0x3F9E];
	_ =	sdelay $0x3  }
0x37: {  	[smem:$0x3F9E] =	sst s10  }
0x38: {  	s10 =	sld [smem:$0x3F9F]  }
0x39: {  	_ = 	snop;
	(pc) =	sbr.ind lr, $3  }
0x3a: {  	_ = 	snop  }
0x3b: {  	_ = 	snop  }
0x3c: {  	p2 =	seq.s32 s10, $0x1;
	s10 =	sld [smem:$0x3F9E]  }
0x3d: {  	_ =	shalt  }
0x3e: {  	_ =	shalt  }
0x3f: {  	_ =	shalt  }
0x40: {  	_ =	shalt  }
0x41: {  	_ =	shalt  }
0x42: {  	_ =	shalt  }
0x43: {  	_ =	shalt  }
0x44: {  	_ =	shalt  }
0x45: {  	_ =	shalt  }
0x46: {  	_ =	shalt  }
0x47: {  	_ =	shalt  }
0x48: {  	_ =	shalt  }
0x49: {  	_ =	shalt  }
0x4a: {  	_ =	shalt  }
0x4b: {  	_ =	shalt  }
0x4c: {  	_ =	shalt  }
0x4d: {  	_ =	shalt  }
0x4e: {  	_ =	shalt  }
0x4f: {  	_ =	shalt  }
0x50: {  	_ =	shalt  }
0x51: {  	_ =	shalt  }
0x52: {  	_ =	shalt  }
0x53: {  	_ =	shalt  }
0x54: {  	_ =	shalt  }
0x55: {  	_ =	shalt  }
0x56: {  	_ =	shalt  }
0x57: {  	_ =	shalt  }
0x58: {  	_ =	shalt  }
0x59: {  	_ =	shalt  }
0x5a: {  	_ =	shalt  }
0x5b: {  	_ =	shalt  }
0x5c: {  	_ =	shalt  }
0x5d: {  	_ =	shalt  }
0x5e: {  	_ =	shalt  }
0x5f: {  	_ =	shalt  }
0x60: {  	_ =	shalt  }
0x61: {  	_ =	shalt  }
0x62: {  	_ =	shalt  }
0x63: {  	_ =	shalt  }
0x64: {  	_ =	shalt  }
0x65: {  	_ =	shalt  }
0x66: {  	_ =	shalt  }
0x67: {  	_ =	shalt  }
0x68: {  	_ =	shalt  }
0x69: {  	_ =	shalt  }
0x6a: {  	_ =	shalt  }
0x6b: {  	_ =	shalt  }
0x6c: {  	_ =	shalt  }
0x6d: {  	_ =	shalt  }
0x6e: {  	_ =	shalt  }
0x6f: {  	_ =	shalt  }
0x70: {  	_ =	shalt  }
0x71: {  	_ =	shalt  }
0x72: {  	_ =	shalt  }
0x73: {  	_ =	shalt  }
0x74: {  	_ =	shalt  }
0x75: {  	_ =	shalt  }
0x76: {  	_ =	shalt  }
0x77: {  	_ =	shalt  }
0x78: {  	_ =	shalt  }
0x79: {  	_ =	shalt  }
0x7a: {  	_ =	shalt  }
0x7b: {  	_ =	shalt  }
0x7c: {  	_ =	shalt  }
0x7d: {  	_ =	shalt  }
0x7e: {  	_ =	shalt  }
0x7f: {  	_ =	shalt  }
0x80: {  	_ =	shalt  }
0x81: {  	_ =	shalt  }
0x82: {  	_ =	shalt  }
0x83: {  	_ =	shalt  }
0x84: {  	_ =	shalt  }
0x85: {  	_ =	shalt  }
0x86: {  	_ =	shalt  }
0x87: {  	_ =	shalt  }
.Lfunc_end0:
.L_simem_size_0:
called_computation.1_lowered:
.L_overlay_start_0:
0x88: {  	s2 =	sld [smem:$0x3FD9]  }
0x89: {  	s3 =	sld [smem:$0x3FFE];
	_ =	sdelay $0x1  }
0x8a: {  	s1 =	srdreg.scid  }
0x8b: {  	s0 =	sand.u32 $0x1, s1  }
0x8c: {  	s16 =	sshll.u32 s0, $0xA;
	s2 =	sadd.s32 s3, s2  }
0x8d: {  	s2 =	sadd.s32 s2, s16  }
0x8e: {  	[smem:$0x3FAA] =	sst s2  }
0x8f: {  	_ = 	snop  }
0x90: {  	(tm) =	ssettm $0x1  }
0x91: {  	s17 =	sld [smem:$0x3FFB];
	_ =	sdelay $0x3  }
0x92: {  	_ =	strace s17  }
0x93: {  	s2 =	sld [smem:$0x3FFC];
	_ =	sdelay $0x3  }
0x94: {  	_ =	strace s2  }
0x95: {  	s2 =	sld [smem:$0x3FFD];
	_ =	sdelay $0x3  }
0x96: {  	_ =	strace s2  }
0x97: {  	_ =	strace $0x8FFFFFFF  }
0x98: {  	s18 =	sld [smem:$0x3FDB];
	_ =	sdelay $0x1  }
0x99: {  	s19 =	simm.s32 $_scs_section_size  }
0x9a: {  	s4 =	simm.s32 $_size__tile_overlayer_lowered;
	s5 =	simm.s32 $_tile_overlayer_lowered  }
0x9b: {  	s22 =	simm.s32 $0x1BFF;
	s21 =	sshll.u32 s5, $0x1;
	s2 =	sadd.s32 s19, s18  }
0x9c: {  	s6 =	simm.s32 $0x0;
	s20 =	sshll.u32 s4, $0x1;
	s4 =	sadd.s32 s21, s2  }
0x9d: {  	[timem:s6], [sflag:s22] =	dma.local [hbm:s4], s20  }
0x9e: {  	_ =	swait.ge [sflag:s22], s20  }
0x9f: {  	s3 =	ssub.s32 $0x0, s20;
	[sflag:s22] =	ssyncset.done $0x0  }
0xa0: {  	[sflag:s22] =	ssyncadd.s32 s3;
	_ =	sdelay $0x1  }
0xa1: {  	s23 =	simm.s32 $0x1B8B  }
0xa2: {  	_ =	swait.ge [sflag:s23], $0x1  }
0xa3: {  	[sflag:s23] =	ssyncset.done $0x0  }
0xa4: {  	s25 =	simm.s32 $0x1B8E;
	s24 =	sld [smem:$0x3FFE];
	[sflag:s23] =	ssyncadd.s32 $0xFFFFFFFF  }
0xa5: {  	s26 =	simm.s32 $execute0_lowered;
	[smem:$0x3FD2] =	sst s25  }
0xa6: {  	s4 =	sshll.u32 s26, $0x1;
	_ =	strace $0x80000049;
	[dreg:$0x1] =	wrdreg $0xFFFFFFFF  }
0xa7: {  	s28 =	simm.s32 $_size_execute0_lowered;
	s2 =	sadd.s32 s2, s4;
	[dreg:$0x0] =	wrdreg $0x0  }
0xa8: {  	s4 =	sshll.u32 s28, $0x1;
	[dreg:$0x2] =	wrdreg s2  }
0xa9: {  	[dreg:$0x3] =	wrdreg s4  }
0xaa: {  	[dreg:$0x4] =	wrdreg $0xC0  }
0xab: {  	_ =	task [dreg:s6], $0x5FFFF  }
0xac: {  	[dreg:$0x1] =	wrdreg $0xFFFFFFFF  }
0xad: {  	[dreg:$0x0] =	wrdreg $0x60  }
0xae: {  	[dreg:$0x2] =	wrdreg s24  }
0xaf: {  	[dreg:$0x3] =	wrdreg $0x89800  }
0xb0: {  	[dreg:$0x4] =	wrdreg $0x9  }
0xb1: {  	_ =	task.clear_ibuf [dreg:s6], $0x5FFFF;
	_ =	strace $0x90000049  }
0xb2: {  	s29 =	simm.s32 $0x9;
	_ =	strace $0x8000004B  }
0xb3: {  	_ =	swait.ge [sflag:s29], $0x1  }
0xb4: {  	[sflag:s29] =	ssyncadd.s32 $0xFFFFFFFF  }
0xb5: {  	_ =	strace $0x9000004B  }
0xb6: {  	_ =	sfence  }
0xb7: {  	s30 =	sld [smem:$0x0];
	_ =	sdelay $0x2  }
0xb8: {  	s31 =	sshll.u32 s1, $0xD;
	s1 =	sshrl.u32 s1, $0x2  }
0xb9: {  	s3 =	sand.u32 $0x4000, s31;
	s1 =	sadd.s32 s1, s30  }
0xba: {  	s0 =	sor.u32 s3, s0;
	s1 =	sshll.u32 s1, $0x11  }
0xbb: {  	s0 =	sor.u32 s1, s0  }
0xbc: {  	s0 =	sadd.s32 $0x8F2B, s0  }
0xbd: {  	[sflag:s0] =	ssyncadd.remote.s32 $0x1  }
0xbe: {  	_ =	sfence.sel $0xFFFF  }
0xbf: {  	[dreg:$0x0] =	wrdreg $0xFFFFFFFF;
	(pc) =	sbr.abs _section_cstart, $3  }
0xc0: {  	[dreg:$0x1] =	wrdreg $0xFFFFFFFF  }
0xc1: {  	_ =	task.clear_ibuf [dreg:s6], $0x2FFFF;
	_ =	strace $0x9FFFFFFF  }
0xc2: {  	(tm) =	ssettm $0x7FFFFFFF  }
0xc3: {  	_ =	shalt  }
tec
execute0_lowered:
.L_overlay_start_1:
0x0: {  	(tag) =	ssettag $0x1  }
0x1: {  	s0 =	rddreg [dreg:$0x0]  }
0x2: {  	s1 =	rddreg [dreg:$0x1];
	s2 =	simm.s32 $0x0  }
0x3: {  	s5 =	srdreg.scid;
	s30 =	stileid.u32;
	s28 =	simm.s32 $0x8100  }
0x4: {  	s29 =	simm.s32 $0x8900;
	[smem:$0x7FF] =	sst s2;
	s16 =	smul.u32 $0x4F000, s30  }
0x5: {  	s12 =	sand.u32 $0x1, s5;
	s6 =	sadd.s32 $0x6800, s0;
	s24 =	smul.u32 $0x2780, s30  }
0x6: {  	s7 =	sshll.u32 s30, $0x1;
	s19 =	sshll.u32 s30, $0x6;
	s14 =	smul.u32 $0x4E20, s30  }
0x7: {  	_ =	strace $0x8000004A;
	[dreg:$0x3] =	wrdreg s6;
	s15 =	smul.u32 $0x27800, s12  }
0x8: {  	s9 =	sor.u32 s12, s7;
	s6 =	sor.u32 $0x1C04, s19;
	s19 =	smul.u32 $0x27100, s12  }
0x9: {  	s31 =	simm.s32 $0x0;
	s3 =	sadd.s32 $0x22BDE00, s0;
	s13 =	smul.u32 $0x2710, s9  }
0xa: {  	s4 =	sadd.s32 $0x10A00, s0;
	s8 =	ssub.s32 $0x2, s12;
	s25 =	smul.u32 $0x27100, s9  }
0xb: {  	s17 =	sshrl.u32 s8, $0x1;
	s18 =	sshrl.u32 s16, $0x2;
	s16 =	smul.u32 $0x4E200, s30  }
0xc: {  	s0 =	sadd.s32 s15, s0;
	s10 =	ssub.s32 s8, s17;
	s17 =	sadd.s32 s18, s1  }
0xd: {  	s15 =	smul.u32 $0x2710, s12;
	s20 =	sadd.s32 $0x2700, s13;
	s0 =	sadd.s32 $0x1A800, s0  }
0xe: {  	s9 =	smax.u32 s10, $0x1;
	s10 =	sadd.s32 s3, s25;
	s26 =	sshrl.u32 s13, $0x3  }
0xf: {  	s13 =	sadd.s32 $0x80, s13;
	s17 =	sshrl.u32 s17, $0x3;
	s25 =	simm.s32 $0x8080  }
0x10: {  	s21 =	sshll.u32 s20, $0x4;
	s11 =	sshrl.u32 s20, $0x3;
	s18 =	sshll.u32 s13, $0x4  }
0x11: {  	s20 =	sadd.s32 s15, s14;
	s13 =	sshrl.u32 s13, $0x3;
	s24 =	sadd.s32 s24, s0  }
0x12: {  	s22 =	sadd.s32 s3, s21;
	s23 =	sadd.s32 s4, s11;
	s11 =	sadd.s32 s4, s26  }
0x13: {  	s12 =	sadd.s32 s3, s18;
	s3 =	sadd.s32 s16, s3;
	s14 =	sadd.s32 $0x180, s20  }
0x14: {  	s13 =	sadd.s32 s4, s13;
	s16 =	sadd.s32 $0x100, s20;
	s18 =	simm.s32 $0x4  }
0x15: {  	s20 =	simm.s32 $0x1;
	s21 =	simm.s32 $0x2;
	[dreg:$0x4] =	wrdreg s22  }
0x16: {  	s26 =	simm.s32 $0x3;
	[dreg:$0x5] =	wrdreg s23;
	s3 =	sadd.s32 s19, s3  }
0x17: {  	s30 =	sshrl.u32 s14, $0x3;
	s19 =	simm.s32 $0x8000;
	s22 =	simm.s32 $0x80  }
0x18: {  	s23 =	simm.s32 $0x4000;
	s14 =	sadd.s32 $0x1800, s3;
	s15 =	sadd.s32 s30, s4  }
.LBB2_1:
0x19: {  	s0 =	rddreg [dreg:$0x3]  }
0x1a: {  	[spmem:s17], [sflag:s6] =	dma.local [hbm:s0], $0x2780  }
0x1b: {  	_ =	swait.ge [sflag:s18], $0x2780  }
0x1c: {  	[sflag:s18] =	ssyncset.done $0x0  }
0x1d: {  	[sflag:s18] =	ssyncadd.s32 $0xFFFFD880  }
0x1e: {  	[bflag:$0x0] =	sbarrier.arrive $0xFFFF  }
0x1f: {  	[tilespmem:s2], [sflag:$0x1] =	stream.linear.gather [hbm4b:s10+s2], $0x4000, $0x38;
	[tilespmem:$0x1C580] =	vst v63  }
0x20: {  	_ = 	snop  }
0x21: {  	[tilespmem:s19], [sflag:$0x2] =	stream.linear.gather [hbm4b:s11+s2], $0x80, $0x38;
	[tilespmem:$0x1C580] =	vst v63  }
0x22: {  	_ =	swait.ge [sflag:s20], $0x4000  }
0x23: {  	[sflag:s20] =	ssyncset.done $0x0  }
0x24: {  	[sflag:s20] =	ssyncadd.s32 $0xFFFFC000  }
0x25: {  	_ =	swait.ge [sflag:s21], $0x80  }
0x26: {  	[sflag:s21] =	ssyncset.done $0x0  }
0x27: {  	[sflag:s21] =	ssyncadd.s32 $0xFFFFFF80  }
0x28: {  	[spmem:s1] =	stream.indirect.scatter.add.f32 [tilespmem:s2], [sflag:$0x3], $0x80, s19, s22, $0xb8;
	[tilespmem:$0x1C580] =	vst v63  }
0x29: {  	_ = 	snop  }
0x2a: {  	[tilespmem:s23], [sflag:$0x1] =	stream.linear.gather [hbm4b:s12+s2], $0x4000, $0x38;
	[tilespmem:$0x1C580] =	vst v63  }
0x2b: {  	_ = 	snop  }
0x2c: {  	[tilespmem:s25], [sflag:$0x2] =	stream.linear.gather [hbm4b:s13+s2], $0x80, $0x38;
	[tilespmem:$0x1C580] =	vst v63  }
0x2d: {  	_ =	swait.ge [sflag:s20], $0x4000  }
0x2e: {  	[sflag:s20] =	ssyncset.done $0x0  }
0x2f: {  	[sflag:s20] =	ssyncadd.s32 $0xFFFFC000  }
0x30: {  	_ =	swait.ge [sflag:s21], $0x80  }
0x31: {  	[sflag:s21] =	ssyncset.done $0x0  }
0x32: {  	[sflag:s21] =	ssyncadd.s32 $0xFFFFFF80  }
0x33: {  	[spmem:s1] =	stream.indirect.scatter.add.f32 [tilespmem:s23], [sflag:$0x3], $0x80, s25, s22, $0xb8;
	[tilespmem:$0x1C580] =	vst v63  }
0x34: {  	_ =	swait.ge [sflag:s26], $0x4000  }
0x35: {  	[sflag:s26] =	ssyncset.done $0x0  }
0x36: {  	s5 =	sadd.s32 $0xFFFFF800, s14;
	s3 =	sshrl.u32 s16, $0x3;
	[sflag:s26] =	ssyncadd.s32 $0xFFFFC000  }
0x37: {  	[tilespmem:s2], [sflag:$0x1] =	stream.linear.gather [hbm4b:s5+s2], $0x4000, $0x38;
	[tilespmem:$0x1C580] =	vst v63  }
0x38: {  	s7 =	sadd.s32 s4, s3  }
0x39: {  	[tilespmem:s19], [sflag:$0x2] =	stream.linear.gather [hbm4b:s7+s2], $0x80, $0x38;
	[tilespmem:$0x1C580] =	vst v63  }
0x3a: {  	_ =	swait.ge [sflag:s20], $0x4000  }
0x3b: {  	[sflag:s20] =	ssyncset.done $0x0  }
0x3c: {  	[sflag:s20] =	ssyncadd.s32 $0xFFFFC000  }
0x3d: {  	_ =	swait.ge [sflag:s21], $0x80  }
0x3e: {  	[sflag:s21] =	ssyncset.done $0x0  }
0x3f: {  	[sflag:s21] =	ssyncadd.s32 $0xFFFFFF80  }
0x40: {  	[spmem:s1] =	stream.indirect.scatter.add.f32 [tilespmem:s2], [sflag:$0x3], $0x80, s19, s22, $0xb8;
	[tilespmem:$0x1C580] =	vst v63  }
0x41: {  	_ =	swait.ge [sflag:s26], $0x4000  }
0x42: {  	[sflag:s26] =	ssyncset.done $0x0  }
0x43: {  	[sflag:s26] =	ssyncadd.s32 $0xFFFFC000  }
0x44: {  	[tilespmem:s23], [sflag:$0x1] =	stream.linear.gather [hbm4b:s14+s2], $0x4000, $0x38;
	[tilespmem:$0x1C580] =	vst v63  }
0x45: {  	s8 =	sadd.s32 $0x0, s15  }
0x46: {  	[tilespmem:s25], [sflag:$0x2] =	stream.linear.gather [hbm4b:s8+s2], $0x80, $0x38;
	[tilespmem:$0x1C580] =	vst v63  }
0x47: {  	_ =	swait.ge [sflag:s20], $0x4000  }
0x48: {  	[sflag:s20] =	ssyncset.done $0x0  }
0x49: {  	[sflag:s20] =	ssyncadd.s32 $0xFFFFC000  }
0x4a: {  	_ =	swait.ge [sflag:s21], $0x80  }
0x4b: {  	s30 =	sadd.s32 $0x100, s16;
	[sflag:s21] =	ssyncset.done $0x0  }
0x4c: {  	s0 =	simm.s32 $0x20;
	s3 =	sadd.s32 $0x1000, s14;
	[sflag:s21] =	ssyncadd.s32 $0xFFFFFF80  }
.LBB2_2:
0x4d: {  	[spmem:s1] =	stream.indirect.scatter.add.f32 [tilespmem:s23], [sflag:$0x3], $0x80, s25, s22, $0xb8;
	[tilespmem:$0x1C580] =	vst v63  }
0x4e: {  	s5 =	smov.u32 s0  }
0x4f: {  	p0 =	sne.s32 s0, $0x4A0;
	s0 =	sadd.s32 $0x20, s0;
	_ =	swait.ge [sflag:s26], $0x4000  }
0x50: {  	[sflag:s26] =	ssyncset.done $0x0  }
0x51: {  	s7 =	sadd.s32 $0xFFFFF800, s3;
	s8 =	sshrl.u32 s30, $0x3;
	[sflag:s26] =	ssyncadd.s32 $0xFFFFC000  }
0x52: {  	[tilespmem:s2], [sflag:$0x1] =	stream.linear.gather [hbm4b:s7+s2], $0x4000, $0x38;
	[tilespmem:$0x1C580] =	vst v63  }
0x53: {  	s7 =	sadd.s32 s4, s8  }
0x54: {  	[tilespmem:s19], [sflag:$0x2] =	stream.linear.gather [hbm4b:s7+s2], $0x80, $0x38;
	[tilespmem:$0x1C580] =	vst v63  }
0x55: {  	_ =	swait.ge [sflag:s20], $0x4000  }
0x56: {  	[sflag:s20] =	ssyncset.done $0x0  }
0x57: {  	[sflag:s20] =	ssyncadd.s32 $0xFFFFC000  }
0x58: {  	_ =	swait.ge [sflag:s21], $0x80  }
0x59: {  	[sflag:s21] =	ssyncset.done $0x0  }
0x5a: {  	[sflag:s21] =	ssyncadd.s32 $0xFFFFFF80  }
0x5b: {  	[spmem:s1] =	stream.indirect.scatter.add.f32 [tilespmem:s2], [sflag:$0x3], $0x80, s19, s22, $0xb8;
	[tilespmem:$0x1C580] =	vst v63  }
0x5c: {  	_ =	swait.ge [sflag:s26], $0x4000  }
0x5d: {  	[sflag:s26] =	ssyncset.done $0x0  }
0x5e: {  	[sflag:s26] =	ssyncadd.s32 $0xFFFFC000  }
0x5f: {  	[tilespmem:s23], [sflag:$0x1] =	stream.linear.gather [hbm4b:s3+s2], $0x4000, $0x38;
	[tilespmem:$0x1C580] =	vst v63  }
0x60: {  	s5 =	sadd.s32 s5, s15  }
0x61: {  	[tilespmem:s25], [sflag:$0x2] =	stream.linear.gather [hbm4b:s5+s2], $0x80, $0x38;
	[tilespmem:$0x1C580] =	vst v63  }
0x62: {  	_ =	swait.ge [sflag:s20], $0x4000  }
.Ltmp0:
0x63: {  	[sflag:s20] =	ssyncset.done $0x0;
	(pc) =	sbr.rel @p0 .LBB2_2-.Ltmp0, $4  }
0x64: {  	[sflag:s20] =	ssyncadd.s32 $0xFFFFC000  }
0x65: {  	_ =	swait.ge [sflag:s21], $0x80  }
0x66: {  	[sflag:s21] =	ssyncset.done $0x0  }
0x67: {  	s30 =	sadd.s32 $0x100, s30;
	s3 =	sadd.s32 $0x1000, s3;
	[sflag:s21] =	ssyncadd.s32 $0xFFFFFF80  }
0x68: {  	[spmem:s1] =	stream.indirect.scatter.add.f32 [tilespmem:s23], [sflag:$0x3], $0x80, s25, s22, $0xb8;
	[tilespmem:$0x1C580] =	vst v63  }
0x69: {  	_ =	swait.ge [sflag:s26], $0x4000  }
0x6a: {  	[sflag:s26] =	ssyncset.done $0x0  }
0x6b: {  	[sflag:s26] =	ssyncadd.s32 $0xFFFFC000  }
0x6c: {  	_ =	swait.ge [sflag:s26], $0x4000  }
0x6d: {  	[sflag:s26] =	ssyncset.done $0x0  }
0x6e: {  	s0 =	rddreg [dreg:$0x4];
	[sflag:s26] =	ssyncadd.s32 $0xFFFFC000  }
0x6f: {  	[tilespmem:s28], [sflag:$0x4] =	stream.linear.gather [hbm4b:s0+s2], $0x800, $0x38;
	[tilespmem:$0x1C580] =	vst v63  }
0x70: {  	_ =	swait.ge [sflag:s18], $0x800  }
0x71: {  	[sflag:s18] =	ssyncset.done $0x0  }
0x72: {  	s8 =	rddreg [dreg:$0x5];
	[sflag:s18] =	ssyncadd.s32 $0xFFFFF800  }
0x73: {  	[tilespmem:s29], [sflag:$0x4] =	stream.linear.gather [hbm4b:s8+s2], $0x10, $0x38;
	[tilespmem:$0x1C580] =	vst v63  }
0x74: {  	_ =	swait.ge [sflag:s18], $0x10  }
0x75: {  	[sflag:s18] =	ssyncset.done $0x0  }
0x76: {  	s30 =	simm.s32 $0x10;
	[sflag:s18] =	ssyncadd.s32 $0xFFFFFFF0  }
0x77: {  	[spmem:s1] =	stream.indirect.scatter.add.f32 [tilespmem:s28], [sflag:$0x4], $0x80, s29, s30, $0xb8;
	[tilespmem:$0x1C580] =	vst v63  }
0x78: {  	_ =	swait.ge [sflag:s18], $0x800  }
0x79: {  	s31 =	sadd.s32 $0x1, s31;
	[sflag:s18] =	ssyncset.done $0x0  }
0x7a: {  	p0 =	sne.s32 s31, s9;
	[sflag:s18] =	ssyncadd.s32 $0xFFFFF800  }
.Ltmp1:
0x7b: {  	[bflag:$0x0] =	sbarrier.arrive $0xFFFF;
	(pc) =	sbr.rel @p0 .LBB2_1-.Ltmp1, $4  }
0x7c: {  	[hbm:s24], [sflag:s6] =	dma.local [spmem:s17], $0x2780  }
0x7d: {  	_ =	swait.ge [sflag:s18], $0x2780  }
0x7e: {  	[sflag:s18] =	ssyncset.done $0x0  }
0x7f: {  	[sflag:s18] =	ssyncadd.s32 $0xFFFFD880  }
0x80: {  	_ =	sfence.sel $0x180000  }
0x81: {  	[bflag:$0x0] =	sbarrier.arrive $0xFFFF  }
0x82: {  	_ =	strace $0x9000004A  }
0x83: {  	s0 =	stileid.u32;
	[bflag:$0x2] =	sbarrier.arrive $0xFFFF  }
0x84: {  	p0 =	sne.s32 s0, $0x0;
	s0 =	rddreg [dreg:$0x2]  }
0x85: {  	s0 =	sadd.s32 @!p0 $0x100000, s0  }
0x86: {  	[sflag:s0] =	ssyncadd.tile.s32 @!p0 $0x1;
	_ =	shalt  }
.Lfunc_end2:
_tile_overlayer_lowered:
.L_overlay_start_2:
0x87: {  	(tag) =	ssettag $0x2  }
0x88: {  	s0 =	rddreg [dreg:$0x0];
	s2 =	stileid.u32  }
0x89: {  	s1 =	rddreg [dreg:$0x1];
	p0 =	sne.s32 s2, $0x0  }
0x8a: {  	s3 =	rddreg [dreg:$0x2];
	[bflag:$0x3] =	sbarrier.arrive $0xFFFF;
	s2 =	simm.s32 @!p0 $0x1C04  }
0x8b: {  	[timem:s3], [sflag:s2] =	dma.local @!p0 [hbm:s0], s1  }
0x8c: {  	s0 =	simm.s32 @!p0 $0x4  }
0x8d: {  	_ =	swait.ge @!p0 [sflag:s0], s1  }
0x8e: {  	s1 =	ssub.s32 @!p0 $0x0, s1;
	[sflag:s0] =	ssyncset.done @!p0 $0x0  }
0x8f: {  	[sflag:s0] =	ssyncadd.s32 @!p0 s1  }
0x90: {  	[bflag:$0x3] =	sbarrier.arrive $0xFFFF  }
0x91: {  	_ =	shalt  }

// kernel: kernel.7.cloned.1.call-start
scs
__scs_entry_jumppad:
0x0: {  	(pc) =	sbr.rel $0x88, $3  }
0x1: {  	(tag) =	ssettag $0x0;
	lr =	simm.s32 $0x1  }
0x2: {  	[smem:$0x3F83] =	sst lr;
	_ =	strace $0xD0000000  }
0x3: {  	_ = 	snop  }
0x4: {  	_ = 	snop  }
0x5: {  	_ = 	snop  }
0x6: {  	_ = 	snop  }
0x7: {  	_ = 	snop  }
__scs_overlays_trampoline_lowered:
0x8: {  	[smem:$0x3F92] =	sst s0  }
0x9: {  	[smem:$0x3F93] =	sst s1  }
0xa: {  	[smem:$0x3F94] =	sst s2  }
0xb: {  	[smem:$0x3F95] =	sst s3  }
0xc: {  	[smem:$0x3F96] =	sst s4  }
0xd: {  	[smem:$0x3F97] =	sst s5  }
0xe: {  	[smem:$0x3F98] =	sst s6  }
0xf: {  	[smem:$0x3F99] =	sst s7  }
0x10: {  	[smem:$0x3F9A] =	sst s8  }
0x11: {  	[smem:$0x3F9B] =	sst s9;
	s0 =	simm.s32 @!p0 $0x0  }
0x12: {  	s1 =	sld [smem:$0x3F81];
	s0 =	simm.s32 @p0 $0x1  }
0x13: {  	[smem:$0x3F9C] =	sst s0;
	s0 =	simm.s32 @!p1 $0x0  }
0x14: {  	s2 =	sld [smem:$0x3F80];
	s0 =	simm.s32 @p1 $0x1  }
0x15: {  	[smem:$0x3F9D] =	sst s0;
	s0 =	simm.s32 @!p2 $0x0  }
0x16: {  	s3 =	sld [smem:$0x3FDB];
	s0 =	simm.s32 @p2 $0x1  }
0x17: {  	s4 =	simm.s32 $0x1BF5;
	[smem:$0x3F9F] =	sst s0  }
0x18: {  	s0 =	sld [smem:$0x3F82];
	_ =	swait.ge [sflag:s4], $0x0  }
0x19: {  	s7 =	sld [smem:$0x3F83]  }
0x1a: {  	s8 =	sadd.s32 $0xFFFFE003, lr  }
0x1b: {  	s9 =	sadd.s32 $0xFFFFFEF7, lr;
	s5 =	simm.s32 $0xFFFFFFFF;
	p2 =	slt.u32 s8, $0xFFFFF086  }
0x1c: {  	p1 =	slt.u32 s9, $0xF7A;
	s5 =	simm.s32 @!p2 $0x0  }
0x1d: {  	s5 =	simm.s32 @p1 $0x1;
	p0 =	seq.s32 s7, s2  }
0x1e: {  	s7 =	smul.u32 @!p0 $0xF7A, s2;
	p2 =	seq.s32 @!p0 s5, $0x0  }
0x1f: {  	s9 =	smul.u32 $0xF7A, s1;
	s8 =	simm.s32 @!p0 $0x1BF5;
	p2 =	por !p2, p0  }
0x20: {  	[sflag:s8] =	ssyncset.s32 @!p0 $0xFFFFF086;
	s6 =	sadd.s32 @!p0 s3, s7;
	s7 =	simm.s32 @!p0 $0x108  }
0x21: {  	s3 =	sadd.s32 s3, s9;
	s6 =	sadd.s32 @!p0 $0x88, s6;
	s7 =	simm.s32 @p2 $0x1082  }
0x22: {  	[simem:s7], [sflag:s8] =	dma.local @!p0 [hbm:s6], $0xF7A  }
0x23: {  	s9 =	sor.u32 $0xD0000000, s2;
	s6 =	simm.s32 $0x108;
	_ =	swait.ge @!p0 [sflag:s8], $0x0  }
0x24: {  	s3 =	sadd.s32 $0x88, s3;
	s6 =	simm.s32 @!p1 $0x1082;
	[sflag:s4] =	ssyncset.s32 $0xFFFFF086  }
0x25: {  	[simem:s6], [sflag:s4] =	dma.local [hbm:s3], $0xF7A  }
0x26: {  	[smem:$0x3F83] =	sst s1;
	(tag) =	ssettag s2;
	_ =	strace s9  }
0x27: {  	s1 =	sld [smem:$0x3F93]  }
0x28: {  	s2 =	sld [smem:$0x3F94]  }
0x29: {  	s4 =	sld [smem:$0x3F96]  }
0x2a: {  	p0 =	seq.s32 s5, $0x0;
	s5 =	sld [smem:$0x3F97]  }
0x2b: {  	s6 =	sld [smem:$0x3F98]  }
0x2c: {  	s7 =	sld [smem:$0x3F99]  }
0x2d: {  	s3 =	simm.s32 $0x108;
	s8 =	sld [smem:$0x3F9A]  }
0x2e: {  	s3 =	simm.s32 @!p0 $0x1082;
	s9 =	sld [smem:$0x3F9B]  }
0x2f: {  	lr =	sadd.s32 s0, s3;
	s0 =	sld [smem:$0x3F92]  }
0x30: {  	s3 =	sld [smem:$0x3F95]  }
0x31: {  	[smem:$0x3F9E] =	sst s10  }
0x32: {  	s10 =	sld [smem:$0x3F9C];
	_ =	sdelay $0x3  }
0x33: {  	p0 =	seq.s32 s10, $0x1;
	s10 =	sld [smem:$0x3F9E];
	_ =	sdelay $0x3  }
0x34: {  	[smem:$0x3F9E] =	sst s10  }
0x35: {  	s10 =	sld [smem:$0x3F9D];
	_ =	sdelay $0x3  }
0x36: {  	p1 =	seq.s32 s10, $0x1;
	s10 =	sld [smem:$0x3F9E];
	_ =	sdelay $0x3  }
0x37: {  	[smem:$0x3F9E] =	sst s10  }
0x38: {  	s10 =	sld [smem:$0x3F9F]  }
0x39: {  	_ = 	snop;
	(pc) =	sbr.ind lr, $3  }
0x3a: {  	_ = 	snop  }
0x3b: {  	_ = 	snop  }
0x3c: {  	p2 =	seq.s32 s10, $0x1;
	s10 =	sld [smem:$0x3F9E]  }
0x3d: {  	_ =	shalt  }
0x3e: {  	_ =	shalt  }
0x3f: {  	_ =	shalt  }
0x40: {  	_ =	shalt  }
0x41: {  	_ =	shalt  }
0x42: {  	_ =	shalt  }
0x43: {  	_ =	shalt  }
0x44: {  	_ =	shalt  }
0x45: {  	_ =	shalt  }
0x46: {  	_ =	shalt  }
0x47: {  	_ =	shalt  }
0x48: {  	_ =	shalt  }
0x49: {  	_ =	shalt  }
0x4a: {  	_ =	shalt  }
0x4b: {  	_ =	shalt  }
0x4c: {  	_ =	shalt  }
0x4d: {  	_ =	shalt  }
0x4e: {  	_ =	shalt  }
0x4f: {  	_ =	shalt  }
0x50: {  	_ =	shalt  }
0x51: {  	_ =	shalt  }
0x52: {  	_ =	shalt  }
0x53: {  	_ =	shalt  }
0x54: {  	_ =	shalt  }
0x55: {  	_ =	shalt  }
0x56: {  	_ =	shalt  }
0x57: {  	_ =	shalt  }
0x58: {  	_ =	shalt  }
0x59: {  	_ =	shalt  }
0x5a: {  	_ =	shalt  }
0x5b: {  	_ =	shalt  }
0x5c: {  	_ =	shalt  }
0x5d: {  	_ =	shalt  }
0x5e: {  	_ =	shalt  }
0x5f: {  	_ =	shalt  }
0x60: {  	_ =	shalt  }
0x61: {  	_ =	shalt  }
0x62: {  	_ =	shalt  }
0x63: {  	_ =	shalt  }
0x64: {  	_ =	shalt  }
0x65: {  	_ =	shalt  }
0x66: {  	_ =	shalt  }
0x67: {  	_ =	shalt  }
0x68: {  	_ =	shalt  }
0x69: {  	_ =	shalt  }
0x6a: {  	_ =	shalt  }
0x6b: {  	_ =	shalt  }
0x6c: {  	_ =	shalt  }
0x6d: {  	_ =	shalt  }
0x6e: {  	_ =	shalt  }
0x6f: {  	_ =	shalt  }
0x70: {  	_ =	shalt  }
0x71: {  	_ =	shalt  }
0x72: {  	_ =	shalt  }
0x73: {  	_ =	shalt  }
0x74: {  	_ =	shalt  }
0x75: {  	_ =	shalt  }
0x76: {  	_ =	shalt  }
0x77: {  	_ =	shalt  }
0x78: {  	_ =	shalt  }
0x79: {  	_ =	shalt  }
0x7a: {  	_ =	shalt  }
0x7b: {  	_ =	shalt  }
0x7c: {  	_ =	shalt  }
0x7d: {  	_ =	shalt  }
0x7e: {  	_ =	shalt  }
0x7f: {  	_ =	shalt  }
0x80: {  	_ =	shalt  }
0x81: {  	_ =	shalt  }
0x82: {  	_ =	shalt  }
0x83: {  	_ =	shalt  }
0x84: {  	_ =	shalt  }
0x85: {  	_ =	shalt  }
0x86: {  	_ =	shalt  }
0x87: {  	_ =	shalt  }
.Lfunc_end0:
.L_simem_size_0:
called_computation_lowered:
.L_overlay_start_0:
0x88: {  	s2 =	sld [smem:$0x3FD9]  }
0x89: {  	s3 =	sld [smem:$0x3FFE];
	_ =	sdelay $0x1  }
0x8a: {  	s1 =	srdreg.scid  }
0x8b: {  	s0 =	sand.u32 $0x1, s1  }
0x8c: {  	s16 =	sshll.u32 s0, $0xA;
	s2 =	sadd.s32 s3, s2  }
0x8d: {  	s2 =	sadd.s32 s2, s16  }
0x8e: {  	[smem:$0x3FAA] =	sst s2  }
0x8f: {  	_ = 	snop  }
0x90: {  	(tm) =	ssettm $0x1  }
0x91: {  	s17 =	sld [smem:$0x3FFB];
	_ =	sdelay $0x3  }
0x92: {  	_ =	strace s17  }
0x93: {  	s2 =	sld [smem:$0x3FFC];
	_ =	sdelay $0x3  }
0x94: {  	_ =	strace s2  }
0x95: {  	s2 =	sld [smem:$0x3FFD];
	_ =	sdelay $0x3  }
0x96: {  	_ =	strace s2  }
0x97: {  	_ =	strace $0x8FFFFFFF  }
0x98: {  	s18 =	sld [smem:$0x3FDB];
	_ =	sdelay $0x1  }
0x99: {  	s19 =	simm.s32 $_scs_section_size  }
0x9a: {  	s4 =	simm.s32 $_size__tile_overlayer_lowered;
	s5 =	simm.s32 $_tile_overlayer_lowered  }
0x9b: {  	s22 =	simm.s32 $0x1BFF;
	s21 =	sshll.u32 s5, $0x1;
	s2 =	sadd.s32 s19, s18  }
0x9c: {  	s6 =	simm.s32 $0x0;
	s20 =	sshll.u32 s4, $0x1;
	s4 =	sadd.s32 s21, s2  }
0x9d: {  	[timem:s6], [sflag:s22] =	dma.local [hbm:s4], s20  }
0x9e: {  	_ =	swait.ge [sflag:s22], s20  }
0x9f: {  	s3 =	ssub.s32 $0x0, s20;
	[sflag:s22] =	ssyncset.done $0x0  }
0xa0: {  	[sflag:s22] =	ssyncadd.s32 s3;
	_ =	sdelay $0x1  }
0xa1: {  	s23 =	simm.s32 $0x1B8B  }
0xa2: {  	_ =	swait.ge [sflag:s23], $0x1  }
0xa3: {  	[sflag:s23] =	ssyncset.done $0x0  }
0xa4: {  	s25 =	simm.s32 $0x1B8E;
	s24 =	sld [smem:$0x3FFE];
	[sflag:s23] =	ssyncadd.s32 $0xFFFFFFFF  }
0xa5: {  	s26 =	simm.s32 $execute0_lowered;
	[smem:$0x3FD2] =	sst s25  }
0xa6: {  	s4 =	sshll.u32 s26, $0x1;
	_ =	strace $0x80000046;
	[dreg:$0x1] =	wrdreg $0xFFFFFFFF  }
0xa7: {  	s28 =	simm.s32 $_size_execute0_lowered;
	s2 =	sadd.s32 s2, s4;
	[dreg:$0x0] =	wrdreg $0x0  }
0xa8: {  	s4 =	sshll.u32 s28, $0x1;
	[dreg:$0x2] =	wrdreg s2  }
0xa9: {  	[dreg:$0x3] =	wrdreg s4  }
0xaa: {  	[dreg:$0x4] =	wrdreg $0xC0  }
0xab: {  	_ =	task [dreg:s6], $0x5FFFF  }
0xac: {  	[dreg:$0x1] =	wrdreg $0xFFFFFFFF  }
0xad: {  	[dreg:$0x0] =	wrdreg $0x60  }
0xae: {  	[dreg:$0x2] =	wrdreg s24  }
0xaf: {  	[dreg:$0x3] =	wrdreg $0x9  }
0xb0: {  	_ =	task.clear_ibuf [dreg:s6], $0x4FFFF;
	_ =	strace $0x90000046  }
0xb1: {  	s29 =	simm.s32 $0x9;
	_ =	strace $0x80000048  }
0xb2: {  	_ =	swait.ge [sflag:s29], $0x1  }
0xb3: {  	[sflag:s29] =	ssyncadd.s32 $0xFFFFFFFF  }
0xb4: {  	_ =	strace $0x90000048  }
0xb5: {  	_ =	sfence  }
0xb6: {  	s30 =	sld [smem:$0x0];
	_ =	sdelay $0x2  }
0xb7: {  	s31 =	sshll.u32 s1, $0xD;
	s1 =	sshrl.u32 s1, $0x2  }
0xb8: {  	s3 =	sand.u32 $0x4000, s31;
	s1 =	sadd.s32 s1, s30  }
0xb9: {  	s0 =	sor.u32 s3, s0;
	s1 =	sshll.u32 s1, $0x11  }
0xba: {  	s0 =	sor.u32 s1, s0  }
0xbb: {  	s0 =	sadd.s32 $0x8F2B, s0  }
0xbc: {  	[sflag:s0] =	ssyncadd.remote.s32 $0x1  }
0xbd: {  	_ =	sfence.sel $0xFFFF  }
0xbe: {  	[dreg:$0x0] =	wrdreg $0xFFFFFFFF;
	(pc) =	sbr.abs _section_cstart, $3  }
0xbf: {  	[dreg:$0x1] =	wrdreg $0xFFFFFFFF  }
0xc0: {  	_ =	task.clear_ibuf [dreg:s6], $0x2FFFF;
	_ =	strace $0x9FFFFFFF  }
0xc1: {  	(tm) =	ssettm $0x7FFFFFFF  }
tec
execute0_lowered:
.L_overlay_start_1:
0x0: {  	(tag) =	ssettag $0x1  }
0x1: {  	s0 =	srdreg.scid;
	s10 =	stileid.u32  }
0x2: {  	s1 =	rddreg [dreg:$0x0];
	s2 =	simm.s32 $0x0;
	s18 =	simm.s32 $0x5F00  }
0x3: {  	s19 =	simm.s32 $0x6700;
	s20 =	simm.s32 $0x6F00;
	s22 =	simm.s32 $0x7700  }
0x4: {  	s24 =	simm.s32 $0x7F00;
	s26 =	simm.s32 $0x8700;
	s12 =	simm.s32 $0x9700  }
0x5: {  	s14 =	simm.s32 $0x9F00;
	s28 =	simm.s32 $0x13F00;
	[smem:$0x7FF] =	sst s2  }
0x6: {  	s29 =	simm.s32 $0x14700;
	_ =	strace $0x80000047;
	[dreg:$0x2] =	wrdreg s18  }
0x7: {  	s30 =	simm.s32 $0x18F00;
	s31 =	simm.s32 $0x3;
	[dreg:$0x3] =	wrdreg s19  }
0x8: {  	s0 =	sand.u32 $0x1, s0;
	s3 =	sshll.u32 s10, $0x1;
	[dreg:$0x4] =	wrdreg s20  }
0x9: {  	s4 =	sadd.s32 $0x68A00, s1;
	s23 =	smul.u32 $0x9C400, s10;
	[dreg:$0x5] =	wrdreg s22  }
0xa: {  	s7 =	sadd.s32 $0x8FC00, s1;
	s13 =	smul.u32 $0x4E200, s10;
	[dreg:$0x6] =	wrdreg s24  }
0xb: {  	s3 =	sor.u32 s0, s3;
	s25 =	smul.u32 $0x4E200, s0;
	[dreg:$0x7] =	wrdreg s26  }
0xc: {  	s8 =	ssub.s32 $0x2, s0;
	[dreg:$0x9] =	wrdreg s12;
	s0 =	smul.u32 $0x27100, s0  }
0xd: {  	[dreg:$0xa] =	wrdreg s14;
	s12 =	simm.s32 $0x5;
	s18 =	simm.s32 $0xBF00  }
0xe: {  	s19 =	simm.s32 $0xC700;
	s14 =	simm.s32 $0x4F00;
	[dreg:$0xe] =	wrdreg s18  }
0xf: {  	s20 =	simm.s32 $0xD700;
	s22 =	simm.s32 $0xE700;
	[dreg:$0xf] =	wrdreg s19  }
0x10: {  	s24 =	simm.s32 $0xF700;
	s26 =	simm.s32 $0x10700;
	[dreg:$0x10] =	wrdreg s20  }
0x11: {  	s5 =	smul.u32 $0x2710, s3;
	s3 =	sadd.s32 $0x1A800, s1;
	[dreg:$0x12] =	wrdreg s22  }
0x12: {  	s9 =	sshrl.u32 s8, $0x1;
	s18 =	simm.s32 $0x1;
	[dreg:$0x14] =	wrdreg s24  }
0x13: {  	s19 =	simm.s32 $0x2;
	s20 =	simm.s32 $0xCF00;
	[dreg:$0x16] =	wrdreg s26  }
0x14: {  	s22 =	simm.s32 $0x11700;
	s24 =	simm.s32 $0x12700;
	s26 =	simm.s32 $0x13700  }
0x15: {  	s8 =	ssub.s32 s8, s9;
	s9 =	simm.s32 $0x8F00;
	s6 =	sshrl.u32 s5, $0x3  }
0x16: {  	s5 =	sadd.s32 $0x2700, s5;
	s21 =	smax.u32 s8, $0x1;
	[dreg:$0x8] =	wrdreg s9  }
0x17: {  	s6 =	sadd.s32 s6, s1;
	[dreg:$0x1b] =	wrdreg s21;
	s21 =	simm.s32 $0xDF00  }
0x18: {  	s1 =	sadd.s32 $0xA53C00, s1;
	s15 =	sadd.s32 $0x10A00, s6;
	[dreg:$0x11] =	wrdreg s21  }
0x19: {  	s16 =	sshll.u32 s5, $0x5;
	s6 =	sadd.s32 $0x6C00, s6;
	[dreg:$0x17] =	wrdreg s15  }
0x1a: {  	s5 =	sshll.u32 s5, $0x4;
	s17 =	sadd.s32 s7, s16;
	[dreg:$0x18] =	wrdreg s6  }
0x1b: {  	s5 =	sadd.s32 s1, s5;
	s1 =	sadd.s32 s13, s1;
	[dreg:$0x19] =	wrdreg s17  }
0x1c: {  	s16 =	simm.s32 $0xAF00;
	s21 =	simm.s32 $0x10F00;
	[dreg:$0x1a] =	wrdreg s5  }
0x1d: {  	s6 =	sadd.s32 s23, s7;
	s15 =	simm.s32 $0xA700;
	[dreg:$0xc] =	wrdreg s16  }
0x1e: {  	s0 =	sadd.s32 s0, s1;
	s17 =	simm.s32 $0xB700;
	[dreg:$0xb] =	wrdreg s15  }
0x1f: {  	s16 =	simm.s32 $0x80;
	s23 =	simm.s32 $0xEF00;
	[dreg:$0x1d] =	wrdreg s0  }
0x20: {  	s1 =	simm.s32 $0x4;
	s11 =	sadd.s32 s25, s6;
	[dreg:$0xd] =	wrdreg s17  }
0x21: {  	v2 =	vlaneseq.u32;
	s15 =	simm.s32 $0x5700;
	s17 =	simm.s32 $0x14F00;
	[dreg:$0x13] =	wrdreg s23  }
0x22: {  	vm0 =	vmmov $0xffff;
	v1 =	vshrl.u32 v2, $0x3;
	s25 =	simm.s32 $0xFF00;
	s23 =	simm.s32 $0x11F00;
	[dreg:$0x1c] =	wrdreg s11  }
0x23: {  	v0 =	vand.u32 $0x7, v2;
	v2 =	vor.u32 $0x8, v2;
	v1 =	vmul.u32 $0x8, v1;
	s0 =	simm.s32 $0x0;
	[dreg:$0x15] =	wrdreg s25;
	s25 =	simm.s32 $0x12F00  }
.LBB2_1:
0x24: {  	s5 =	rddreg [dreg:$0x17]  }
0x25: {  	[tilespmem:s2], [sflag:$0x5] =	stream.linear.gather [hbm4b:s5+s2], $0x2710, $0x38;
	[tilespmem:$0x1CF00] =	vst v63  }
0x26: {  	_ =	swait.ge [sflag:s12], $0x2710  }
0x27: {  	[sflag:s12] =	ssyncset.done $0x0  }
0x28: {  	s6 =	simm.s32 $0x2780;
	s13 =	rddreg [dreg:$0x18];
	[sflag:s12] =	ssyncadd.s32 $0xFFFFD8F0  }
0x29: {  	[tilespmem:s6], [sflag:$0x5] =	stream.linear.gather [hbm4b:s13+s2], $0x2710, $0x38;
	[tilespmem:$0x1CF00] =	vst v63  }
0x2a: {  	_ =	swait.ge [sflag:s12], $0x2710  }
0x2b: {  	[sflag:s12] =	ssyncset.done $0x0;
	s11 =	rddreg [dreg:$0x1d]  }
0x2c: {  	s6 =	simm.s32 $0x0;
	s10 =	rddreg [dreg:$0x1c];
	[sflag:s12] =	ssyncadd.s32 $0xFFFFD8F0  }
.LBB2_2:
0x2d: {  	p0 =	seq.s32 s6, $0x0  }
0x2e: {  	s8 =	simm.s32 @!p0 $0x3  }
0x2f: {  	_ =	swait.ge @!p0 [sflag:s8], $0x8000  }
0x30: {  	[sflag:s8] =	ssyncset.done @!p0 $0x0  }
0x31: {  	s9 =	simm.s32 @!p0 $0x4;
	[sflag:s8] =	ssyncadd.s32 @!p0 $0xFFFF8000  }
0x32: {  	_ =	swait.ge @!p0 [sflag:s9], $0x4000  }
0x33: {  	[sflag:s9] =	ssyncset.done @!p0 $0x0  }
0x34: {  	s7 =	sshra.s32 s6, $0x2;
	[sflag:s9] =	ssyncadd.s32 @!p0 $0xFFFFC000  }
0x35: {  	v3 =	vld [tilespmem:s7+$0x0];
	_ =	sdelay $0x4  }
0x36: {  	v4 =	vshll.u32 v3, $0x1  }
0x37: {  	v3 =	vand.u32 $0x7, v3;
	v4 =	vand.u32 $0xFFFFFFF0, v4  }
0x38: {  	v3 =	vor.u32 v3, v4  }
0x39: {  	v4 =	vperm.xlane v3, v0;
	_ =	sdelay $0x1  }
0x3a: {  	v3 =	vperm.xlane v3, v2;
	v4 =	vadd.s32 v1, v4;
	_ =	sdelay $0x1  }
0x3b: {  	v3 =	vadd.s32 v1, v3;
	_ =	sdelay $0x2  }
0x3c: {  	[tilespmem:s14], [sflag:$0x1] =	stream.indirect_vreg.gather [hbm4b:s3+s2], $0x80, v4, vm0, $0xb8;
	[tilespmem:$0x1CF00] =	vst v63  }
0x3d: {  	_ = 	snop  }
0x3e: {  	[tilespmem:s15], [sflag:$0x1] =	stream.indirect_vreg.gather [hbm4b:s3+s2], $0x80, v3, vm0, $0xb8;
	[tilespmem:$0x1CF00] =	vst v63  }
0x3f: {  	v3 =	vld [tilespmem:s7+$0x10];
	_ =	sdelay $0x4  }
0x40: {  	v49 =	vshll.u32 v3, $0x1  }
0x41: {  	v3 =	vand.u32 $0x7, v3;
	v4 =	vand.u32 $0xFFFFFFF0, v49  }
0x42: {  	v3 =	vor.u32 v3, v4  }
0x43: {  	v4 =	vperm.xlane v3, v0;
	_ =	sdelay $0x1  }
0x44: {  	v3 =	vperm.xlane v3, v2;
	v4 =	vadd.s32 v1, v4;
	_ =	sdelay $0x1  }
0x45: {  	v3 =	vadd.s32 v1, v3;
	_ =	sdelay $0x1  }
0x46: {  	s5 =	rddreg [dreg:$0x2]  }
0x47: {  	[tilespmem:s5], [sflag:$0x1] =	stream.indirect_vreg.gather [hbm4b:s3+s2], $0x80, v4, vm0, $0xb8;
	[tilespmem:$0x1CF00] =	vst v63  }
0x48: {  	s13 =	rddreg [dreg:$0x3]  }
0x49: {  	[tilespmem:s13], [sflag:$0x1] =	stream.indirect_vreg.gather [hbm4b:s3+s2], $0x80, v3, vm0, $0xb8;
	[tilespmem:$0x1CF00] =	vst v63  }
0x4a: {  	v3 =	vld [tilespmem:s7+$0x20];
	_ =	sdelay $0x4  }
0x4b: {  	v50 =	vshll.u32 v3, $0x1  }
0x4c: {  	v3 =	vand.u32 $0x7, v3;
	v4 =	vand.u32 $0xFFFFFFF0, v50  }
0x4d: {  	v3 =	vor.u32 v3, v4  }
0x4e: {  	v4 =	vperm.xlane v3, v0;
	_ =	sdelay $0x1  }
0x4f: {  	v3 =	vperm.xlane v3, v2;
	v4 =	vadd.s32 v1, v4;
	_ =	sdelay $0x1  }
0x50: {  	v3 =	vadd.s32 v1, v3;
	_ =	sdelay $0x1  }
0x51: {  	s5 =	rddreg [dreg:$0x4]  }
0x52: {  	[tilespmem:s5], [sflag:$0x1] =	stream.indirect_vreg.gather [hbm4b:s3+s2], $0x80, v4, vm0, $0xb8;
	[tilespmem:$0x1CF00] =	vst v63  }
0x53: {  	s13 =	rddreg [dreg:$0x5]  }
0x54: {  	[tilespmem:s13], [sflag:$0x1] =	stream.indirect_vreg.gather [hbm4b:s3+s2], $0x80, v3, vm0, $0xb8;
	[tilespmem:$0x1CF00] =	vst v63  }
0x55: {  	v3 =	vld [tilespmem:s7+$0x30];
	_ =	sdelay $0x4  }
0x56: {  	v51 =	vshll.u32 v3, $0x1  }
0x57: {  	v3 =	vand.u32 $0x7, v3;
	v4 =	vand.u32 $0xFFFFFFF0, v51  }
0x58: {  	v3 =	vor.u32 v3, v4  }
0x59: {  	v4 =	vperm.xlane v3, v0;
	_ =	sdelay $0x1  }
0x5a: {  	v3 =	vperm.xlane v3, v2;
	v4 =	vadd.s32 v1, v4;
	_ =	sdelay $0x1  }
0x5b: {  	v3 =	vadd.s32 v1, v3;
	_ =	sdelay $0x1  }
0x5c: {  	s5 =	rddreg [dreg:$0x6]  }
0x5d: {  	[tilespmem:s5], [sflag:$0x1] =	stream.indirect_vreg.gather [hbm4b:s3+s2], $0x80, v4, vm0, $0xb8;
	[tilespmem:$0x1CF00] =	vst v63  }
0x5e: {  	s13 =	rddreg [dreg:$0x7]  }
0x5f: {  	[tilespmem:s13], [sflag:$0x1] =	stream.indirect_vreg.gather [hbm4b:s3+s2], $0x80, v3, vm0, $0xb8;
	[tilespmem:$0x1CF00] =	vst v63  }
0x60: {  	v3 =	vld [tilespmem:s7+$0x40];
	_ =	sdelay $0x4  }
0x61: {  	v52 =	vshll.u32 v3, $0x1  }
0x62: {  	v3 =	vand.u32 $0x7, v3;
	v4 =	vand.u32 $0xFFFFFFF0, v52  }
0x63: {  	v3 =	vor.u32 v3, v4  }
0x64: {  	v4 =	vperm.xlane v3, v0;
	_ =	sdelay $0x1  }
0x65: {  	v3 =	vperm.xlane v3, v2;
	v4 =	vadd.s32 v1, v4;
	_ =	sdelay $0x1  }
0x66: {  	v3 =	vadd.s32 v1, v3;
	_ =	sdelay $0x1  }
0x67: {  	s5 =	rddreg [dreg:$0x8]  }
0x68: {  	[tilespmem:s5], [sflag:$0x1] =	stream.indirect_vreg.gather [hbm4b:s3+s2], $0x80, v4, vm0, $0xb8;
	[tilespmem:$0x1CF00] =	vst v63  }
0x69: {  	s13 =	rddreg [dreg:$0x9]  }
0x6a: {  	[tilespmem:s13], [sflag:$0x1] =	stream.indirect_vreg.gather [hbm4b:s3+s2], $0x80, v3, vm0, $0xb8;
	[tilespmem:$0x1CF00] =	vst v63  }
0x6b: {  	v3 =	vld [tilespmem:s7+$0x50];
	_ =	sdelay $0x4  }
0x6c: {  	v53 =	vshll.u32 v3, $0x1  }
0x6d: {  	v3 =	vand.u32 $0x7, v3;
	v4 =	vand.u32 $0xFFFFFFF0, v53  }
0x6e: {  	v3 =	vor.u32 v3, v4  }
0x6f: {  	v4 =	vperm.xlane v3, v0;
	_ =	sdelay $0x1  }
0x70: {  	v3 =	vperm.xlane v3, v2;
	v4 =	vadd.s32 v1, v4;
	_ =	sdelay $0x1  }
0x71: {  	v3 =	vadd.s32 v1, v3;
	_ =	sdelay $0x1  }
0x72: {  	s5 =	rddreg [dreg:$0xa]  }
0x73: {  	[tilespmem:s5], [sflag:$0x1] =	stream.indirect_vreg.gather [hbm4b:s3+s2], $0x80, v4, vm0, $0xb8;
	[tilespmem:$0x1CF00] =	vst v63  }
0x74: {  	s13 =	rddreg [dreg:$0xb]  }
0x75: {  	[tilespmem:s13], [sflag:$0x1] =	stream.indirect_vreg.gather [hbm4b:s3+s2], $0x80, v3, vm0, $0xb8;
	[tilespmem:$0x1CF00] =	vst v63  }
0x76: {  	v3 =	vld [tilespmem:s7+$0x60];
	_ =	sdelay $0x4  }
0x77: {  	v54 =	vshll.u32 v3, $0x1  }
0x78: {  	v3 =	vand.u32 $0x7, v3;
	v4 =	vand.u32 $0xFFFFFFF0, v54  }
0x79: {  	v3 =	vor.u32 v3, v4  }
0x7a: {  	v4 =	vperm.xlane v3, v0;
	_ =	sdelay $0x1  }
0x7b: {  	v3 =	vperm.xlane v3, v2;
	v4 =	vadd.s32 v1, v4;
	_ =	sdelay $0x1  }
0x7c: {  	v3 =	vadd.s32 v1, v3;
	_ =	sdelay $0x1  }
0x7d: {  	s5 =	rddreg [dreg:$0xc]  }
0x7e: {  	[tilespmem:s5], [sflag:$0x1] =	stream.indirect_vreg.gather [hbm4b:s3+s2], $0x80, v4, vm0, $0xb8;
	[tilespmem:$0x1CF00] =	vst v63  }
0x7f: {  	s13 =	rddreg [dreg:$0xd]  }
0x80: {  	[tilespmem:s13], [sflag:$0x1] =	stream.indirect_vreg.gather [hbm4b:s3+s2], $0x80, v3, vm0, $0xb8;
	[tilespmem:$0x1CF00] =	vst v63  }
0x81: {  	v3 =	vld [tilespmem:s7+$0x70];
	_ =	sdelay $0x4  }
0x82: {  	v55 =	vshll.u32 v3, $0x1  }
0x83: {  	v3 =	vand.u32 $0x7, v3;
	v4 =	vand.u32 $0xFFFFFFF0, v55  }
0x84: {  	v3 =	vor.u32 v3, v4  }
0x85: {  	v4 =	vperm.xlane v3, v0;
	_ =	sdelay $0x1  }
0x86: {  	v3 =	vperm.xlane v3, v2;
	v4 =	vadd.s32 v1, v4;
	_ =	sdelay $0x1  }
0x87: {  	v3 =	vadd.s32 v1, v3;
	_ =	sdelay $0x1  }
0x88: {  	s5 =	rddreg [dreg:$0xe]  }
0x89: {  	[tilespmem:s5], [sflag:$0x1] =	stream.indirect_vreg.gather [hbm4b:s3+s2], $0x80, v4, vm0, $0xb8;
	[tilespmem:$0x1CF00] =	vst v63  }
0x8a: {  	s13 =	rddreg [dreg:$0xf]  }
0x8b: {  	[tilespmem:s13], [sflag:$0x1] =	stream.indirect_vreg.gather [hbm4b:s3+s2], $0x80, v3, vm0, $0xb8;
	[tilespmem:$0x1CF00] =	vst v63  }
0x8c: {  	s13 =	sadd.s32 $0x2780, s7  }
0x8d: {  	[tilespmem:s17], [sflag:$0x2] =	stream.indirect.gather [hbm4b:s4+s16], $0x80, s13, s16, $0xb8;
	[tilespmem:$0x1CF00] =	vst v63  }
0x8e: {  	_ =	swait.ge [sflag:s18], $0x8000  }
0x8f: {  	[sflag:s18] =	ssyncset.done $0x0  }
0x90: {  	[sflag:s18] =	ssyncadd.s32 $0xFFFF8000  }
0x91: {  	_ =	swait.ge [sflag:s19], $0x4000  }
0x92: {  	[sflag:s19] =	ssyncset.done $0x0  }
0x93: {  	[sflag:s19] =	ssyncadd.s32 $0xFFFFC000  }
0x94: {  	[hbm4b:s10+s2] =	stream.linear.scatter [tilespmem:s14], [sflag:$0x3], $0x8000, $0x38;
	[tilespmem:$0x1CF00] =	vst v63  }
0x95: {  	_ = 	snop  }
0x96: {  	[hbm4b:s11+s2] =	stream.linear.scatter [tilespmem:s17], [sflag:$0x4], $0x4000, $0x38;
	[tilespmem:$0x1CF00] =	vst v63  }
0x97: {  	_ =	swait.ge @!p0 [sflag:s8], $0x8000  }
0x98: {  	[sflag:s8] =	ssyncset.done @!p0 $0x0  }
0x99: {  	[sflag:s8] =	ssyncadd.s32 @!p0 $0xFFFF8000  }
0x9a: {  	_ =	swait.ge @!p0 [sflag:s9], $0x4000  }
0x9b: {  	[sflag:s9] =	ssyncset.done @!p0 $0x0  }
0x9c: {  	[sflag:s9] =	ssyncadd.s32 @!p0 $0xFFFFC000  }
0x9d: {  	v3 =	vld [tilespmem:s7+$0x80];
	_ =	sdelay $0x4  }
0x9e: {  	v56 =	vshll.u32 v3, $0x1  }
0x9f: {  	v3 =	vand.u32 $0x7, v3;
	v4 =	vand.u32 $0xFFFFFFF0, v56  }
0xa0: {  	v3 =	vor.u32 v3, v4  }
0xa1: {  	v4 =	vperm.xlane v3, v0;
	_ =	sdelay $0x1  }
0xa2: {  	v3 =	vperm.xlane v3, v2;
	v4 =	vadd.s32 v1, v4;
	_ =	sdelay $0x1  }
0xa3: {  	v3 =	vadd.s32 v1, v3;
	_ =	sdelay $0x2  }
0xa4: {  	[tilespmem:s20], [sflag:$0x1] =	stream.indirect_vreg.gather [hbm4b:s3+s2], $0x80, v4, vm0, $0xb8;
	[tilespmem:$0x1CF00] =	vst v63  }
0xa5: {  	s8 =	rddreg [dreg:$0x10]  }
0xa6: {  	[tilespmem:s8], [sflag:$0x1] =	stream.indirect_vreg.gather [hbm4b:s3+s2], $0x80, v3, vm0, $0xb8;
	[tilespmem:$0x1CF00] =	vst v63  }
0xa7: {  	v3 =	vld [tilespmem:s7+$0x90];
	_ =	sdelay $0x4  }
0xa8: {  	v57 =	vshll.u32 v3, $0x1  }
0xa9: {  	v3 =	vand.u32 $0x7, v3;
	v4 =	vand.u32 $0xFFFFFFF0, v57  }
0xaa: {  	v3 =	vor.u32 v3, v4  }
0xab: {  	v4 =	vperm.xlane v3, v0;
	_ =	sdelay $0x1  }
0xac: {  	v3 =	vperm.xlane v3, v2;
	v4 =	vadd.s32 v1, v4;
	_ =	sdelay $0x1  }
0xad: {  	v3 =	vadd.s32 v1, v3;
	_ =	sdelay $0x1  }
0xae: {  	s9 =	rddreg [dreg:$0x11]  }
0xaf: {  	[tilespmem:s9], [sflag:$0x1] =	stream.indirect_vreg.gather [hbm4b:s3+s2], $0x80, v4, vm0, $0xb8;
	[tilespmem:$0x1CF00] =	vst v63  }
0xb0: {  	s13 =	rddreg [dreg:$0x12]  }
0xb1: {  	[tilespmem:s13], [sflag:$0x1] =	stream.indirect_vreg.gather [hbm4b:s3+s2], $0x80, v3, vm0, $0xb8;
	[tilespmem:$0x1CF00] =	vst v63  }
0xb2: {  	v3 =	vld [tilespmem:s7+$0xA0];
	_ =	sdelay $0x4  }
0xb3: {  	v58 =	vshll.u32 v3, $0x1  }
0xb4: {  	v3 =	vand.u32 $0x7, v3;
	v4 =	vand.u32 $0xFFFFFFF0, v58  }
0xb5: {  	v3 =	vor.u32 v3, v4  }
0xb6: {  	v4 =	vperm.xlane v3, v0;
	_ =	sdelay $0x1  }
0xb7: {  	v3 =	vperm.xlane v3, v2;
	v4 =	vadd.s32 v1, v4;
	_ =	sdelay $0x1  }
0xb8: {  	v3 =	vadd.s32 v1, v3;
	_ =	sdelay $0x1  }
0xb9: {  	s9 =	rddreg [dreg:$0x13]  }
0xba: {  	[tilespmem:s9], [sflag:$0x1] =	stream.indirect_vreg.gather [hbm4b:s3+s2], $0x80, v4, vm0, $0xb8;
	[tilespmem:$0x1CF00] =	vst v63  }
0xbb: {  	s13 =	rddreg [dreg:$0x14]  }
0xbc: {  	[tilespmem:s13], [sflag:$0x1] =	stream.indirect_vreg.gather [hbm4b:s3+s2], $0x80, v3, vm0, $0xb8;
	[tilespmem:$0x1CF00] =	vst v63  }
0xbd: {  	v3 =	vld [tilespmem:s7+$0xB0];
	_ =	sdelay $0x4  }
0xbe: {  	v59 =	vshll.u32 v3, $0x1  }
0xbf: {  	v3 =	vand.u32 $0x7, v3;
	v4 =	vand.u32 $0xFFFFFFF0, v59  }
0xc0: {  	v3 =	vor.u32 v3, v4  }
0xc1: {  	v4 =	vperm.xlane v3, v0;
	_ =	sdelay $0x1  }
0xc2: {  	v3 =	vperm.xlane v3, v2;
	v4 =	vadd.s32 v1, v4;
	_ =	sdelay $0x1  }
0xc3: {  	v3 =	vadd.s32 v1, v3;
	_ =	sdelay $0x1  }
0xc4: {  	s9 =	rddreg [dreg:$0x15]  }
0xc5: {  	[tilespmem:s9], [sflag:$0x1] =	stream.indirect_vreg.gather [hbm4b:s3+s2], $0x80, v4, vm0, $0xb8;
	[tilespmem:$0x1CF00] =	vst v63  }
0xc6: {  	s13 =	rddreg [dreg:$0x16]  }
0xc7: {  	[tilespmem:s13], [sflag:$0x1] =	stream.indirect_vreg.gather [hbm4b:s3+s2], $0x80, v3, vm0, $0xb8;
	[tilespmem:$0x1CF00] =	vst v63  }
0xc8: {  	v3 =	vld [tilespmem:s7+$0xC0];
	_ =	sdelay $0x4  }
0xc9: {  	v60 =	vshll.u32 v3, $0x1  }
0xca: {  	v3 =	vand.u32 $0x7, v3;
	v4 =	vand.u32 $0xFFFFFFF0, v60  }
0xcb: {  	v3 =	vor.u32 v3, v4  }
0xcc: {  	v4 =	vperm.xlane v3, v0;
	_ =	sdelay $0x1  }
0xcd: {  	v3 =	vperm.xlane v3, v2;
	v4 =	vadd.s32 v1, v4;
	_ =	sdelay $0x1  }
0xce: {  	v3 =	vadd.s32 v1, v3;
	_ =	sdelay $0x2  }
0xcf: {  	[tilespmem:s21], [sflag:$0x1] =	stream.indirect_vreg.gather [hbm4b:s3+s2], $0x80, v4, vm0, $0xb8;
	[tilespmem:$0x1CF00] =	vst v63  }
0xd0: {  	_ = 	snop  }
0xd1: {  	[tilespmem:s22], [sflag:$0x1] =	stream.indirect_vreg.gather [hbm4b:s3+s2], $0x80, v3, vm0, $0xb8;
	[tilespmem:$0x1CF00] =	vst v63  }
0xd2: {  	v3 =	vld [tilespmem:s7+$0xD0];
	_ =	sdelay $0x4  }
0xd3: {  	v61 =	vshll.u32 v3, $0x1  }
0xd4: {  	v3 =	vand.u32 $0x7, v3;
	v4 =	vand.u32 $0xFFFFFFF0, v61  }
0xd5: {  	v3 =	vor.u32 v3, v4  }
0xd6: {  	v4 =	vperm.xlane v3, v0;
	_ =	sdelay $0x1  }
0xd7: {  	v3 =	vperm.xlane v3, v2;
	v4 =	vadd.s32 v1, v4;
	_ =	sdelay $0x1  }
0xd8: {  	v3 =	vadd.s32 v1, v3;
	_ =	sdelay $0x2  }
0xd9: {  	[tilespmem:s23], [sflag:$0x1] =	stream.indirect_vreg.gather [hbm4b:s3+s2], $0x80, v4, vm0, $0xb8;
	[tilespmem:$0x1CF00] =	vst v63  }
0xda: {  	_ = 	snop  }
0xdb: {  	[tilespmem:s24], [sflag:$0x1] =	stream.indirect_vreg.gather [hbm4b:s3+s2], $0x80, v3, vm0, $0xb8;
	[tilespmem:$0x1CF00] =	vst v63  }
0xdc: {  	v3 =	vld [tilespmem:s7+$0xE0];
	_ =	sdelay $0x4  }
0xdd: {  	v62 =	vshll.u32 v3, $0x1  }
0xde: {  	v3 =	vand.u32 $0x7, v3;
	v4 =	vand.u32 $0xFFFFFFF0, v62  }
0xdf: {  	v3 =	vor.u32 v3, v4  }
0xe0: {  	v4 =	vperm.xlane v3, v0;
	_ =	sdelay $0x1  }
0xe1: {  	v3 =	vperm.xlane v3, v2;
	v4 =	vadd.s32 v1, v4;
	_ =	sdelay $0x1  }
0xe2: {  	v3 =	vadd.s32 v1, v3;
	_ =	sdelay $0x2  }
0xe3: {  	[tilespmem:s25], [sflag:$0x1] =	stream.indirect_vreg.gather [hbm4b:s3+s2], $0x80, v4, vm0, $0xb8;
	[tilespmem:$0x1CF00] =	vst v63  }
0xe4: {  	_ = 	snop  }
0xe5: {  	[tilespmem:s26], [sflag:$0x1] =	stream.indirect_vreg.gather [hbm4b:s3+s2], $0x80, v3, vm0, $0xb8;
	[tilespmem:$0x1CF00] =	vst v63  }
0xe6: {  	v3 =	vld [tilespmem:s7+$0xF0];
	_ =	sdelay $0x4  }
0xe7: {  	v63 =	vshll.u32 v3, $0x1  }
0xe8: {  	v3 =	vand.u32 $0x7, v3;
	v4 =	vand.u32 $0xFFFFFFF0, v63  }
0xe9: {  	v3 =	vor.u32 v3, v4  }
0xea: {  	v4 =	vperm.xlane v3, v0;
	_ =	sdelay $0x1  }
0xeb: {  	v3 =	vperm.xlane v3, v2;
	v4 =	vadd.s32 v1, v4;
	_ =	sdelay $0x1  }
0xec: {  	v3 =	vadd.s32 v1, v3;
	_ =	sdelay $0x2  }
0xed: {  	[tilespmem:s28], [sflag:$0x1] =	stream.indirect_vreg.gather [hbm4b:s3+s2], $0x80, v4, vm0, $0xb8;
	[tilespmem:$0x1CF00] =	vst v63  }
0xee: {  	_ = 	snop  }
0xef: {  	[tilespmem:s29], [sflag:$0x1] =	stream.indirect_vreg.gather [hbm4b:s3+s2], $0x80, v3, vm0, $0xb8;
	[tilespmem:$0x1CF00] =	vst v63  }
0xf0: {  	s8 =	sadd.s32 $0x2800, s7  }
0xf1: {  	[tilespmem:s30], [sflag:$0x2] =	stream.indirect.gather [hbm4b:s4+s16], $0x80, s8, s16, $0xb8;
	[tilespmem:$0x1CF00] =	vst v63  }
0xf2: {  	_ =	swait.ge [sflag:s18], $0x8000  }
0xf3: {  	[sflag:s18] =	ssyncset.done $0x0  }
0xf4: {  	s6 =	sadd.s32 $0x400, s6;
	[sflag:s18] =	ssyncadd.s32 $0xFFFF8000  }
0xf5: {  	p0 =	sne.s32 s6, $0x9C00;
	_ =	swait.ge [sflag:s19], $0x4000  }
.Ltmp0:
0xf6: {  	[sflag:s19] =	ssyncset.done $0x0;
	(pc) =	sbr.rel @p0 .LBB2_2-.Ltmp0, $4  }
0xf7: {  	s9 =	sadd.s32 $0x1000, s10;
	[sflag:s19] =	ssyncadd.s32 $0xFFFFC000  }
0xf8: {  	[hbm4b:s9+s2] =	stream.linear.scatter [tilespmem:s20], [sflag:$0x3], $0x8000, $0x38;
	[tilespmem:$0x1CF00] =	vst v63  }
0xf9: {  	s10 =	sadd.s32 $0x2000, s10;
	s13 =	sadd.s32 $0x800, s11;
	s11 =	sadd.s32 $0x1000, s11  }
0xfa: {  	[hbm4b:s13+s2] =	stream.linear.scatter [tilespmem:s30], [sflag:$0x4], $0x4000, $0x38;
	[tilespmem:$0x1CF00] =	vst v63  }
0xfb: {  	_ =	swait.ge [sflag:s31], $0x8000  }
0xfc: {  	[sflag:s31] =	ssyncset.done $0x0  }
0xfd: {  	[sflag:s31] =	ssyncadd.s32 $0xFFFF8000  }
0xfe: {  	_ =	swait.ge [sflag:s1], $0x4000  }
0xff: {  	[sflag:s1] =	ssyncset.done $0x0  }
0x100: {  	[sflag:s1] =	ssyncadd.s32 $0xFFFFC000  }
0x101: {  	_ =	swait.ge [sflag:s31], $0x8000  }
0x102: {  	[sflag:s31] =	ssyncset.done $0x0  }
0x103: {  	[sflag:s31] =	ssyncadd.s32 $0xFFFF8000  }
0x104: {  	_ =	swait.ge [sflag:s1], $0x4000  }
0x105: {  	[sflag:s1] =	ssyncset.done $0x0  }
0x106: {  	[sflag:s1] =	ssyncadd.s32 $0xFFFFC000  }
0x107: {  	v3 =	vld [tilespmem:$0x2700];
	_ =	sdelay $0x4  }
0x108: {  	v4 =	vshll.u32 v3, $0x1  }
0x109: {  	v3 =	vand.u32 $0x7, v3;
	v4 =	vand.u32 $0xFFFFFFF0, v4  }
0x10a: {  	v3 =	vor.u32 v3, v4  }
0x10b: {  	v4 =	vperm.xlane v3, v0;
	_ =	sdelay $0x1  }
0x10c: {  	v3 =	vperm.xlane v3, v2;
	v4 =	vadd.s32 v1, v4;
	_ =	sdelay $0x1  }
0x10d: {  	v3 =	vadd.s32 v1, v3;
	_ =	sdelay $0x2  }
0x10e: {  	[tilespmem:s14], [sflag:$0x1] =	stream.indirect_vreg.gather [hbm4b:s3+s2], $0x80, v4, vm0, $0xb8;
	[tilespmem:$0x1CF00] =	vst v63  }
0x10f: {  	_ = 	snop  }
0x110: {  	[tilespmem:s15], [sflag:$0x1] =	stream.indirect_vreg.gather [hbm4b:s3+s2], $0x80, v3, vm0, $0xb8;
	[tilespmem:$0x1CF00] =	vst v63  }
0x111: {  	s5 =	simm.s32 $0x10;
	s6 =	simm.s32 $0x4E80  }
0x112: {  	[tilespmem:s17], [sflag:$0x2] =	stream.indirect.gather [hbm4b:s4+s5], $0x80, s6, s5, $0xb8;
	[tilespmem:$0x1CF00] =	vst v63  }
0x113: {  	_ =	swait.ge [sflag:s18], $0x1000  }
0x114: {  	[sflag:s18] =	ssyncset.done $0x0  }
0x115: {  	[sflag:s18] =	ssyncadd.s32 $0xFFFFF000  }
0x116: {  	_ =	swait.ge [sflag:s19], $0x800  }
0x117: {  	[sflag:s19] =	ssyncset.done $0x0  }
0x118: {  	s10 =	rddreg [dreg:$0x19];
	[sflag:s19] =	ssyncadd.s32 $0xFFFFF800  }
0x119: {  	[hbm4b:s10+s2] =	stream.linear.scatter [tilespmem:s14], [sflag:$0x5], $0x1000, $0x38;
	[tilespmem:$0x1CF00] =	vst v63  }
0x11a: {  	_ =	swait.ge [sflag:s12], $0x1000  }
0x11b: {  	[sflag:s12] =	ssyncset.done $0x0  }
0x11c: {  	s11 =	rddreg [dreg:$0x1a];
	[sflag:s12] =	ssyncadd.s32 $0xFFFFF000  }
0x11d: {  	[hbm4b:s11+s2] =	stream.linear.scatter [tilespmem:s17], [sflag:$0x5], $0x800, $0x38;
	[tilespmem:$0x1CF00] =	vst v63  }
0x11e: {  	_ =	swait.ge [sflag:s12], $0x800  }
0x11f: {  	s0 =	sadd.s32 $0x1, s0;
	s13 =	rddreg [dreg:$0x1b]  }
0x120: {  	p0 =	sne.s32 s0, s13  }
.Ltmp1:
0x121: {  	_ = 	snop;
	(pc) =	sbr.rel @p0 .LBB2_1-.Ltmp1, $3  }
0x122: {  	_ =	sdelay $0x1  }
0x123: {  	[sflag:s12] =	ssyncset.done $0x0  }
0x124: {  	[sflag:s12] =	ssyncadd.s32 $0xFFFFF800  }
0x125: {  	_ =	sfence.sel $0x180000  }
0x126: {  	[bflag:$0x0] =	sbarrier.arrive $0xFFFF  }
0x127: {  	_ =	strace $0x90000047  }
0x128: {  	s0 =	stileid.u32;
	[bflag:$0x2] =	sbarrier.arrive $0xFFFF  }
0x129: {  	p0 =	sne.s32 s0, $0x0;
	s0 =	rddreg [dreg:$0x1]  }
0x12a: {  	s0 =	sadd.s32 @!p0 $0x100000, s0  }
0x12b: {  	[sflag:s0] =	ssyncadd.tile.s32 @!p0 $0x1;
	_ =	shalt  }
.Lfunc_end2:
_tile_overlayer_lowered:
.L_overlay_start_2:
0x12c: {  	(tag) =	ssettag $0x2  }
0x12d: {  	s0 =	rddreg [dreg:$0x0];
	s2 =	stileid.u32  }
0x12e: {  	s1 =	rddreg [dreg:$0x1];
	p0 =	sne.s32 s2, $0x0  }
0x12f: {  	s3 =	rddreg [dreg:$0x2];
	[bflag:$0x3] =	sbarrier.arrive $0xFFFF;
	s2 =	simm.s32 @!p0 $0x1C05  }
0x130: {  	[timem:s3], [sflag:s2] =	dma.local @!p0 [hbm:s0], s1  }
0x131: {  	s0 =	simm.s32 @!p0 $0x5  }
0x132: {  	_ =	swait.ge @!p0 [sflag:s0], s1  }
0x133: {  	s1 =	ssub.s32 @!p0 $0x0, s1;
	[sflag:s0] =	ssyncset.done @!p0 $0x0  }
0x134: {  	[sflag:s0] =	ssyncadd.s32 @!p0 s1  }
0x135: {  	[bflag:$0x3] =	sbarrier.arrive $0xFFFF  }
0x136: {  	_ =	shalt  }

</sc_bundles>
